<compile_context>
chip_gen: v7x
topology: tpu7x:2x2x1
jax: 0.10.2.dev20260603
libtpu: 0.0.44.dev20260713+nightly
codegen_flags: <defaults>
</compile_context>

<pallas_src>
import functools

import jax
import jax.numpy as jnp
from jax import lax
from jax.experimental import pallas as pl
from jax.experimental.pallas import tpu as pltpu
from jax.experimental.pallas import tpu_sc as plsc

_DIS_NORM = 6.0 * 1.0 * 512.0 / 1000.0
_D = 128
_P = _D * _D * _D
_HALF = _P // 2
_NS = 16
_NC = 2
_CHUNK = _P // _NS
_PP = 2048
_NPIECE = _CHUNK // _PP
_NIT = _PP // 16
_NR = _PP * 4 // 128
_PAD = 8192
_MTOT = _HALF + _PAD
_DUMMY = _HALF
_ZB = _MTOT // _NS // 8


def _mean_offsets(x3):
    nblk = 16
    bp = _P // nblk

    def body(x_ref, o_ref):
        g = pl.program_id(0)

        @pl.when(g == 0)
        def _():
            o_ref[...] = jnp.zeros_like(o_ref)

        s = jnp.sum(x_ref[...], axis=1)
        o_ref[...] += jnp.broadcast_to(s[:, None], o_ref.shape)

        @pl.when(g == nblk - 1)
        def _():
            o_ref[...] = 0.5 - o_ref[...] * (_DIS_NORM / _P)

    return pl.pallas_call(
        body,
        grid=(nblk,),
        in_specs=[pl.BlockSpec((3, bp), lambda g: (0, g))],
        out_specs=pl.BlockSpec((3, 16), lambda g: (0, 0)),
        out_shape=jax.ShapeDtypeStruct((3, 16), jnp.float32),
    )(x3)


def _floorfrac(pos):
    t = pos.astype(jnp.int32)
    tf = t.astype(jnp.float32)
    adj = tf > pos
    fl = t - jnp.where(adj, 1, 0)
    fr = pos - tf + jnp.where(adj, 1.0, 0.0)
    return fl, fr


def _paint(x4, offs):
    mesh = plsc.VectorSubcoreMesh(core_axis_name="c", subcore_axis_name="s")

    @functools.partial(
        pl.kernel,
        out_type=jax.ShapeDtypeStruct((_NC, _HALF), jnp.float32),
        mesh=mesh,
        scratch_types=[
            pltpu.VMEM((3, 16), jnp.float32),
            pltpu.VMEM((2, 4, _PP), jnp.float32),
            pltpu.VMEM((2, _NR, 128), jnp.int32),
            pltpu.VMEM((2, _NR, 128), jnp.float32),
            pltpu.VMEM((_ZB,), jnp.float32),
            pltpu.VMEM_SHARED((_MTOT,), jnp.float32),
            pltpu.SemaphoreType.DMA,
            pltpu.SemaphoreType.DMA,
        ],
    )
    def k(x_hbm, offs_hbm, out_hbm, offs_v, in_buf, idx_buf, val_buf,
          zero_buf, mesh_sh, in_sem, sc_sem):
        c = lax.axis_index("c")
        s = lax.axis_index("s")

        zero16 = jnp.zeros((16,), jnp.float32)

        def zb_body(i, carry):
            zero_buf[pl.ds(i * 16, 16)] = zero16
            return carry

        lax.fori_loop(0, _ZB // 16, zb_body, 0)
        zslice = _MTOT // _NS

        def zcp(i, carry):
            pltpu.sync_copy(zero_buf,
                            mesh_sh.at[pl.ds(s * zslice + i * _ZB, _ZB)])
            return carry

        lax.fori_loop(0, 8, zcp, 0)
        pltpu.sync_copy(offs_hbm, offs_v)
        plsc.subcore_barrier()

        offx = offs_v[0, :]
        offy = offs_v[1, :]
        offz = offs_v[2, :]
        lanes = lax.iota(jnp.int32, 16)
        lanes_f = lanes.astype(jnp.float32)
        ozl = offz + lanes_f
        base0 = s * _CHUNK

        def dma_in(pc, b):
            start = base0 + pc * _PP
            for ch in range(4):
                pltpu.async_copy(x_hbm.at[ch, pl.ds(start, _PP)],
                                 in_buf.at[b, ch], in_sem)

        def wait_in(b):
            for ch in range(4):
                pltpu.make_async_copy(x_hbm.at[ch, pl.ds(0, _PP)],
                                      in_buf.at[b, ch], in_sem).wait()

        def fire_rows(b, r0, nrows):
            def srow(r, c2):
                pltpu.async_copy(val_buf.at[b, r],
                                 mesh_sh.at[idx_buf.at[b, r]],
                                 sc_sem, add=True)
                return c2

            lax.fori_loop(r0, r0 + nrows, srow, 0)

        def wait_rows(nrows):
            def wrow(r, c2):
                pltpu.make_async_copy(val_buf.at[0, 0],
                                      mesh_sh.at[idx_buf.at[0, 0]],
                                      sc_sem).wait()
                return c2

            lax.fori_loop(0, nrows, wrow, 0)

        def piece(pc, b):
            wait_in(b)

            @pl.when(pc + 1 < _NPIECE)
            def _():
                dma_in(pc + 1, 1 - b)

            start = base0 + pc * _PP
            srow0 = s * (_CHUNK // 128) + pc * (_PP // 128)
            gxo = (start >> 14).astype(jnp.float32) + offx

            def subgroup(g, gcarry):
                @plsc.parallel_loop(g * 16, g * 16 + 16, unroll=2)
                def compute(it):
                        dx = in_buf[b, 0, pl.ds(it * 16, 16)]
                        dy = in_buf[b, 1, pl.ds(it * 16, 16)]
                        dz = in_buf[b, 2, pl.ds(it * 16, 16)]
                        va = in_buf[b, 3, pl.ds(it * 16, 16)]
                        gj = ((srow0 + (it >> 3)) & 127).astype(jnp.float32)
                        k0 = (it & 7) * 16
                        px = dx * _DIS_NORM + gxo
                        py = dy * _DIS_NORM + (gj + offy)
                        pz = dz * _DIS_NORM + (ozl + k0.astype(jnp.float32))
                        doff = _DUMMY + ((start + it * 16) & (_PAD // 2 - 1))
                        dummy = doff + lanes
                        ix, fx = _floorfrac(px)
                        iy, fy = _floorfrac(py)
                        iz, fz = _floorfrac(pz)
                        ox = 1.0 - fx
                        oy = 1.0 - fy
                        oz = 1.0 - fz
                        ko = (iz & 1) ^ c
                        kc = iz + ko
                        wz = jnp.where(ko == 0, oz, fz)
                        vw = va * wz
                        mx = (ix.astype(jnp.uint32) < 128,
                              (ix + 1).astype(jnp.uint32) < 128)
                        my = (iy.astype(jnp.uint32) < 128,
                              (iy + 1).astype(jnp.uint32) < 128)
                        mz = kc.astype(jnp.uint32) < 128
                        ax0 = ix * 8192
                        ax = (ax0, ax0 + 8192)
                        by0 = iy * 64 + (kc >> 1)
                        by = (by0, by0 + 64)
                        wx = (ox * vw, fx * vw)
                        wy = (oy, fy)
                        mxz = (mx[0] & mz, mx[1] & mz)
                        for di in range(2):
                            for dj in range(2):
                                w = wx[di] * wy[dj]
                                idx = ax[di] + by[dj]
                                m = mxz[di] & my[dj]
                                idxs = jnp.where(m, idx, dummy)
                                n = di * 2 + dj
                                idx_buf[b, it >> 1,
                                        pl.ds((it & 1) * 64 + n * 16, 16)] = idxs
                                val_buf[b, it >> 1,
                                        pl.ds((it & 1) * 64 + n * 16, 16)] = w

                @pl.when(pc >= 2)
                def _():
                    wait_rows(8)
                fire_rows(b, g * 8, 8)
                return gcarry

            lax.fori_loop(0, _NIT // 16, subgroup, 0)

        dma_in(0, 0)

        def piece_pair(q, carry):
            piece(q * 2, 0)
            piece(q * 2 + 1, 1)
            return carry

        lax.fori_loop(0, _NPIECE // 2, piece_pair, 0)
        wait_rows(2 * _NR)
        plsc.subcore_barrier()

        oslice = _HALF // _NS
        pltpu.sync_copy(mesh_sh.at[pl.ds(s * oslice, oslice)],
                        out_hbm.at[c, pl.ds(s * oslice, oslice)])

    return k(x4, offs)


def kernel(x):
    x4 = x.reshape(4, _P)
    offs = _mean_offsets(x4[:3])
    mesh2 = _paint(x4, offs)
    out = mesh2.reshape(2, _D * _D, _D // 2).transpose(1, 2, 0)
    return out.reshape(1, 1, _D, _D, _D)

# --- scband reference (transcript-rebuilt; emitter-appended) ---
"""Pipeline reference for scband-lag2-eul-82300163326236 (READ-ONLY COPY).

The authoritative reference and input builder live on the scoring server;
editing this copy changes nothing except your own understanding.
"""

import jax, jax.numpy as jnp
import numpy as np

# dis_norm = 6 * D(z=0) * Nmesh / Boxsize; map2map normalizes the linear growth D(0)=1
DIS_NORM = 6.0 * 1.0 * 512.0 / 1000.0


def setup_inputs(seed: int = 0) -> dict:
    key = jax.random.key(seed)
    x = jax.random.normal(key, (1, 4, 128, 128, 128), dtype=jnp.float32)
    return {"x": x}


def _cic_paint(x):
    N, Cin = x.shape[0], x.shape[1]
    D_, H_, W_ = x.shape[2], x.shape[3], x.shape[4]
    # rm_dis_mean=True; torch detaches the mean
    dis_mean = jax.lax.stop_gradient(jnp.mean(x[:, :3], axis=(2, 3, 4), keepdims=True))
    Cout = Cin - 3
    val = x[:, 3:].reshape(N, Cout, -1, 1)
    pos = (x[:, :3] - dis_mean) * DIS_NORm if False else (x[:, :3] - dis_mean) * DIS_NORM
    g0 = jnp.arange(0.5, D_, dtype=x.dtype)[:, None, None]
    g1 = jnp.arange(0.5, H_, dtype=x.dtype)[:, None]
    g2 = jnp.arange(0.5, W_, dtype=x.dtype)
    pos = jnp.stack([pos[:, 0] + g0, pos[:, 1] + g1, pos[:, 2] + g2], axis=1)
    pos = pos.reshape(N, 3, -1, 1)
    intpos = jnp.floor(pos).astype(jnp.int32)
    neighbors = (jnp.arange(8, dtype=jnp.int32) >> jnp.arange(3, dtype=jnp.int32)[:, None, None]) & 1  # (3,1,8)
    tgtpos = intpos + neighbors  # (N,3,P,8)
    kernel = jnp.prod(1.0 - jnp.abs(pos - tgtpos.astype(x.dtype)), axis=1, keepdims=True)  # (N,1,P,8)
    val = val * kernel  # (N,Cout,P,8)
    tgt = tgtpos.reshape(N, 3, -1)
    val = val.reshape(N, Cout, -1)
    bounds = jnp.array([D_, H_, W_], dtype=jnp.int32)[:, None]
    # periodic=False: mask out-of-bounds contributions (zero src + clipped index == dropped)
    mask = jnp.all((tgt >= 0) & (tgt < bounds), axis=1)  # (N, M)
    tclip = jnp.clip(tgt, 0, bounds - 1)
    ind = (tclip[:, 0] * H_ + tclip[:, 1]) * W_ + tclip[:, 2]  # (N, M)
    src = val * mask[:, None, :].astype(val.dtype)
    meshes = []
    for n in range(N):
        m = jnp.zeros((Cout, D_ * H_ * W_), dtype=x.dtype).at[:, ind[n]].add(src[n])
        meshes.append(m.reshape(Cout, D_, H_, W_))
    return jnp.stack(meshes, axis=0)


def reference(x):
    return _cic_paint(x)

if __name__ == "__main__":
    import jax
    _d = setup_inputs()
    print(jax.jit(kernel)(*tuple(_d.values())))

</pallas_src>

<mosaic_0001>
#map = affine_map<(d0, d1) -> (0, 0)>
module attributes {stable_mosaic.version = 14 : i64} {
  func.func @k(%arg0: i32, %arg1: i32, %arg2: memref<4x2097152xf32, #tpu.memory_space<hbm>>, %arg3: memref<3x16xf32, #tpu.memory_space<hbm>>, %arg4: memref<2x1048576xf32, #tpu.memory_space<hbm>>, %arg5: memref<3x16xf32, #tpu.memory_space<vmem>>, %arg6: memref<2x4x2048xf32, #tpu.memory_space<vmem>>, %arg7: memref<2x64x128xi32, #tpu.memory_space<vmem>>, %arg8: memref<2x64x128xf32, #tpu.memory_space<vmem>>, %arg9: memref<8256xf32, #tpu.memory_space<vmem>>, %arg10: memref<1056768xf32, #tpu.memory_space<vmem_shared>>, %arg11: memref<!tpu.dma_semaphore, #tpu.memory_space<semaphore_mem>>, %arg12: memref<!tpu.dma_semaphore, #tpu.memory_space<semaphore_mem>>) attributes {dimension_semantics = [#tpu.dimension_semantics<core_parallel>, #tpu.dimension_semantics<subcore_parallel>], iteration_bounds = array<i64: 2, 16>, scalar_prefetch = 0 : i64, scratch_operands = 8 : i64, tpu.core_type = #tpu.core_type<sc_vector_subcore>, window_params = [{transform_indices = #map}, {transform_indices = #map}, {transform_indices = #map}]} {
    %broadcast_in_dim3A = arith.constant 0.000000e+00 : f32
    %broadcast_in_dim3A_0 = vector.broadcast %broadcast_in_dim3A : f32 to vector<16xf32>
    %scan3A = arith.constant 0 : i32
    %scan3A_1 = arith.constant 0 : i32
    %scan3A_2 = arith.constant 516 : i32
    %scan3A_3 = arith.addi %scan3A_1, %scan3A_2 : i32
    %scan3A_4 = arith.constant 1 : i32
    scf.for %scan3A_97 = %scan3A_1 to %scan3A_3 step %scan3A_4  : i32 {
      %mul3A_98 = arith.constant 16 : i32
      %mul3A_99 = arith.muli %scan3A_97, %mul3A_98 : i32
      %swap3A = arith.index_cast %mul3A_99 : i32 to index
      %swap3A_100 = tpu.vector_load %arg9[%swap3A] {strides = array<i32>} : memref<8256xf32, #tpu.memory_space<vmem>>, vector<16xf32>,
      %swap3A_101 = vector.shape_cast %swap3A_100 : vector<16xf32> to vector<16xf32>
      %swap3A_102 = vector.shape_cast %broadcast_in_dim3A_0 : vector<16xf32> to vector<16xf32>
      tpu.vector_store %arg9[%swap3A], %swap3A_102 {strides = array<i32>} : memref<8256xf32, #tpu.memory_space<vmem>>, vector<16xf32>,
    }
    %scan3A_5 = arith.constant 516 : i32
    %scan3A_6 = arith.constant 0 : i32
    %scan3A_7 = arith.constant 0 : i32
    %scan3A_8 = arith.constant 8 : i32
    %scan3A_9 = arith.addi %scan3A_7, %scan3A_8 : i32
    %scan3A_10 = arith.constant 1 : i32
    scf.for %scan3A_97 = %scan3A_7 to %scan3A_9 step %scan3A_10  : i32 {
      %mul3A_98 = arith.constant 66048 : i32
      %mul3A_99 = arith.muli %arg1, %mul3A_98 : i32
      %mul3A_100 = arith.constant 8256 : i32
      %mul3A_101 = arith.muli %scan3A_97, %mul3A_100 : i32
      %add3A_102 = arith.addi %mul3A_99, %mul3A_101 : i32
      "tpu.region"() ({
        %run_scoped3A = tpu.sem_alloc : memref<!tpu.dma_semaphore, #tpu.memory_space<semaphore_mem>>
        %dma_start3A_103 = tpu.memref_slice %arg10[%add3A_102] : memref<1056768xf32, #tpu.memory_space<vmem_shared>> -> memref<8256xf32, #tpu.memory_space<vmem_shared>>
        %dma_start3A_104 = tpu.memref_slice %arg10[%add3A_102] : memref<1056768xf32, #tpu.memory_space<vmem_shared>> -> memref<8256xf32, #tpu.memory_space<vmem_shared>>
        tpu.enqueue_dma source(%arg9 : memref<8256xf32, #tpu.memory_space<vmem>>) target(%dma_start3A_104 : memref<8256xf32, #tpu.memory_space<vmem_shared>>) target_semaphore(%run_scoped3A : memref<!tpu.dma_semaphore, #tpu.memory_space<semaphore_mem>>)
        %dma_wait3A = tpu.memref_slice %arg10[%add3A_102] : memref<1056768xf32, #tpu.memory_space<vmem_shared>> -> memref<8256xf32, #tpu.memory_space<vmem_shared>>
        %dma_wait3A_105 = tpu.memref_slice %arg10[%add3A_102] : memref<1056768xf32, #tpu.memory_space<vmem_shared>> -> memref<8256xf32, #tpu.memory_space<vmem_shared>>
        tpu.wait_dma2 semaphore(%run_scoped3A : memref<!tpu.dma_semaphore, #tpu.memory_space<semaphore_mem>>) src(%arg9 : memref<8256xf32, #tpu.memory_space<vmem>>) dst(%dma_wait3A_105 : memref<8256xf32, #tpu.memory_space<vmem_shared>>)
        tpu.yield
      }) : () -> ()
    }
    %scan3A_11 = arith.constant 8 : i32
    "tpu.region"() ({
      %run_scoped3A = tpu.sem_alloc : memref<!tpu.dma_semaphore, #tpu.memory_space<semaphore_mem>>
      tpu.enqueue_dma source(%arg3 : memref<3x16xf32, #tpu.memory_space<hbm>>) target(%arg5 : memref<3x16xf32, #tpu.memory_space<vmem>>) target_semaphore(%run_scoped3A : memref<!tpu.dma_semaphore, #tpu.memory_space<semaphore_mem>>)
      tpu.wait_dma2 semaphore(%run_scoped3A : memref<!tpu.dma_semaphore, #tpu.memory_space<semaphore_mem>>) src(%arg3 : memref<3x16xf32, #tpu.memory_space<hbm>>) dst(%arg5 : memref<3x16xf32, #tpu.memory_space<vmem>>)
      tpu.yield
    }) : () -> ()
    %barrier3A = arith.constant 0 : index
    tpu.barrier barrier_id(%barrier3A)
    %get3A = arith.constant 0 : i32
    %get3A_12 = arith.index_cast %get3A : i32 to index
    %get3A_13 = arith.constant 0 : index
    %get3A_14 = tpu.vector_load %arg5[%get3A_12, %get3A_13] {strides = array<i32>} : memref<3x16xf32, #tpu.memory_space<vmem>>, vector<1x16xf32>,
    %get3A_15 = vector.shape_cast %get3A_14 : vector<1x16xf32> to vector<16xf32>
    %get3A_16 = arith.constant 1 : i32
    %get3A_17 = arith.index_cast %get3A_16 : i32 to index
    %get3A_18 = arith.constant 0 : index
    %get3A_19 = tpu.vector_load %arg5[%get3A_17, %get3A_18] {strides = array<i32>} : memref<3x16xf32, #tpu.memory_space<vmem>>, vector<1x16xf32>,
    %get3A_20 = vector.shape_cast %get3A_19 : vector<1x16xf32> to vector<16xf32>
    %get3A_21 = arith.constant 2 : i32
    %get3A_22 = arith.index_cast %get3A_21 : i32 to index
    %get3A_23 = arith.constant 0 : index
    %get3A_24 = tpu.vector_load %arg5[%get3A_22, %get3A_23] {strides = array<i32>} : memref<3x16xf32, #tpu.memory_space<vmem>>, vector<1x16xf32>,
    %get3A_25 = vector.shape_cast %get3A_24 : vector<1x16xf32> to vector<16xf32>
    %iota3A = tpu.iota {dimensions = array<i32: 0>} : vector<16xi32>
    %convert_element_type3A = arith.sitofp %iota3A : vector<16xi32> to vector<16xf32>
    %add3A = arith.addf %get3A_25, %convert_element_type3A : vector<16xf32>
    %mul3A = arith.constant 131072 : i32
    %mul3A_26 = arith.muli %arg1, %mul3A : i32
    %add3A_27 = arith.constant 0 : i32
    %add3A_28 = arith.addi %mul3A_26, %add3A_27 : i32
    %dma_start3A = arith.constant 0 : i32
    %dma_start3A_29 = arith.constant 0 : i32
    %dma_start3A_30 = arith.constant 0 : i32
    %dma_start3A_31 = arith.constant 0 : i32
    %dma_start3A_32 = tpu.memref_slice %arg6[%dma_start3A_29, %dma_start3A_30, %dma_start3A_31] : memref<2x4x2048xf32, #tpu.memory_space<vmem>> -> memref<1x1x2048xf32, #tpu.memory_space<vmem>>
    %dma_start3A_33 = tpu.memref_squeeze %dma_start3A_32 : memref<1x1x2048xf32, #tpu.memory_space<vmem>> -> memref<2048xf32, #tpu.memory_space<vmem>>
    %dma_start3A_34 = tpu.memref_slice %arg2[%dma_start3A, %add3A_28] : memref<4x2097152xf32, #tpu.memory_space<hbm>> -> memref<1x2048xf32, #tpu.memory_space<hbm>>
    %dma_start3A_35 = tpu.memref_squeeze %dma_start3A_34 : memref<1x2048xf32, #tpu.memory_space<hbm>> -> memref<2048xf32, #tpu.memory_space<hbm>>
    %dma_start3A_36 = arith.constant 0 : i32
    %dma_start3A_37 = tpu.memref_slice %arg6[%dma_start3A_29, %dma_start3A_30, %dma_start3A_36] : memref<2x4x2048xf32, #tpu.memory_space<vmem>> -> memref<1x1x2048xf32, #tpu.memory_space<vmem>>
    %dma_start3A_38 = tpu.memref_squeeze %dma_start3A_37 : memref<1x1x2048xf32, #tpu.memory_space<vmem>> -> memref<2048xf32, #tpu.memory_space<vmem>>
    %dma_start3A_39 = tpu.memref_slice %arg2[%dma_start3A, %add3A_28] : memref<4x2097152xf32, #tpu.memory_space<hbm>> -> memref<1x2048xf32, #tpu.memory_space<hbm>>
    %dma_start3A_40 = tpu.memref_squeeze %dma_start3A_39 : memref<1x2048xf32, #tpu.memory_space<hbm>> -> memref<2048xf32, #tpu.memory_space<hbm>>
    tpu.enqueue_dma source(%dma_start3A_40 : memref<2048xf32, #tpu.memory_space<hbm>>) target(%dma_start3A_38 : memref<2048xf32, #tpu.memory_space<vmem>>) target_semaphore(%arg11 : memref<!tpu.dma_semaphore, #tpu.memory_space<semaphore_mem>>)
    %dma_start3A_41 = arith.constant 1 : i32
    %dma_start3A_42 = arith.constant 0 : i32
    %dma_start3A_43 = arith.constant 1 : i32
    %dma_start3A_44 = arith.constant 0 : i32
    %dma_start3A_45 = tpu.memref_slice %arg6[%dma_start3A_42, %dma_start3A_43, %dma_start3A_44] : memref<2x4x2048xf32, #tpu.memory_space<vmem>> -> memref<1x1x2048xf32, #tpu.memory_space<vmem>>
    %dma_start3A_46 = tpu.memref_squeeze %dma_start3A_45 : memref<1x1x2048xf32, #tpu.memory_space<vmem>> -> memref<2048xf32, #tpu.memory_space<vmem>>
    %dma_start3A_47 = tpu.memref_slice %arg2[%dma_start3A_41, %add3A_28] : memref<4x2097152xf32, #tpu.memory_space<hbm>> -> memref<1x2048xf32, #tpu.memory_space<hbm>>
    %dma_start3A_48 = tpu.memref_squeeze %dma_start3A_47 : memref<1x2048xf32, #tpu.memory_space<hbm>> -> memref<2048xf32, #tpu.memory_space<hbm>>
    %dma_start3A_49 = arith.constant 0 : i32
    %dma_start3A_50 = tpu.memref_slice %arg6[%dma_start3A_42, %dma_start3A_43, %dma_start3A_49] : memref<2x4x2048xf32, #tpu.memory_space<vmem>> -> memref<1x1x2048xf32, #tpu.memory_space<vmem>>
    %dma_start3A_51 = tpu.memref_squeeze %dma_start3A_50 : memref<1x1x2048xf32, #tpu.memory_space<vmem>> -> memref<2048xf32, #tpu.memory_space<vmem>>
    %dma_start3A_52 = tpu.memref_slice %arg2[%dma_start3A_41, %add3A_28] : memref<4x2097152xf32, #tpu.memory_space<hbm>> -> memref<1x2048xf32, #tpu.memory_space<hbm>>
    %dma_start3A_53 = tpu.memref_squeeze %dma_start3A_52 : memref<1x2048xf32, #tpu.memory_space<hbm>> -> memref<2048xf32, #tpu.memory_space<hbm>>
    tpu.enqueue_dma source(%dma_start3A_53 : memref<2048xf32, #tpu.memory_space<hbm>>) target(%dma_start3A_51 : memref<2048xf32, #tpu.memory_space<vmem>>) target_semaphore(%arg11 : memref<!tpu.dma_semaphore, #tpu.memory_space<semaphore_mem>>)
    %dma_start3A_54 = arith.constant 2 : i32
    %dma_start3A_55 = arith.constant 0 : i32
    %dma_start3A_56 = arith.constant 2 : i32
    %dma_start3A_57 = arith.constant 0 : i32
    %dma_start3A_58 = tpu.memref_slice %arg6[%dma_start3A_55, %dma_start3A_56, %dma_start3A_57] : memref<2x4x2048xf32, #tpu.memory_space<vmem>> -> memref<1x1x2048xf32, #tpu.memory_space<vmem>>
    %dma_start3A_59 = tpu.memref_squeeze %dma_start3A_58 : memref<1x1x2048xf32, #tpu.memory_space<vmem>> -> memref<2048xf32, #tpu.memory_space<vmem>>
    %dma_start3A_60 = tpu.memref_slice %arg2[%dma_start3A_54, %add3A_28] : memref<4x2097152xf32, #tpu.memory_space<hbm>> -> memref<1x2048xf32, #tpu.memory_space<hbm>>
    %dma_start3A_61 = tpu.memref_squeeze %dma_start3A_60 : memref<1x2048xf32, #tpu.memory_space<hbm>> -> memref<2048xf32, #tpu.memory_space<hbm>>
    %dma_start3A_62 = arith.constant 0 : i32
    %dma_start3A_63 = tpu.memref_slice %arg6[%dma_start3A_55, %dma_start3A_56, %dma_start3A_62] : memref<2x4x2048xf32, #tpu.memory_space<vmem>> -> memref<1x1x2048xf32, #tpu.memory_space<vmem>>
    %dma_start3A_64 = tpu.memref_squeeze %dma_start3A_63 : memref<1x1x2048xf32, #tpu.memory_space<vmem>> -> memref<2048xf32, #tpu.memory_space<vmem>>
    %dma_start3A_65 = tpu.memref_slice %arg2[%dma_start3A_54, %add3A_28] : memref<4x2097152xf32, #tpu.memory_space<hbm>> -> memref<1x2048xf32, #tpu.memory_space<hbm>>
    %dma_start3A_66 = tpu.memref_squeeze %dma_start3A_65 : memref<1x2048xf32, #tpu.memory_space<hbm>> -> memref<2048xf32, #tpu.memory_space<hbm>>
    tpu.enqueue_dma source(%dma_start3A_66 : memref<2048xf32, #tpu.memory_space<hbm>>) target(%dma_start3A_64 : memref<2048xf32, #tpu.memory_space<vmem>>) target_semaphore(%arg11 : memref<!tpu.dma_semaphore, #tpu.memory_space<semaphore_mem>>)
    %dma_start3A_67 = arith.constant 3 : i32
    %dma_start3A_68 = arith.constant 0 : i32
    %dma_start3A_69 = arith.constant 3 : i32
    %dma_start3A_70 = arith.constant 0 : i32
    %dma_start3A_71 = tpu.memref_slice %arg6[%dma_start3A_68, %dma_start3A_69, %dma_start3A_70] : memref<2x4x2048xf32, #tpu.memory_space<vmem>> -> memref<1x1x2048xf32, #tpu.memory_space<vmem>>
    %dma_start3A_72 = tpu.memref_squeeze %dma_start3A_71 : memref<1x1x2048xf32, #tpu.memory_space<vmem>> -> memref<2048xf32, #tpu.memory_space<vmem>>
    %dma_start3A_73 = tpu.memref_slice %arg2[%dma_start3A_67, %add3A_28] : memref<4x2097152xf32, #tpu.memory_space<hbm>> -> memref<1x2048xf32, #tpu.memory_space<hbm>>
    %dma_start3A_74 = tpu.memref_squeeze %dma_start3A_73 : memref<1x2048xf32, #tpu.memory_space<hbm>> -> memref<2048xf32, #tpu.memory_space<hbm>>
    %dma_start3A_75 = arith.constant 0 : i32
    %dma_start3A_76 = tpu.memref_slice %arg6[%dma_start3A_68, %dma_start3A_69, %dma_start3A_75] : memref<2x4x2048xf32, #tpu.memory_space<vmem>> -> memref<1x1x2048xf32, #tpu.memory_space<vmem>>
    %dma_start3A_77 = tpu.memref_squeeze %dma_start3A_76 : memref<1x1x2048xf32, #tpu.memory_space<vmem>> -> memref<2048xf32, #tpu.memory_space<vmem>>
    %dma_start3A_78 = tpu.memref_slice %arg2[%dma_start3A_67, %add3A_28] : memref<4x2097152xf32, #tpu.memory_space<hbm>> -> memref<1x2048xf32, #tpu.memory_space<hbm>>
    %dma_start3A_79 = tpu.memref_squeeze %dma_start3A_78 : memref<1x2048xf32, #tpu.memory_space<hbm>> -> memref<2048xf32, #tpu.memory_space<hbm>>
    tpu.enqueue_dma source(%dma_start3A_79 : memref<2048xf32, #tpu.memory_space<hbm>>) target(%dma_start3A_77 : memref<2048xf32, #tpu.memory_space<vmem>>) target_semaphore(%arg11 : memref<!tpu.dma_semaphore, #tpu.memory_space<semaphore_mem>>)
    %scan3A_80 = arith.constant 0 : i32
    %scan3A_81 = arith.constant 0 : i32
    %scan3A_82 = arith.constant 32 : i32
    %scan3A_83 = arith.addi %scan3A_81, %scan3A_82 : i32
    %scan3A_84 = arith.constant 1 : i32
    scf.for %scan3A_97 = %scan3A_81 to %scan3A_83 step %scan3A_84  : i32 {
      %mul3A_98 = arith.constant 2 : i32
      %mul3A_99 = arith.muli %scan3A_97, %mul3A_98 : i32
      %dma_wait3A = arith.constant 0 : i32
      %dma_wait3A_100 = arith.constant 0 : i32
      %dma_wait3A_101 = arith.constant 0 : i32
      %dma_wait3A_102 = arith.constant 0 : i32
      %dma_wait3A_103 = tpu.memref_slice %arg6[%dma_wait3A_100, %dma_wait3A_101, %dma_wait3A_102] : memref<2x4x2048xf32, #tpu.memory_space<vmem>> -> memref<1x1x2048xf32, #tpu.memory_space<vmem>>
      %dma_wait3A_104 = tpu.memref_squeeze %dma_wait3A_103 : memref<1x1x2048xf32, #tpu.memory_space<vmem>> -> memref<2048xf32, #tpu.memory_space<vmem>>
      %dma_wait3A_105 = arith.constant 0 : i32
      %dma_wait3A_106 = tpu.memref_slice %arg2[%dma_wait3A, %dma_wait3A_105] : memref<4x2097152xf32, #tpu.memory_space<hbm>> -> memref<1x2048xf32, #tpu.memory_space<hbm>>
      %dma_wait3A_107 = tpu.memref_squeeze %dma_wait3A_106 : memref<1x2048xf32, #tpu.memory_space<hbm>> -> memref<2048xf32, #tpu.memory_space<hbm>>
      %dma_wait3A_108 = arith.constant 0 : i32
      %dma_wait3A_109 = tpu.memref_slice %arg6[%dma_wait3A_100, %dma_wait3A_101, %dma_wait3A_108] : memref<2x4x2048xf32, #tpu.memory_space<vmem>> -> memref<1x1x2048xf32, #tpu.memory_space<vmem>>
      %dma_wait3A_110 = tpu.memref_squeeze %dma_wait3A_109 : memref<1x1x2048xf32, #tpu.memory_space<vmem>> -> memref<2048xf32, #tpu.memory_space<vmem>>
      %dma_wait3A_111 = arith.constant 0 : i32
      %dma_wait3A_112 = tpu.memref_slice %arg2[%dma_wait3A, %dma_wait3A_111] : memref<4x2097152xf32, #tpu.memory_space<hbm>> -> memref<1x2048xf32, #tpu.memory_space<hbm>>
      %dma_wait3A_113 = tpu.memref_squeeze %dma_wait3A_112 : memref<1x2048xf32, #tpu.memory_space<hbm>> -> memref<2048xf32, #tpu.memory_space<hbm>>
      tpu.wait_dma2 semaphore(%arg11 : memref<!tpu.dma_semaphore, #tpu.memory_space<semaphore_mem>>) src(%dma_wait3A_113 : memref<2048xf32, #tpu.memory_space<hbm>>) dst(%dma_wait3A_110 : memref<2048xf32, #tpu.memory_space<vmem>>)
      %dma_wait3A_114 = arith.constant 1 : i32
      %dma_wait3A_115 = arith.constant 0 : i32
      %dma_wait3A_116 = arith.constant 1 : i32
      %dma_wait3A_117 = arith.constant 0 : i32
      %dma_wait3A_118 = tpu.memref_slice %arg6[%dma_wait3A_115, %dma_wait3A_116, %dma_wait3A_117] : memref<2x4x2048xf32, #tpu.memory_space<vmem>> -> memref<1x1x2048xf32, #tpu.memory_space<vmem>>
      %dma_wait3A_119 = tpu.memref_squeeze %dma_wait3A_118 : memref<1x1x2048xf32, #tpu.memory_space<vmem>> -> memref<2048xf32, #tpu.memory_space<vmem>>
      %dma_wait3A_120 = arith.constant 0 : i32
      %dma_wait3A_121 = tpu.memref_slice %arg2[%dma_wait3A_114, %dma_wait3A_120] : memref<4x2097152xf32, #tpu.memory_space<hbm>> -> memref<1x2048xf32, #tpu.memory_space<hbm>>
      %dma_wait3A_122 = tpu.memref_squeeze %dma_wait3A_121 : memref<1x2048xf32, #tpu.memory_space<hbm>> -> memref<2048xf32, #tpu.memory_space<hbm>>
      %dma_wait3A_123 = arith.constant 0 : i32
      %dma_wait3A_124 = tpu.memref_slice %arg6[%dma_wait3A_115, %dma_wait3A_116, %dma_wait3A_123] : memref<2x4x2048xf32, #tpu.memory_space<vmem>> -> memref<1x1x2048xf32, #tpu.memory_space<vmem>>
      %dma_wait3A_125 = tpu.memref_squeeze %dma_wait3A_124 : memref<1x1x2048xf32, #tpu.memory_space<vmem>> -> memref<2048xf32, #tpu.memory_space<vmem>>
      %dma_wait3A_126 = arith.constant 0 : i32
      %dma_wait3A_127 = tpu.memref_slice %arg2[%dma_wait3A_114, %dma_wait3A_126] : memref<4x2097152xf32, #tpu.memory_space<hbm>> -> memref<1x2048xf32, #tpu.memory_space<hbm>>
      %dma_wait3A_128 = tpu.memref_squeeze %dma_wait3A_127 : memref<1x2048xf32, #tpu.memory_space<hbm>> -> memref<2048xf32, #tpu.memory_space<hbm>>
      tpu.wait_dma2 semaphore(%arg11 : memref<!tpu.dma_semaphore, #tpu.memory_space<semaphore_mem>>) src(%dma_wait3A_128 : memref<2048xf32, #tpu.memory_space<hbm>>) dst(%dma_wait3A_125 : memref<2048xf32, #tpu.memory_space<vmem>>)
      %dma_wait3A_129 = arith.constant 2 : i32
      %dma_wait3A_130 = arith.constant 0 : i32
      %dma_wait3A_131 = arith.constant 2 : i32
      %dma_wait3A_132 = arith.constant 0 : i32
      %dma_wait3A_133 = tpu.memref_slice %arg6[%dma_wait3A_130, %dma_wait3A_131, %dma_wait3A_132] : memref<2x4x2048xf32, #tpu.memory_space<vmem>> -> memref<1x1x2048xf32, #tpu.memory_space<vmem>>
      %dma_wait3A_134 = tpu.memref_squeeze %dma_wait3A_133 : memref<1x1x2048xf32, #tpu.memory_space<vmem>> -> memref<2048xf32, #tpu.memory_space<vmem>>
      %dma_wait3A_135 = arith.constant 0 : i32
      %dma_wait3A_136 = tpu.memref_slice %arg2[%dma_wait3A_129, %dma_wait3A_135] : memref<4x2097152xf32, #tpu.memory_space<hbm>> -> memref<1x2048xf32, #tpu.memory_space<hbm>>
      %dma_wait3A_137 = tpu.memref_squeeze %dma_wait3A_136 : memref<1x2048xf32, #tpu.memory_space<hbm>> -> memref<2048xf32, #tpu.memory_space<hbm>>
      %dma_wait3A_138 = arith.constant 0 : i32
      %dma_wait3A_139 = tpu.memref_slice %arg6[%dma_wait3A_130, %dma_wait3A_131, %dma_wait3A_138] : memref<2x4x2048xf32, #tpu.memory_space<vmem>> -> memref<1x1x2048xf32, #tpu.memory_space<vmem>>
      %dma_wait3A_140 = tpu.memref_squeeze %dma_wait3A_139 : memref<1x1x2048xf32, #tpu.memory_space<vmem>> -> memref<2048xf32, #tpu.memory_space<vmem>>
      %dma_wait3A_141 = arith.constant 0 : i32
      %dma_wait3A_142 = tpu.memref_slice %arg2[%dma_wait3A_129, %dma_wait3A_141] : memref<4x2097152xf32, #tpu.memory_space<hbm>> -> memref<1x2048xf32, #tpu.memory_space<hbm>>
      %dma_wait3A_143 = tpu.memref_squeeze %dma_wait3A_142 : memref<1x2048xf32, #tpu.memory_space<hbm>> -> memref<2048xf32, #tpu.memory_space<hbm>>
      tpu.wait_dma2 semaphore(%arg11 : memref<!tpu.dma_semaphore, #tpu.memory_space<semaphore_mem>>) src(%dma_wait3A_143 : memref<2048xf32, #tpu.memory_space<hbm>>) dst(%dma_wait3A_140 : memref<2048xf32, #tpu.memory_space<vmem>>)
      %dma_wait3A_144 = arith.constant 3 : i32
      %dma_wait3A_145 = arith.constant 0 : i32
      %dma_wait3A_146 = arith.constant 3 : i32
      %dma_wait3A_147 = arith.constant 0 : i32
      %dma_wait3A_148 = tpu.memref_slice %arg6[%dma_wait3A_145, %dma_wait3A_146, %dma_wait3A_147] : memref<2x4x2048xf32, #tpu.memory_space<vmem>> -> memref<1x1x2048xf32, #tpu.memory_space<vmem>>
      %dma_wait3A_149 = tpu.memref_squeeze %dma_wait3A_148 : memref<1x1x2048xf32, #tpu.memory_space<vmem>> -> memref<2048xf32, #tpu.memory_space<vmem>>
      %dma_wait3A_150 = arith.constant 0 : i32
      %dma_wait3A_151 = tpu.memref_slice %arg2[%dma_wait3A_144, %dma_wait3A_150] : memref<4x2097152xf32, #tpu.memory_space<hbm>> -> memref<1x2048xf32, #tpu.memory_space<hbm>>
      %dma_wait3A_152 = tpu.memref_squeeze %dma_wait3A_151 : memref<1x2048xf32, #tpu.memory_space<hbm>> -> memref<2048xf32, #tpu.memory_space<hbm>>
      %dma_wait3A_153 = arith.constant 0 : i32
      %dma_wait3A_154 = tpu.memref_slice %arg6[%dma_wait3A_145, %dma_wait3A_146, %dma_wait3A_153] : memref<2x4x2048xf32, #tpu.memory_space<vmem>> -> memref<1x1x2048xf32, #tpu.memory_space<vmem>>
      %dma_wait3A_155 = tpu.memref_squeeze %dma_wait3A_154 : memref<1x1x2048xf32, #tpu.memory_space<vmem>> -> memref<2048xf32, #tpu.memory_space<vmem>>
      %dma_wait3A_156 = arith.constant 0 : i32
      %dma_wait3A_157 = tpu.memref_slice %arg2[%dma_wait3A_144, %dma_wait3A_156] : memref<4x2097152xf32, #tpu.memory_space<hbm>> -> memref<1x2048xf32, #tpu.memory_space<hbm>>
      %dma_wait3A_158 = tpu.memref_squeeze %dma_wait3A_157 : memref<1x2048xf32, #tpu.memory_space<hbm>> -> memref<2048xf32, #tpu.memory_space<hbm>>
      tpu.wait_dma2 semaphore(%arg11 : memref<!tpu.dma_semaphore, #tpu.memory_space<semaphore_mem>>) src(%dma_wait3A_158 : memref<2048xf32, #tpu.memory_space<hbm>>) dst(%dma_wait3A_155 : memref<2048xf32, #tpu.memory_space<vmem>>)
      %add3A_159 = arith.constant 1 : i32
      %add3A_160 = arith.addi %mul3A_99, %add3A_159 : i32
      %lt3A = arith.constant 64 : i32
      %lt3A_161 = arith.cmpi slt, %add3A_160, %lt3A : i32
      %convert_element_type3A_162 = arith.extui %lt3A_161 : i1 to i32
      %cond3A = arith.constant 0 : i32
      %cond3A_163 = arith.cmpi ne, %convert_element_type3A_162, %cond3A : i32
      scf.if %cond3A_163 {
        %add3A_272 = arith.constant 1 : i32
        %add3A_273 = arith.addi %mul3A_99, %add3A_272 : i32
        %mul3A_274 = arith.constant 2048 : i32
        %mul3A_275 = arith.muli %add3A_273, %mul3A_274 : i32
        %add3A_276 = arith.addi %mul3A_26, %mul3A_275 : i32
        %dma_start3A_277 = arith.constant 0 : i32
        %dma_start3A_278 = arith.constant 1 : i32
        %dma_start3A_279 = arith.constant 0 : i32
        %dma_start3A_280 = arith.constant 0 : i32
        %dma_start3A_281 = tpu.memref_slice %arg6[%dma_start3A_278, %dma_start3A_279, %dma_start3A_280] : memref<2x4x2048xf32, #tpu.memory_space<vmem>> -> memref<1x1x2048xf32, #tpu.memory_space<vmem>>
        %dma_start3A_282 = tpu.memref_squeeze %dma_start3A_281 : memref<1x1x2048xf32, #tpu.memory_space<vmem>> -> memref<2048xf32, #tpu.memory_space<vmem>>
        %dma_start3A_283 = tpu.memref_slice %arg2[%dma_start3A_277, %add3A_276] : memref<4x2097152xf32, #tpu.memory_space<hbm>> -> memref<1x2048xf32, #tpu.memory_space<hbm>>
        %dma_start3A_284 = tpu.memref_squeeze %dma_start3A_283 : memref<1x2048xf32, #tpu.memory_space<hbm>> -> memref<2048xf32, #tpu.memory_space<hbm>>
        %dma_start3A_285 = arith.constant 0 : i32
        %dma_start3A_286 = tpu.memref_slice %arg6[%dma_start3A_278, %dma_start3A_279, %dma_start3A_285] : memref<2x4x2048xf32, #tpu.memory_space<vmem>> -> memref<1x1x2048xf32, #tpu.memory_space<vmem>>
        %dma_start3A_287 = tpu.memref_squeeze %dma_start3A_286 : memref<1x1x2048xf32, #tpu.memory_space<vmem>> -> memref<2048xf32, #tpu.memory_space<vmem>>
        %dma_start3A_288 = tpu.memref_slice %arg2[%dma_start3A_277, %add3A_276] : memref<4x2097152xf32, #tpu.memory_space<hbm>> -> memref<1x2048xf32, #tpu.memory_space<hbm>>
        %dma_start3A_289 = tpu.memref_squeeze %dma_start3A_288 : memref<1x2048xf32, #tpu.memory_space<hbm>> -> memref<2048xf32, #tpu.memory_space<hbm>>
        tpu.enqueue_dma source(%dma_start3A_289 : memref<2048xf32, #tpu.memory_space<hbm>>) target(%dma_start3A_287 : memref<2048xf32, #tpu.memory_space<vmem>>) target_semaphore(%arg11 : memref<!tpu.dma_semaphore, #tpu.memory_space<semaphore_mem>>)
        %dma_start3A_290 = arith.constant 1 : i32
        %dma_start3A_291 = arith.constant 1 : i32
        %dma_start3A_292 = arith.constant 1 : i32
        %dma_start3A_293 = arith.constant 0 : i32
        %dma_start3A_294 = tpu.memref_slice %arg6[%dma_start3A_291, %dma_start3A_292, %dma_start3A_293] : memref<2x4x2048xf32, #tpu.memory_space<vmem>> -> memref<1x1x2048xf32, #tpu.memory_space<vmem>>
        %dma_start3A_295 = tpu.memref_squeeze %dma_start3A_294 : memref<1x1x2048xf32, #tpu.memory_space<vmem>> -> memref<2048xf32, #tpu.memory_space<vmem>>
        %dma_start3A_296 = tpu.memref_slice %arg2[%dma_start3A_290, %add3A_276] : memref<4x2097152xf32, #tpu.memory_space<hbm>> -> memref<1x2048xf32, #tpu.memory_space<hbm>>
        %dma_start3A_297 = tpu.memref_squeeze %dma_start3A_296 : memref<1x2048xf32, #tpu.memory_space<hbm>> -> memref<2048xf32, #tpu.memory_space<hbm>>
        %dma_start3A_298 = arith.constant 0 : i32
        %dma_start3A_299 = tpu.memref_slice %arg6[%dma_start3A_291, %dma_start3A_292, %dma_start3A_298] : memref<2x4x2048xf32, #tpu.memory_space<vmem>> -> memref<1x1x2048xf32, #tpu.memory_space<vmem>>
        %dma_start3A_300 = tpu.memref_squeeze %dma_start3A_299 : memref<1x1x2048xf32, #tpu.memory_space<vmem>> -> memref<2048xf32, #tpu.memory_space<vmem>>
        %dma_start3A_301 = tpu.memref_slice %arg2[%dma_start3A_290, %add3A_276] : memref<4x2097152xf32, #tpu.memory_space<hbm>> -> memref<1x2048xf32, #tpu.memory_space<hbm>>
        %dma_start3A_302 = tpu.memref_squeeze %dma_start3A_301 : memref<1x2048xf32, #tpu.memory_space<hbm>> -> memref<2048xf32, #tpu.memory_space<hbm>>
        tpu.enqueue_dma source(%dma_start3A_302 : memref<2048xf32, #tpu.memory_space<hbm>>) target(%dma_start3A_300 : memref<2048xf32, #tpu.memory_space<vmem>>) target_semaphore(%arg11 : memref<!tpu.dma_semaphore, #tpu.memory_space<semaphore_mem>>)
        %dma_start3A_303 = arith.constant 2 : i32
        %dma_start3A_304 = arith.constant 1 : i32
        %dma_start3A_305 = arith.constant 2 : i32
        %dma_start3A_306 = arith.constant 0 : i32
        %dma_start3A_307 = tpu.memref_slice %arg6[%dma_start3A_304, %dma_start3A_305, %dma_start3A_306] : memref<2x4x2048xf32, #tpu.memory_space<vmem>> -> memref<1x1x2048xf32, #tpu.memory_space<vmem>>
        %dma_start3A_308 = tpu.memref_squeeze %dma_start3A_307 : memref<1x1x2048xf32, #tpu.memory_space<vmem>> -> memref<2048xf32, #tpu.memory_space<vmem>>
        %dma_start3A_309 = tpu.memref_slice %arg2[%dma_start3A_303, %add3A_276] : memref<4x2097152xf32, #tpu.memory_space<hbm>> -> memref<1x2048xf32, #tpu.memory_space<hbm>>
        %dma_start3A_310 = tpu.memref_squeeze %dma_start3A_309 : memref<1x2048xf32, #tpu.memory_space<hbm>> -> memref<2048xf32, #tpu.memory_space<hbm>>
        %dma_start3A_311 = arith.constant 0 : i32
        %dma_start3A_312 = tpu.memref_slice %arg6[%dma_start3A_304, %dma_start3A_305, %dma_start3A_311] : memref<2x4x2048xf32, #tpu.memory_space<vmem>> -> memref<1x1x2048xf32, #tpu.memory_space<vmem>>
        %dma_start3A_313 = tpu.memref_squeeze %dma_start3A_312 : memref<1x1x2048xf32, #tpu.memory_space<vmem>> -> memref<2048xf32, #tpu.memory_space<vmem>>
        %dma_start3A_314 = tpu.memref_slice %arg2[%dma_start3A_303, %add3A_276] : memref<4x2097152xf32, #tpu.memory_space<hbm>> -> memref<1x2048xf32, #tpu.memory_space<hbm>>
        %dma_start3A_315 = tpu.memref_squeeze %dma_start3A_314 : memref<1x2048xf32, #tpu.memory_space<hbm>> -> memref<2048xf32, #tpu.memory_space<hbm>>
        tpu.enqueue_dma source(%dma_start3A_315 : memref<2048xf32, #tpu.memory_space<hbm>>) target(%dma_start3A_313 : memref<2048xf32, #tpu.memory_space<vmem>>) target_semaphore(%arg11 : memref<!tpu.dma_semaphore, #tpu.memory_space<semaphore_mem>>)
        %dma_start3A_316 = arith.constant 3 : i32
        %dma_start3A_317 = arith.constant 1 : i32
        %dma_start3A_318 = arith.constant 3 : i32
        %dma_start3A_319 = arith.constant 0 : i32
        %dma_start3A_320 = tpu.memref_slice %arg6[%dma_start3A_317, %dma_start3A_318, %dma_start3A_319] : memref<2x4x2048xf32, #tpu.memory_space<vmem>> -> memref<1x1x2048xf32, #tpu.memory_space<vmem>>
        %dma_start3A_321 = tpu.memref_squeeze %dma_start3A_320 : memref<1x1x2048xf32, #tpu.memory_space<vmem>> -> memref<2048xf32, #tpu.memory_space<vmem>>
        %dma_start3A_322 = tpu.memref_slice %arg2[%dma_start3A_316, %add3A_276] : memref<4x2097152xf32, #tpu.memory_space<hbm>> -> memref<1x2048xf32, #tpu.memory_space<hbm>>
        %dma_start3A_323 = tpu.memref_squeeze %dma_start3A_322 : memref<1x2048xf32, #tpu.memory_space<hbm>> -> memref<2048xf32, #tpu.memory_space<hbm>>
        %dma_start3A_324 = arith.constant 0 : i32
        %dma_start3A_325 = tpu.memref_slice %arg6[%dma_start3A_317, %dma_start3A_318, %dma_start3A_324] : memref<2x4x2048xf32, #tpu.memory_space<vmem>> -> memref<1x1x2048xf32, #tpu.memory_space<vmem>>
        %dma_start3A_326 = tpu.memref_squeeze %dma_start3A_325 : memref<1x1x2048xf32, #tpu.memory_space<vmem>> -> memref<2048xf32, #tpu.memory_space<vmem>>
        %dma_start3A_327 = tpu.memref_slice %arg2[%dma_start3A_316, %add3A_276] : memref<4x2097152xf32, #tpu.memory_space<hbm>> -> memref<1x2048xf32, #tpu.memory_space<hbm>>
        %dma_start3A_328 = tpu.memref_squeeze %dma_start3A_327 : memref<1x2048xf32, #tpu.memory_space<hbm>> -> memref<2048xf32, #tpu.memory_space<hbm>>
        tpu.enqueue_dma source(%dma_start3A_328 : memref<2048xf32, #tpu.memory_space<hbm>>) target(%dma_start3A_326 : memref<2048xf32, #tpu.memory_space<vmem>>) target_semaphore(%arg11 : memref<!tpu.dma_semaphore, #tpu.memory_space<semaphore_mem>>)
      } else {
      }
      %mul3A_164 = arith.constant 2048 : i32
      %mul3A_165 = arith.muli %mul3A_99, %mul3A_164 : i32
      %add3A_166 = arith.addi %mul3A_26, %mul3A_165 : i32
      %mul3A_167 = arith.constant 1024 : i32
      %mul3A_168 = arith.muli %arg1, %mul3A_167 : i32
      %mul3A_169 = arith.constant 16 : i32
      %mul3A_170 = arith.muli %mul3A_99, %mul3A_169 : i32
      %add3A_171 = arith.addi %mul3A_168, %mul3A_170 : i32
      %shift_right_arithmetic3A = arith.constant 14 : i32
      %shift_right_arithmetic3A_172 = arith.shrsi %add3A_166, %shift_right_arithmetic3A : i32
      %convert_element_type3A_173 = arith.sitofp %shift_right_arithmetic3A_172 : i32 to f32
      %add3A_174 = vector.broadcast %convert_element_type3A_173 : f32 to vector<16xf32>
      %add3A_175 = arith.addf %add3A_174, %get3A_15 : vector<16xf32>
      %scan3A_176 = arith.constant 0 : i32
      %scan3A_177 = arith.constant 0 : i32
      %scan3A_178 = arith.constant 8 : i32
      %scan3A_179 = arith.addi %scan3A_177, %scan3A_178 : i32
      %scan3A_180 = arith.constant 1 : i32
      scf.for %scan3A_272 = %scan3A_177 to %scan3A_179 step %scan3A_180  : i32 {
        %mul3A_273 = arith.constant 16 : i32
        %mul3A_274 = arith.muli %scan3A_272, %mul3A_273 : i32
        %mul3A_275 = arith.constant 16 : i32
        %mul3A_276 = arith.muli %scan3A_272, %mul3A_275 : i32
        %add3A_277 = arith.constant 16 : i32
        %add3A_278 = arith.addi %mul3A_276, %add3A_277 : i32
        %parallel_loop3A = arith.constant 1 : i32
        scf.for %parallel_loop3A_295 = %mul3A_274 to %add3A_278 step %parallel_loop3A  : i32 {
          %parallel_loop3A_296 = arith.constant 16 : i32
          %parallel_loop3A_297 = arith.muli %parallel_loop3A_295, %parallel_loop3A_296 : i32
          %parallel_loop3A_298 = arith.constant 0 : i32
          %parallel_loop3A_299 = arith.constant 0 : i32
          %parallel_loop3A_300 = arith.index_cast %parallel_loop3A_298 : i32 to index
          %parallel_loop3A_301 = arith.index_cast %parallel_loop3A_299 : i32 to index
          %parallel_loop3A_302 = arith.index_cast %parallel_loop3A_297 : i32 to index
          %parallel_loop3A_303 = tpu.vector_load %arg6[%parallel_loop3A_300, %parallel_loop3A_301, %parallel_loop3A_302] {strides = array<i32>} : memref<2x4x2048xf32, #tpu.memory_space<vmem>>, vector<1x1x16xf32>,
          %parallel_loop3A_304 = vector.shape_cast %parallel_loop3A_303 : vector<1x1x16xf32> to vector<16xf32>
          %parallel_loop3A_305 = arith.constant 16 : i32
          %parallel_loop3A_306 = arith.muli %parallel_loop3A_295, %parallel_loop3A_305 : i32
          %parallel_loop3A_307 = arith.constant 0 : i32
          %parallel_loop3A_308 = arith.constant 1 : i32
          %parallel_loop3A_309 = arith.index_cast %parallel_loop3A_307 : i32 to index
          %parallel_loop3A_310 = arith.index_cast %parallel_loop3A_308 : i32 to index
          %parallel_loop3A_311 = arith.index_cast %parallel_loop3A_306 : i32 to index
          %parallel_loop3A_312 = tpu.vector_load %arg6[%parallel_loop3A_309, %parallel_loop3A_310, %parallel_loop3A_311] {strides = array<i32>} : memref<2x4x2048xf32, #tpu.memory_space<vmem>>, vector<1x1x16xf32>,
          %parallel_loop3A_313 = vector.shape_cast %parallel_loop3A_312 : vector<1x1x16xf32> to vector<16xf32>
          %parallel_loop3A_314 = arith.constant 16 : i32
          %parallel_loop3A_315 = arith.muli %parallel_loop3A_295, %parallel_loop3A_314 : i32
          %parallel_loop3A_316 = arith.constant 0 : i32
          %parallel_loop3A_317 = arith.constant 2 : i32
          %parallel_loop3A_318 = arith.index_cast %parallel_loop3A_316 : i32 to index
          %parallel_loop3A_319 = arith.index_cast %parallel_loop3A_317 : i32 to index
          %parallel_loop3A_320 = arith.index_cast %parallel_loop3A_315 : i32 to index
          %parallel_loop3A_321 = tpu.vector_load %arg6[%parallel_loop3A_318, %parallel_loop3A_319, %parallel_loop3A_320] {strides = array<i32>} : memref<2x4x2048xf32, #tpu.memory_space<vmem>>, vector<1x1x16xf32>,
          %parallel_loop3A_322 = vector.shape_cast %parallel_loop3A_321 : vector<1x1x16xf32> to vector<16xf32>
          %parallel_loop3A_323 = arith.constant 16 : i32
          %parallel_loop3A_324 = arith.muli %parallel_loop3A_295, %parallel_loop3A_323 : i32
          %parallel_loop3A_325 = arith.constant 0 : i32
          %parallel_loop3A_326 = arith.constant 3 : i32
          %parallel_loop3A_327 = arith.index_cast %parallel_loop3A_325 : i32 to index
          %parallel_loop3A_328 = arith.index_cast %parallel_loop3A_326 : i32 to index
          %parallel_loop3A_329 = arith.index_cast %parallel_loop3A_324 : i32 to index
          %parallel_loop3A_330 = tpu.vector_load %arg6[%parallel_loop3A_327, %parallel_loop3A_328, %parallel_loop3A_329] {strides = array<i32>} : memref<2x4x2048xf32, #tpu.memory_space<vmem>>, vector<1x1x16xf32>,
          %parallel_loop3A_331 = vector.shape_cast %parallel_loop3A_330 : vector<1x1x16xf32> to vector<16xf32>
          %parallel_loop3A_332 = arith.constant 3 : i32
          %parallel_loop3A_333 = arith.shrsi %parallel_loop3A_295, %parallel_loop3A_332 : i32
          %parallel_loop3A_334 = arith.addi %add3A_171, %parallel_loop3A_333 : i32
          %parallel_loop3A_335 = arith.constant 127 : i32
          %parallel_loop3A_336 = arith.andi %parallel_loop3A_334, %parallel_loop3A_335 : i32
          %parallel_loop3A_337 = arith.sitofp %parallel_loop3A_336 : i32 to f32
          %parallel_loop3A_338 = arith.constant 7 : i32
          %parallel_loop3A_339 = arith.andi %parallel_loop3A_295, %parallel_loop3A_338 : i32
          %parallel_loop3A_340 = arith.constant 16 : i32
          %parallel_loop3A_341 = arith.muli %parallel_loop3A_339, %parallel_loop3A_340 : i32
          %parallel_loop3A_342 = arith.constant 3.072000e+00 : f32
          %parallel_loop3A_343 = vector.broadcast %parallel_loop3A_342 : f32 to vector<16xf32>
          %parallel_loop3A_344 = arith.mulf %parallel_loop3A_304, %parallel_loop3A_343 : vector<16xf32>
          %parallel_loop3A_345 = arith.addf %parallel_loop3A_344, %add3A_175 : vector<16xf32>
          %parallel_loop3A_346 = arith.constant 3.072000e+00 : f32
          %parallel_loop3A_347 = vector.broadcast %parallel_loop3A_346 : f32 to vector<16xf32>
          %parallel_loop3A_348 = arith.mulf %parallel_loop3A_313, %parallel_loop3A_347 : vector<16xf32>
          %parallel_loop3A_349 = vector.broadcast %parallel_loop3A_337 : f32 to vector<16xf32>
          %parallel_loop3A_350 = arith.addf %parallel_loop3A_349, %get3A_20 : vector<16xf32>
          %parallel_loop3A_351 = arith.addf %parallel_loop3A_348, %parallel_loop3A_350 : vector<16xf32>
          %parallel_loop3A_352 = arith.constant 3.072000e+00 : f32
          %parallel_loop3A_353 = vector.broadcast %parallel_loop3A_352 : f32 to vector<16xf32>
          %parallel_loop3A_354 = arith.mulf %parallel_loop3A_322, %parallel_loop3A_353 : vector<16xf32>
          %parallel_loop3A_355 = arith.sitofp %parallel_loop3A_341 : i32 to f32
          %parallel_loop3A_356 = vector.broadcast %parallel_loop3A_355 : f32 to vector<16xf32>
          %parallel_loop3A_357 = arith.addf %add3A, %parallel_loop3A_356 : vector<16xf32>
          %parallel_loop3A_358 = arith.addf %parallel_loop3A_354, %parallel_loop3A_357 : vector<16xf32>
          %parallel_loop3A_359 = arith.constant 16 : i32
          %parallel_loop3A_360 = arith.muli %parallel_loop3A_295, %parallel_loop3A_359 : i32
          %parallel_loop3A_361 = arith.addi %add3A_166, %parallel_loop3A_360 : i32
          %parallel_loop3A_362 = arith.constant 4095 : i32
          %parallel_loop3A_363 = arith.andi %parallel_loop3A_361, %parallel_loop3A_362 : i32
          %parallel_loop3A_364 = arith.constant 1048576 : i32
          %parallel_loop3A_365 = arith.addi %parallel_loop3A_364, %parallel_loop3A_363 : i32
          %parallel_loop3A_366 = vector.broadcast %parallel_loop3A_365 : i32 to vector<16xi32>
          %parallel_loop3A_367 = arith.addi %parallel_loop3A_366, %iota3A : vector<16xi32>
          %parallel_loop3A_368 = arith.fptosi %parallel_loop3A_345 : vector<16xf32> to vector<16xi32>
          %parallel_loop3A_369 = arith.sitofp %parallel_loop3A_368 : vector<16xi32> to vector<16xf32>
          %parallel_loop3A_370 = arith.cmpf ogt, %parallel_loop3A_369, %parallel_loop3A_345 : vector<16xf32>
          %parallel_loop3A_371 = arith.constant 1 : i32
          %parallel_loop3A_372 = arith.constant 0 : i32
          %parallel_loop3A_373 = vector.broadcast %parallel_loop3A_371 : i32 to vector<16xi32>
          %parallel_loop3A_374 = vector.broadcast %parallel_loop3A_372 : i32 to vector<16xi32>
          %parallel_loop3A_375 = arith.select %parallel_loop3A_370, %parallel_loop3A_373, %parallel_loop3A_374 : vector<16xi1>, vector<16xi32>
          %parallel_loop3A_376 = arith.subi %parallel_loop3A_368, %parallel_loop3A_375 : vector<16xi32>
          %parallel_loop3A_377 = arith.subf %parallel_loop3A_345, %parallel_loop3A_369 : vector<16xf32>
          %parallel_loop3A_378 = arith.constant 1.000000e+00 : f32
          %parallel_loop3A_379 = arith.constant 0.000000e+00 : f32
          %parallel_loop3A_380 = vector.broadcast %parallel_loop3A_378 : f32 to vector<16xf32>
          %parallel_loop3A_381 = vector.broadcast %parallel_loop3A_379 : f32 to vector<16xf32>
          %parallel_loop3A_382 = arith.select %parallel_loop3A_370, %parallel_loop3A_380, %parallel_loop3A_381 : vector<16xi1>, vector<16xf32>
          %parallel_loop3A_383 = arith.addf %parallel_loop3A_377, %parallel_loop3A_382 : vector<16xf32>
          %parallel_loop3A_384 = arith.fptosi %parallel_loop3A_351 : vector<16xf32> to vector<16xi32>
          %parallel_loop3A_385 = arith.sitofp %parallel_loop3A_384 : vector<16xi32> to vector<16xf32>
          %parallel_loop3A_386 = arith.cmpf ogt, %parallel_loop3A_385, %parallel_loop3A_351 : vector<16xf32>
          %parallel_loop3A_387 = arith.constant 1 : i32
          %parallel_loop3A_388 = arith.constant 0 : i32
          %parallel_loop3A_389 = vector.broadcast %parallel_loop3A_387 : i32 to vector<16xi32>
          %parallel_loop3A_390 = vector.broadcast %parallel_loop3A_388 : i32 to vector<16xi32>
          %parallel_loop3A_391 = arith.select %parallel_loop3A_386, %parallel_loop3A_389, %parallel_loop3A_390 : vector<16xi1>, vector<16xi32>
          %parallel_loop3A_392 = arith.subi %parallel_loop3A_384, %parallel_loop3A_391 : vector<16xi32>
          %parallel_loop3A_393 = arith.subf %parallel_loop3A_351, %parallel_loop3A_385 : vector<16xf32>
          %parallel_loop3A_394 = arith.constant 1.000000e+00 : f32
          %parallel_loop3A_395 = arith.constant 0.000000e+00 : f32
          %parallel_loop3A_396 = vector.broadcast %parallel_loop3A_394 : f32 to vector<16xf32>
          %parallel_loop3A_397 = vector.broadcast %parallel_loop3A_395 : f32 to vector<16xf32>
          %parallel_loop3A_398 = arith.select %parallel_loop3A_386, %parallel_loop3A_396, %parallel_loop3A_397 : vector<16xi1>, vector<16xf32>
          %parallel_loop3A_399 = arith.addf %parallel_loop3A_393, %parallel_loop3A_398 : vector<16xf32>
          %parallel_loop3A_400 = arith.fptosi %parallel_loop3A_358 : vector<16xf32> to vector<16xi32>
          %parallel_loop3A_401 = arith.sitofp %parallel_loop3A_400 : vector<16xi32> to vector<16xf32>
          %parallel_loop3A_402 = arith.cmpf ogt, %parallel_loop3A_401, %parallel_loop3A_358 : vector<16xf32>
          %parallel_loop3A_403 = arith.constant 1 : i32
          %parallel_loop3A_404 = arith.constant 0 : i32
          %parallel_loop3A_405 = vector.broadcast %parallel_loop3A_403 : i32 to vector<16xi32>
          %parallel_loop3A_406 = vector.broadcast %parallel_loop3A_404 : i32 to vector<16xi32>
          %parallel_loop3A_407 = arith.select %parallel_loop3A_402, %parallel_loop3A_405, %parallel_loop3A_406 : vector<16xi1>, vector<16xi32>
          %parallel_loop3A_408 = arith.subi %parallel_loop3A_400, %parallel_loop3A_407 : vector<16xi32>
          %parallel_loop3A_409 = arith.subf %parallel_loop3A_358, %parallel_loop3A_401 : vector<16xf32>
          %parallel_loop3A_410 = arith.constant 1.000000e+00 : f32
          %parallel_loop3A_411 = arith.constant 0.000000e+00 : f32
          %parallel_loop3A_412 = vector.broadcast %parallel_loop3A_410 : f32 to vector<16xf32>
          %parallel_loop3A_413 = vector.broadcast %parallel_loop3A_411 : f32 to vector<16xf32>
          %parallel_loop3A_414 = arith.select %parallel_loop3A_402, %parallel_loop3A_412, %parallel_loop3A_413 : vector<16xi1>, vector<16xf32>
          %parallel_loop3A_415 = arith.addf %parallel_loop3A_409, %parallel_loop3A_414 : vector<16xf32>
          %parallel_loop3A_416 = arith.constant 1.000000e+00 : f32
          %parallel_loop3A_417 = vector.broadcast %parallel_loop3A_416 : f32 to vector<16xf32>
          %parallel_loop3A_418 = arith.subf %parallel_loop3A_417, %parallel_loop3A_383 : vector<16xf32>
          %parallel_loop3A_419 = arith.constant 1.000000e+00 : f32
          %parallel_loop3A_420 = vector.broadcast %parallel_loop3A_419 : f32 to vector<16xf32>
          %parallel_loop3A_421 = arith.subf %parallel_loop3A_420, %parallel_loop3A_399 : vector<16xf32>
          %parallel_loop3A_422 = arith.constant 1.000000e+00 : f32
          %parallel_loop3A_423 = vector.broadcast %parallel_loop3A_422 : f32 to vector<16xf32>
          %parallel_loop3A_424 = arith.subf %parallel_loop3A_423, %parallel_loop3A_415 : vector<16xf32>
          %parallel_loop3A_425 = arith.constant 1 : i32
          %parallel_loop3A_426 = vector.broadcast %parallel_loop3A_425 : i32 to vector<16xi32>
          %parallel_loop3A_427 = arith.andi %parallel_loop3A_408, %parallel_loop3A_426 : vector<16xi32>
          %parallel_loop3A_428 = vector.broadcast %arg0 : i32 to vector<16xi32>
          %parallel_loop3A_429 = arith.xori %parallel_loop3A_427, %parallel_loop3A_428 : vector<16xi32>
          %parallel_loop3A_430 = arith.addi %parallel_loop3A_408, %parallel_loop3A_429 : vector<16xi32>
          %parallel_loop3A_431 = arith.constant 0 : i32
          %parallel_loop3A_432 = vector.broadcast %parallel_loop3A_431 : i32 to vector<16xi32>
          %parallel_loop3A_433 = arith.cmpi eq, %parallel_loop3A_429, %parallel_loop3A_432 : vector<16xi32>
          %parallel_loop3A_434 = arith.select %parallel_loop3A_433, %parallel_loop3A_424, %parallel_loop3A_415 : vector<16xi1>, vector<16xf32>
          %parallel_loop3A_435 = arith.mulf %parallel_loop3A_331, %parallel_loop3A_434 : vector<16xf32>
          %parallel_loop3A_436 = arith.constant 128 : i32
          %parallel_loop3A_437 = vector.broadcast %parallel_loop3A_436 : i32 to vector<16xi32>
          %parallel_loop3A_438 = arith.cmpi ult, %parallel_loop3A_376, %parallel_loop3A_437 : vector<16xi32>
          %parallel_loop3A_439 = arith.constant 1 : i32
          %parallel_loop3A_440 = vector.broadcast %parallel_loop3A_439 : i32 to vector<16xi32>
          %parallel_loop3A_441 = arith.addi %parallel_loop3A_376, %parallel_loop3A_440 : vector<16xi32>
          %parallel_loop3A_442 = arith.constant 128 : i32
          %parallel_loop3A_443 = vector.broadcast %parallel_loop3A_442 : i32 to vector<16xi32>
          %parallel_loop3A_444 = arith.cmpi ult, %parallel_loop3A_441, %parallel_loop3A_443 : vector<16xi32>
          %parallel_loop3A_445 = arith.constant 128 : i32
          %parallel_loop3A_446 = vector.broadcast %parallel_loop3A_445 : i32 to vector<16xi32>
          %parallel_loop3A_447 = arith.cmpi ult, %parallel_loop3A_392, %parallel_loop3A_446 : vector<16xi32>
          %parallel_loop3A_448 = arith.constant 1 : i32
          %parallel_loop3A_449 = vector.broadcast %parallel_loop3A_448 : i32 to vector<16xi32>
          %parallel_loop3A_450 = arith.addi %parallel_loop3A_392, %parallel_loop3A_449 : vector<16xi32>
          %parallel_loop3A_451 = arith.constant 128 : i32
          %parallel_loop3A_452 = vector.broadcast %parallel_loop3A_451 : i32 to vector<16xi32>
          %parallel_loop3A_453 = arith.cmpi ult, %parallel_loop3A_450, %parallel_loop3A_452 : vector<16xi32>
          %parallel_loop3A_454 = arith.constant 128 : i32
          %parallel_loop3A_455 = vector.broadcast %parallel_loop3A_454 : i32 to vector<16xi32>
          %parallel_loop3A_456 = arith.cmpi ult, %parallel_loop3A_430, %parallel_loop3A_455 : vector<16xi32>
          %parallel_loop3A_457 = arith.constant 8192 : i32
          %parallel_loop3A_458 = vector.broadcast %parallel_loop3A_457 : i32 to vector<16xi32>
          %parallel_loop3A_459 = arith.muli %parallel_loop3A_376, %parallel_loop3A_458 : vector<16xi32>
          %parallel_loop3A_460 = arith.constant 8192 : i32
          %parallel_loop3A_461 = vector.broadcast %parallel_loop3A_460 : i32 to vector<16xi32>
          %parallel_loop3A_462 = arith.addi %parallel_loop3A_459, %parallel_loop3A_461 : vector<16xi32>
          %parallel_loop3A_463 = arith.constant 64 : i32
          %parallel_loop3A_464 = vector.broadcast %parallel_loop3A_463 : i32 to vector<16xi32>
          %parallel_loop3A_465 = arith.muli %parallel_loop3A_392, %parallel_loop3A_464 : vector<16xi32>
          %parallel_loop3A_466 = arith.constant 1 : i32
          %parallel_loop3A_467 = vector.broadcast %parallel_loop3A_466 : i32 to vector<16xi32>
          %parallel_loop3A_468 = arith.shrsi %parallel_loop3A_430, %parallel_loop3A_467 : vector<16xi32>
          %parallel_loop3A_469 = arith.addi %parallel_loop3A_465, %parallel_loop3A_468 : vector<16xi32>
          %parallel_loop3A_470 = arith.constant 64 : i32
          %parallel_loop3A_471 = vector.broadcast %parallel_loop3A_470 : i32 to vector<16xi32>
          %parallel_loop3A_472 = arith.addi %parallel_loop3A_469, %parallel_loop3A_471 : vector<16xi32>
          %parallel_loop3A_473 = arith.mulf %parallel_loop3A_418, %parallel_loop3A_435 : vector<16xf32>
          %parallel_loop3A_474 = arith.mulf %parallel_loop3A_383, %parallel_loop3A_435 : vector<16xf32>
          %parallel_loop3A_475 = arith.andi %parallel_loop3A_438, %parallel_loop3A_456 : vector<16xi1>
          %parallel_loop3A_476 = arith.andi %parallel_loop3A_444, %parallel_loop3A_456 : vector<16xi1>
          %parallel_loop3A_477 = arith.mulf %parallel_loop3A_473, %parallel_loop3A_421 : vector<16xf32>
          %parallel_loop3A_478 = arith.addi %parallel_loop3A_459, %parallel_loop3A_469 : vector<16xi32>
          %parallel_loop3A_479 = arith.andi %parallel_loop3A_475, %parallel_loop3A_447 : vector<16xi1>
          %parallel_loop3A_480 = arith.select %parallel_loop3A_479, %parallel_loop3A_478, %parallel_loop3A_367 : vector<16xi1>, vector<16xi32>
          %parallel_loop3A_481 = arith.constant 1 : i32
          %parallel_loop3A_482 = arith.shrsi %parallel_loop3A_295, %parallel_loop3A_481 : i32
          %parallel_loop3A_483 = arith.constant 1 : i32
          %parallel_loop3A_484 = arith.andi %parallel_loop3A_295, %parallel_loop3A_483 : i32
          %parallel_loop3A_485 = arith.constant 64 : i32
          %parallel_loop3A_486 = arith.muli %parallel_loop3A_484, %parallel_loop3A_485 : i32
          %parallel_loop3A_487 = arith.constant 0 : i32
          %parallel_loop3A_488 = arith.addi %parallel_loop3A_486, %parallel_loop3A_487 : i32
          %parallel_loop3A_489 = arith.constant 0 : i32
          %parallel_loop3A_490 = arith.index_cast %parallel_loop3A_489 : i32 to index
          %parallel_loop3A_491 = arith.index_cast %parallel_loop3A_482 : i32 to index
          %parallel_loop3A_492 = arith.index_cast %parallel_loop3A_488 : i32 to index
          %parallel_loop3A_493 = tpu.vector_load %arg7[%parallel_loop3A_490, %parallel_loop3A_491, %parallel_loop3A_492] {strides = array<i32>} : memref<2x64x128xi32, #tpu.memory_space<vmem>>, vector<1x1x16xi32>,
          %parallel_loop3A_494 = vector.shape_cast %parallel_loop3A_493 : vector<1x1x16xi32> to vector<16xi32>
          %parallel_loop3A_495 = vector.shape_cast %parallel_loop3A_480 : vector<16xi32> to vector<1x1x16xi32>
          tpu.vector_store %arg7[%parallel_loop3A_490, %parallel_loop3A_491, %parallel_loop3A_492], %parallel_loop3A_495 {strides = array<i32>} : memref<2x64x128xi32, #tpu.memory_space<vmem>>, vector<1x1x16xi32>,
          %parallel_loop3A_496 = arith.constant 1 : i32
          %parallel_loop3A_497 = arith.shrsi %parallel_loop3A_295, %parallel_loop3A_496 : i32
          %parallel_loop3A_498 = arith.constant 1 : i32
          %parallel_loop3A_499 = arith.andi %parallel_loop3A_295, %parallel_loop3A_498 : i32
          %parallel_loop3A_500 = arith.constant 64 : i32
          %parallel_loop3A_501 = arith.muli %parallel_loop3A_499, %parallel_loop3A_500 : i32
          %parallel_loop3A_502 = arith.constant 0 : i32
          %parallel_loop3A_503 = arith.addi %parallel_loop3A_501, %parallel_loop3A_502 : i32
          %parallel_loop3A_504 = arith.constant 0 : i32
          %parallel_loop3A_505 = arith.index_cast %parallel_loop3A_504 : i32 to index
          %parallel_loop3A_506 = arith.index_cast %parallel_loop3A_497 : i32 to index
          %parallel_loop3A_507 = arith.index_cast %parallel_loop3A_503 : i32 to index
          %parallel_loop3A_508 = tpu.vector_load %arg8[%parallel_loop3A_505, %parallel_loop3A_506, %parallel_loop3A_507] {strides = array<i32>} : memref<2x64x128xf32, #tpu.memory_space<vmem>>, vector<1x1x16xf32>,
          %parallel_loop3A_509 = vector.shape_cast %parallel_loop3A_508 : vector<1x1x16xf32> to vector<16xf32>
          %parallel_loop3A_510 = vector.shape_cast %parallel_loop3A_477 : vector<16xf32> to vector<1x1x16xf32>
          tpu.vector_store %arg8[%parallel_loop3A_505, %parallel_loop3A_506, %parallel_loop3A_507], %parallel_loop3A_510 {strides = array<i32>} : memref<2x64x128xf32, #tpu.memory_space<vmem>>, vector<1x1x16xf32>,
          %parallel_loop3A_511 = arith.mulf %parallel_loop3A_473, %parallel_loop3A_399 : vector<16xf32>
          %parallel_loop3A_512 = arith.addi %parallel_loop3A_459, %parallel_loop3A_472 : vector<16xi32>
          %parallel_loop3A_513 = arith.andi %parallel_loop3A_475, %parallel_loop3A_453 : vector<16xi1>
          %parallel_loop3A_514 = arith.select %parallel_loop3A_513, %parallel_loop3A_512, %parallel_loop3A_367 : vector<16xi1>, vector<16xi32>
          %parallel_loop3A_515 = arith.constant 1 : i32
          %parallel_loop3A_516 = arith.shrsi %parallel_loop3A_295, %parallel_loop3A_515 : i32
          %parallel_loop3A_517 = arith.constant 1 : i32
          %parallel_loop3A_518 = arith.andi %parallel_loop3A_295, %parallel_loop3A_517 : i32
          %parallel_loop3A_519 = arith.constant 64 : i32
          %parallel_loop3A_520 = arith.muli %parallel_loop3A_518, %parallel_loop3A_519 : i32
          %parallel_loop3A_521 = arith.constant 16 : i32
          %parallel_loop3A_522 = arith.addi %parallel_loop3A_520, %parallel_loop3A_521 : i32
          %parallel_loop3A_523 = arith.constant 0 : i32
          %parallel_loop3A_524 = arith.index_cast %parallel_loop3A_523 : i32 to index
          %parallel_loop3A_525 = arith.index_cast %parallel_loop3A_516 : i32 to index
          %parallel_loop3A_526 = arith.index_cast %parallel_loop3A_522 : i32 to index
          %parallel_loop3A_527 = tpu.vector_load %arg7[%parallel_loop3A_524, %parallel_loop3A_525, %parallel_loop3A_526] {strides = array<i32>} : memref<2x64x128xi32, #tpu.memory_space<vmem>>, vector<1x1x16xi32>,
          %parallel_loop3A_528 = vector.shape_cast %parallel_loop3A_527 : vector<1x1x16xi32> to vector<16xi32>
          %parallel_loop3A_529 = vector.shape_cast %parallel_loop3A_514 : vector<16xi32> to vector<1x1x16xi32>
          tpu.vector_store %arg7[%parallel_loop3A_524, %parallel_loop3A_525, %parallel_loop3A_526], %parallel_loop3A_529 {strides = array<i32>} : memref<2x64x128xi32, #tpu.memory_space<vmem>>, vector<1x1x16xi32>,
          %parallel_loop3A_530 = arith.constant 1 : i32
          %parallel_loop3A_531 = arith.shrsi %parallel_loop3A_295, %parallel_loop3A_530 : i32
          %parallel_loop3A_532 = arith.constant 1 : i32
          %parallel_loop3A_533 = arith.andi %parallel_loop3A_295, %parallel_loop3A_532 : i32
          %parallel_loop3A_534 = arith.constant 64 : i32
          %parallel_loop3A_535 = arith.muli %parallel_loop3A_533, %parallel_loop3A_534 : i32
          %parallel_loop3A_536 = arith.constant 16 : i32
          %parallel_loop3A_537 = arith.addi %parallel_loop3A_535, %parallel_loop3A_536 : i32
          %parallel_loop3A_538 = arith.constant 0 : i32
          %parallel_loop3A_539 = arith.index_cast %parallel_loop3A_538 : i32 to index
          %parallel_loop3A_540 = arith.index_cast %parallel_loop3A_531 : i32 to index
          %parallel_loop3A_541 = arith.index_cast %parallel_loop3A_537 : i32 to index
          %parallel_loop3A_542 = tpu.vector_load %arg8[%parallel_loop3A_539, %parallel_loop3A_540, %parallel_loop3A_541] {strides = array<i32>} : memref<2x64x128xf32, #tpu.memory_space<vmem>>, vector<1x1x16xf32>,
          %parallel_loop3A_543 = vector.shape_cast %parallel_loop3A_542 : vector<1x1x16xf32> to vector<16xf32>
          %parallel_loop3A_544 = vector.shape_cast %parallel_loop3A_511 : vector<16xf32> to vector<1x1x16xf32>
          tpu.vector_store %arg8[%parallel_loop3A_539, %parallel_loop3A_540, %parallel_loop3A_541], %parallel_loop3A_544 {strides = array<i32>} : memref<2x64x128xf32, #tpu.memory_space<vmem>>, vector<1x1x16xf32>,
          %parallel_loop3A_545 = arith.mulf %parallel_loop3A_474, %parallel_loop3A_421 : vector<16xf32>
          %parallel_loop3A_546 = arith.addi %parallel_loop3A_462, %parallel_loop3A_469 : vector<16xi32>
          %parallel_loop3A_547 = arith.andi %parallel_loop3A_476, %parallel_loop3A_447 : vector<16xi1>
          %parallel_loop3A_548 = arith.select %parallel_loop3A_547, %parallel_loop3A_546, %parallel_loop3A_367 : vector<16xi1>, vector<16xi32>
          %parallel_loop3A_549 = arith.constant 1 : i32
          %parallel_loop3A_550 = arith.shrsi %parallel_loop3A_295, %parallel_loop3A_549 : i32
          %parallel_loop3A_551 = arith.constant 1 : i32
          %parallel_loop3A_552 = arith.andi %parallel_loop3A_295, %parallel_loop3A_551 : i32
          %parallel_loop3A_553 = arith.constant 64 : i32
          %parallel_loop3A_554 = arith.muli %parallel_loop3A_552, %parallel_loop3A_553 : i32
          %parallel_loop3A_555 = arith.constant 32 : i32
          %parallel_loop3A_556 = arith.addi %parallel_loop3A_554, %parallel_loop3A_555 : i32
          %parallel_loop3A_557 = arith.constant 0 : i32
          %parallel_loop3A_558 = arith.index_cast %parallel_loop3A_557 : i32 to index
          %parallel_loop3A_559 = arith.index_cast %parallel_loop3A_550 : i32 to index
          %parallel_loop3A_560 = arith.index_cast %parallel_loop3A_556 : i32 to index
          %parallel_loop3A_561 = tpu.vector_load %arg7[%parallel_loop3A_558, %parallel_loop3A_559, %parallel_loop3A_560] {strides = array<i32>} : memref<2x64x128xi32, #tpu.memory_space<vmem>>, vector<1x1x16xi32>,
          %parallel_loop3A_562 = vector.shape_cast %parallel_loop3A_561 : vector<1x1x16xi32> to vector<16xi32>
          %parallel_loop3A_563 = vector.shape_cast %parallel_loop3A_548 : vector<16xi32> to vector<1x1x16xi32>
          tpu.vector_store %arg7[%parallel_loop3A_558, %parallel_loop3A_559, %parallel_loop3A_560], %parallel_loop3A_563 {strides = array<i32>} : memref<2x64x128xi32, #tpu.memory_space<vmem>>, vector<1x1x16xi32>,
          %parallel_loop3A_564 = arith.constant 1 : i32
          %parallel_loop3A_565 = arith.shrsi %parallel_loop3A_295, %parallel_loop3A_564 : i32
          %parallel_loop3A_566 = arith.constant 1 : i32
          %parallel_loop3A_567 = arith.andi %parallel_loop3A_295, %parallel_loop3A_566 : i32
          %parallel_loop3A_568 = arith.constant 64 : i32
          %parallel_loop3A_569 = arith.muli %parallel_loop3A_567, %parallel_loop3A_568 : i32
          %parallel_loop3A_570 = arith.constant 32 : i32
          %parallel_loop3A_571 = arith.addi %parallel_loop3A_569, %parallel_loop3A_570 : i32
          %parallel_loop3A_572 = arith.constant 0 : i32
          %parallel_loop3A_573 = arith.index_cast %parallel_loop3A_572 : i32 to index
          %parallel_loop3A_574 = arith.index_cast %parallel_loop3A_565 : i32 to index
          %parallel_loop3A_575 = arith.index_cast %parallel_loop3A_571 : i32 to index
          %parallel_loop3A_576 = tpu.vector_load %arg8[%parallel_loop3A_573, %parallel_loop3A_574, %parallel_loop3A_575] {strides = array<i32>} : memref<2x64x128xf32, #tpu.memory_space<vmem>>, vector<1x1x16xf32>,
          %parallel_loop3A_577 = vector.shape_cast %parallel_loop3A_576 : vector<1x1x16xf32> to vector<16xf32>
          %parallel_loop3A_578 = vector.shape_cast %parallel_loop3A_545 : vector<16xf32> to vector<1x1x16xf32>
          tpu.vector_store %arg8[%parallel_loop3A_573, %parallel_loop3A_574, %parallel_loop3A_575], %parallel_loop3A_578 {strides = array<i32>} : memref<2x64x128xf32, #tpu.memory_space<vmem>>, vector<1x1x16xf32>,
          %parallel_loop3A_579 = arith.mulf %parallel_loop3A_474, %parallel_loop3A_399 : vector<16xf32>
          %parallel_loop3A_580 = arith.addi %parallel_loop3A_462, %parallel_loop3A_472 : vector<16xi32>
          %parallel_loop3A_581 = arith.andi %parallel_loop3A_476, %parallel_loop3A_453 : vector<16xi1>
          %parallel_loop3A_582 = arith.select %parallel_loop3A_581, %parallel_loop3A_580, %parallel_loop3A_367 : vector<16xi1>, vector<16xi32>
          %parallel_loop3A_583 = arith.constant 1 : i32
          %parallel_loop3A_584 = arith.shrsi %parallel_loop3A_295, %parallel_loop3A_583 : i32
          %parallel_loop3A_585 = arith.constant 1 : i32
          %parallel_loop3A_586 = arith.andi %parallel_loop3A_295, %parallel_loop3A_585 : i32
          %parallel_loop3A_587 = arith.constant 64 : i32
          %parallel_loop3A_588 = arith.muli %parallel_loop3A_586, %parallel_loop3A_587 : i32
          %parallel_loop3A_589 = arith.constant 48 : i32
          %parallel_loop3A_590 = arith.addi %parallel_loop3A_588, %parallel_loop3A_589 : i32
          %parallel_loop3A_591 = arith.constant 0 : i32
          %parallel_loop3A_592 = arith.index_cast %parallel_loop3A_591 : i32 to index
          %parallel_loop3A_593 = arith.index_cast %parallel_loop3A_584 : i32 to index
          %parallel_loop3A_594 = arith.index_cast %parallel_loop3A_590 : i32 to index
          %parallel_loop3A_595 = tpu.vector_load %arg7[%parallel_loop3A_592, %parallel_loop3A_593, %parallel_loop3A_594] {strides = array<i32>} : memref<2x64x128xi32, #tpu.memory_space<vmem>>, vector<1x1x16xi32>,
          %parallel_loop3A_596 = vector.shape_cast %parallel_loop3A_595 : vector<1x1x16xi32> to vector<16xi32>
          %parallel_loop3A_597 = vector.shape_cast %parallel_loop3A_582 : vector<16xi32> to vector<1x1x16xi32>
          tpu.vector_store %arg7[%parallel_loop3A_592, %parallel_loop3A_593, %parallel_loop3A_594], %parallel_loop3A_597 {strides = array<i32>} : memref<2x64x128xi32, #tpu.memory_space<vmem>>, vector<1x1x16xi32>,
          %parallel_loop3A_598 = arith.constant 1 : i32
          %parallel_loop3A_599 = arith.shrsi %parallel_loop3A_295, %parallel_loop3A_598 : i32
          %parallel_loop3A_600 = arith.constant 1 : i32
          %parallel_loop3A_601 = arith.andi %parallel_loop3A_295, %parallel_loop3A_600 : i32
          %parallel_loop3A_602 = arith.constant 64 : i32
          %parallel_loop3A_603 = arith.muli %parallel_loop3A_601, %parallel_loop3A_602 : i32
          %parallel_loop3A_604 = arith.constant 48 : i32
          %parallel_loop3A_605 = arith.addi %parallel_loop3A_603, %parallel_loop3A_604 : i32
          %parallel_loop3A_606 = arith.constant 0 : i32
          %parallel_loop3A_607 = arith.index_cast %parallel_loop3A_606 : i32 to index
          %parallel_loop3A_608 = arith.index_cast %parallel_loop3A_599 : i32 to index
          %parallel_loop3A_609 = arith.index_cast %parallel_loop3A_605 : i32 to index
          %parallel_loop3A_610 = tpu.vector_load %arg8[%parallel_loop3A_607, %parallel_loop3A_608, %parallel_loop3A_609] {strides = array<i32>} : memref<2x64x128xf32, #tpu.memory_space<vmem>>, vector<1x1x16xf32>,
          %parallel_loop3A_611 = vector.shape_cast %parallel_loop3A_610 : vector<1x1x16xf32> to vector<16xf32>
          %parallel_loop3A_612 = vector.shape_cast %parallel_loop3A_579 : vector<16xf32> to vector<1x1x16xf32>
          tpu.vector_store %arg8[%parallel_loop3A_607, %parallel_loop3A_608, %parallel_loop3A_609], %parallel_loop3A_612 {strides = array<i32>} : memref<2x64x128xf32, #tpu.memory_space<vmem>>, vector<1x1x16xf32>,
        } {sc.loop_unroll_factor = 2 : i64, sc.parallel_access}
        %ge3A = arith.constant 2 : i32
        %ge3A_279 = arith.cmpi sge, %mul3A_99, %ge3A : i32
        %convert_element_type3A_280 = arith.extui %ge3A_279 : i1 to i32
        %cond3A_281 = arith.constant 0 : i32
        %cond3A_282 = arith.cmpi ne, %convert_element_type3A_280, %cond3A_281 : i32
        scf.if %cond3A_282 {
          %scan3A_295 = arith.constant 0 : i32
          %scan3A_296 = arith.constant 0 : i32
          %scan3A_297 = arith.constant 8 : i32
          %scan3A_298 = arith.addi %scan3A_296, %scan3A_297 : i32
          %scan3A_299 = arith.constant 1 : i32
          scf.for %scan3A_301 = %scan3A_296 to %scan3A_298 step %scan3A_299  : i32 {
            %dma_wait3A_302 = arith.constant 0 : i32
            %dma_wait3A_303 = arith.constant 0 : i32
            %dma_wait3A_304 = arith.constant 0 : i32
            %dma_wait3A_305 = arith.constant 0 : i32
            %dma_wait3A_306 = arith.constant 0 : i32
            %dma_wait3A_307 = tpu.memref_slice %arg8[%dma_wait3A_302, %dma_wait3A_303, %dma_wait3A_306] : memref<2x64x128xf32, #tpu.memory_space<vmem>> -> memref<1x1x128xf32, #tpu.memory_space<vmem>>
            %dma_wait3A_308 = tpu.memref_squeeze %dma_wait3A_307 : memref<1x1x128xf32, #tpu.memory_space<vmem>> -> memref<128xf32, #tpu.memory_space<vmem>>
            %dma_wait3A_309 = arith.constant 0 : i32
            %dma_wait3A_310 = tpu.memref_slice %arg7[%dma_wait3A_304, %dma_wait3A_305, %dma_wait3A_309] : memref<2x64x128xi32, #tpu.memory_space<vmem>> -> memref<1x1x128xi32, #tpu.memory_space<vmem>>
            %dma_wait3A_311 = tpu.memref_squeeze %dma_wait3A_310 : memref<1x1x128xi32, #tpu.memory_space<vmem>> -> memref<128xi32, #tpu.memory_space<vmem>>
            %dma_wait3A_312 = arith.constant 0 : i32
            %dma_wait3A_313 = tpu.memref_slice %arg10[%dma_wait3A_312] : memref<1056768xf32, #tpu.memory_space<vmem_shared>> -> memref<1056768xf32, #tpu.memory_space<vmem_shared>>
            tpu.wait_indirect_dma semaphore(%arg12 : memref<!tpu.dma_semaphore, #tpu.memory_space<semaphore_mem>>) src(%dma_wait3A_308 : memref<128xf32, #tpu.memory_space<vmem>>) dst(%dma_wait3A_313 : memref<1056768xf32, #tpu.memory_space<vmem_shared>>)
          }
          %scan3A_300 = arith.constant 8 : i32
        } else {
        }
        %mul3A_283 = arith.constant 8 : i32
        %mul3A_284 = arith.muli %scan3A_272, %mul3A_283 : i32
        %add3A_285 = arith.constant 8 : i32
        %add3A_286 = arith.addi %mul3A_284, %add3A_285 : i32
        %while3A = arith.constant 0 : i32
        %while3A_287 = arith.subi %add3A_286, %mul3A_284 : i32
        %while3A_288 = arith.addi %mul3A_284, %while3A_287 : i32
        %while3A_289 = arith.constant 1 : i32
        %while3A_290 = arith.divsi %while3A_287, %while3A_289 : i32
        %while3A_291 = arith.muli %while3A_290, %while3A_289 : i32
        %while3A_292 = arith.addi %mul3A_284, %while3A_291 : i32
        %while3A_293 = arith.constant 1 : i32
        scf.for %while3A_295 = %mul3A_284 to %while3A_292 step %while3A_293  : i32 {
          %dma_start3A_296 = arith.constant 0 : i32
          %dma_start3A_297 = arith.constant 0 : i32
          %dma_start3A_298 = arith.constant 0 : i32
          %dma_start3A_299 = tpu.memref_slice %arg8[%dma_start3A_296, %while3A_295, %dma_start3A_298] : memref<2x64x128xf32, #tpu.memory_space<vmem>> -> memref<1x1x128xf32, #tpu.memory_space<vmem>>
          %dma_start3A_300 = tpu.memref_squeeze %dma_start3A_299 : memref<1x1x128xf32, #tpu.memory_space<vmem>> -> memref<128xf32, #tpu.memory_space<vmem>>
          %dma_start3A_301 = arith.constant 0 : i32
          %dma_start3A_302 = tpu.memref_slice %arg7[%dma_start3A_297, %while3A_295, %dma_start3A_301] : memref<2x64x128xi32, #tpu.memory_space<vmem>> -> memref<1x1x128xi32, #tpu.memory_space<vmem>>
          %dma_start3A_303 = tpu.memref_squeeze %dma_start3A_302 : memref<1x1x128xi32, #tpu.memory_space<vmem>> -> memref<128xi32, #tpu.memory_space<vmem>>
          %dma_start3A_304 = arith.constant 0 : i32
          %dma_start3A_305 = tpu.memref_slice %arg10[%dma_start3A_304] : memref<1056768xf32, #tpu.memory_space<vmem_shared>> -> memref<1056768xf32, #tpu.memory_space<vmem_shared>>
          tpu.enqueue_indirect_dma source(%dma_start3A_300 : memref<128xf32, #tpu.memory_space<vmem>>) target(%dma_start3A_305 : memref<1056768xf32, #tpu.memory_space<vmem_shared>>) offsets(%dma_start3A_303 : memref<128xi32, #tpu.memory_space<vmem>>) semaphore(%arg12 : memref<!tpu.dma_semaphore, #tpu.memory_space<semaphore_mem>>) {add = true}
        }
        %while3A_294 = arith.constant 1 : i32
        scf.for %while3A_295 = %while3A_292 to %while3A_288 step %while3A_294  : i32 {
          %dma_start3A_296 = arith.constant 0 : i32
          %dma_start3A_297 = arith.constant 0 : i32
          %dma_start3A_298 = arith.constant 0 : i32
          %dma_start3A_299 = tpu.memref_slice %arg8[%dma_start3A_296, %while3A_295, %dma_start3A_298] : memref<2x64x128xf32, #tpu.memory_space<vmem>> -> memref<1x1x128xf32, #tpu.memory_space<vmem>>
          %dma_start3A_300 = tpu.memref_squeeze %dma_start3A_299 : memref<1x1x128xf32, #tpu.memory_space<vmem>> -> memref<128xf32, #tpu.memory_space<vmem>>
          %dma_start3A_301 = arith.constant 0 : i32
          %dma_start3A_302 = tpu.memref_slice %arg7[%dma_start3A_297, %while3A_295, %dma_start3A_301] : memref<2x64x128xi32, #tpu.memory_space<vmem>> -> memref<1x1x128xi32, #tpu.memory_space<vmem>>
          %dma_start3A_303 = tpu.memref_squeeze %dma_start3A_302 : memref<1x1x128xi32, #tpu.memory_space<vmem>> -> memref<128xi32, #tpu.memory_space<vmem>>
          %dma_start3A_304 = arith.constant 0 : i32
          %dma_start3A_305 = tpu.memref_slice %arg10[%dma_start3A_304] : memref<1056768xf32, #tpu.memory_space<vmem_shared>> -> memref<1056768xf32, #tpu.memory_space<vmem_shared>>
          tpu.enqueue_indirect_dma source(%dma_start3A_300 : memref<128xf32, #tpu.memory_space<vmem>>) target(%dma_start3A_305 : memref<1056768xf32, #tpu.memory_space<vmem_shared>>) offsets(%dma_start3A_303 : memref<128xi32, #tpu.memory_space<vmem>>) semaphore(%arg12 : memref<!tpu.dma_semaphore, #tpu.memory_space<semaphore_mem>>) {add = true}
        }
      }
      %scan3A_181 = arith.constant 8 : i32
      %mul3A_182 = arith.constant 2 : i32
      %mul3A_183 = arith.muli %scan3A_97, %mul3A_182 : i32
      %add3A_184 = arith.constant 1 : i32
      %add3A_185 = arith.addi %mul3A_183, %add3A_184 : i32
      %dma_wait3A_186 = arith.constant 0 : i32
      %dma_wait3A_187 = arith.constant 1 : i32
      %dma_wait3A_188 = arith.constant 0 : i32
      %dma_wait3A_189 = arith.constant 0 : i32
      %dma_wait3A_190 = tpu.memref_slice %arg6[%dma_wait3A_187, %dma_wait3A_188, %dma_wait3A_189] : memref<2x4x2048xf32, #tpu.memory_space<vmem>> -> memref<1x1x2048xf32, #tpu.memory_space<vmem>>
      %dma_wait3A_191 = tpu.memref_squeeze %dma_wait3A_190 : memref<1x1x2048xf32, #tpu.memory_space<vmem>> -> memref<2048xf32, #tpu.memory_space<vmem>>
      %dma_wait3A_192 = arith.constant 0 : i32
      %dma_wait3A_193 = tpu.memref_slice %arg2[%dma_wait3A_186, %dma_wait3A_192] : memref<4x2097152xf32, #tpu.memory_space<hbm>> -> memref<1x2048xf32, #tpu.memory_space<hbm>>
      %dma_wait3A_194 = tpu.memref_squeeze %dma_wait3A_193 : memref<1x2048xf32, #tpu.memory_space<hbm>> -> memref<2048xf32, #tpu.memory_space<hbm>>
      %dma_wait3A_195 = arith.constant 0 : i32
      %dma_wait3A_196 = tpu.memref_slice %arg6[%dma_wait3A_187, %dma_wait3A_188, %dma_wait3A_195] : memref<2x4x2048xf32, #tpu.memory_space<vmem>> -> memref<1x1x2048xf32, #tpu.memory_space<vmem>>
      %dma_wait3A_197 = tpu.memref_squeeze %dma_wait3A_196 : memref<1x1x2048xf32, #tpu.memory_space<vmem>> -> memref<2048xf32, #tpu.memory_space<vmem>>
      %dma_wait3A_198 = arith.constant 0 : i32
      %dma_wait3A_199 = tpu.memref_slice %arg2[%dma_wait3A_186, %dma_wait3A_198] : memref<4x2097152xf32, #tpu.memory_space<hbm>> -> memref<1x2048xf32, #tpu.memory_space<hbm>>
      %dma_wait3A_200 = tpu.memref_squeeze %dma_wait3A_199 : memref<1x2048xf32, #tpu.memory_space<hbm>> -> memref<2048xf32, #tpu.memory_space<hbm>>
      tpu.wait_dma2 semaphore(%arg11 : memref<!tpu.dma_semaphore, #tpu.memory_space<semaphore_mem>>) src(%dma_wait3A_200 : memref<2048xf32, #tpu.memory_space<hbm>>) dst(%dma_wait3A_197 : memref<2048xf32, #tpu.memory_space<vmem>>)
      %dma_wait3A_201 = arith.constant 1 : i32
      %dma_wait3A_202 = arith.constant 1 : i32
      %dma_wait3A_203 = arith.constant 1 : i32
      %dma_wait3A_204 = arith.constant 0 : i32
      %dma_wait3A_205 = tpu.memref_slice %arg6[%dma_wait3A_202, %dma_wait3A_203, %dma_wait3A_204] : memref<2x4x2048xf32, #tpu.memory_space<vmem>> -> memref<1x1x2048xf32, #tpu.memory_space<vmem>>
      %dma_wait3A_206 = tpu.memref_squeeze %dma_wait3A_205 : memref<1x1x2048xf32, #tpu.memory_space<vmem>> -> memref<2048xf32, #tpu.memory_space<vmem>>
      %dma_wait3A_207 = arith.constant 0 : i32
      %dma_wait3A_208 = tpu.memref_slice %arg2[%dma_wait3A_201, %dma_wait3A_207] : memref<4x2097152xf32, #tpu.memory_space<hbm>> -> memref<1x2048xf32, #tpu.memory_space<hbm>>
      %dma_wait3A_209 = tpu.memref_squeeze %dma_wait3A_208 : memref<1x2048xf32, #tpu.memory_space<hbm>> -> memref<2048xf32, #tpu.memory_space<hbm>>
      %dma_wait3A_210 = arith.constant 0 : i32
      %dma_wait3A_211 = tpu.memref_slice %arg6[%dma_wait3A_202, %dma_wait3A_203, %dma_wait3A_210] : memref<2x4x2048xf32, #tpu.memory_space<vmem>> -> memref<1x1x2048xf32, #tpu.memory_space<vmem>>
      %dma_wait3A_212 = tpu.memref_squeeze %dma_wait3A_211 : memref<1x1x2048xf32, #tpu.memory_space<vmem>> -> memref<2048xf32, #tpu.memory_space<vmem>>
      %dma_wait3A_213 = arith.constant 0 : i32
      %dma_wait3A_214 = tpu.memref_slice %arg2[%dma_wait3A_201, %dma_wait3A_213] : memref<4x2097152xf32, #tpu.memory_space<hbm>> -> memref<1x2048xf32, #tpu.memory_space<hbm>>
      %dma_wait3A_215 = tpu.memref_squeeze %dma_wait3A_214 : memref<1x2048xf32, #tpu.memory_space<hbm>> -> memref<2048xf32, #tpu.memory_space<hbm>>
      tpu.wait_dma2 semaphore(%arg11 : memref<!tpu.dma_semaphore, #tpu.memory_space<semaphore_mem>>) src(%dma_wait3A_215 : memref<2048xf32, #tpu.memory_space<hbm>>) dst(%dma_wait3A_212 : memref<2048xf32, #tpu.memory_space<vmem>>)
      %dma_wait3A_216 = arith.constant 2 : i32
      %dma_wait3A_217 = arith.constant 1 : i32
      %dma_wait3A_218 = arith.constant 2 : i32
      %dma_wait3A_219 = arith.constant 0 : i32
      %dma_wait3A_220 = tpu.memref_slice %arg6[%dma_wait3A_217, %dma_wait3A_218, %dma_wait3A_219] : memref<2x4x2048xf32, #tpu.memory_space<vmem>> -> memref<1x1x2048xf32, #tpu.memory_space<vmem>>
      %dma_wait3A_221 = tpu.memref_squeeze %dma_wait3A_220 : memref<1x1x2048xf32, #tpu.memory_space<vmem>> -> memref<2048xf32, #tpu.memory_space<vmem>>
      %dma_wait3A_222 = arith.constant 0 : i32
      %dma_wait3A_223 = tpu.memref_slice %arg2[%dma_wait3A_216, %dma_wait3A_222] : memref<4x2097152xf32, #tpu.memory_space<hbm>> -> memref<1x2048xf32, #tpu.memory_space<hbm>>
      %dma_wait3A_224 = tpu.memref_squeeze %dma_wait3A_223 : memref<1x2048xf32, #tpu.memory_space<hbm>> -> memref<2048xf32, #tpu.memory_space<hbm>>
      %dma_wait3A_225 = arith.constant 0 : i32
      %dma_wait3A_226 = tpu.memref_slice %arg6[%dma_wait3A_217, %dma_wait3A_218, %dma_wait3A_225] : memref<2x4x2048xf32, #tpu.memory_space<vmem>> -> memref<1x1x2048xf32, #tpu.memory_space<vmem>>
      %dma_wait3A_227 = tpu.memref_squeeze %dma_wait3A_226 : memref<1x1x2048xf32, #tpu.memory_space<vmem>> -> memref<2048xf32, #tpu.memory_space<vmem>>
      %dma_wait3A_228 = arith.constant 0 : i32
      %dma_wait3A_229 = tpu.memref_slice %arg2[%dma_wait3A_216, %dma_wait3A_228] : memref<4x2097152xf32, #tpu.memory_space<hbm>> -> memref<1x2048xf32, #tpu.memory_space<hbm>>
      %dma_wait3A_230 = tpu.memref_squeeze %dma_wait3A_229 : memref<1x2048xf32, #tpu.memory_space<hbm>> -> memref<2048xf32, #tpu.memory_space<hbm>>
      tpu.wait_dma2 semaphore(%arg11 : memref<!tpu.dma_semaphore, #tpu.memory_space<semaphore_mem>>) src(%dma_wait3A_230 : memref<2048xf32, #tpu.memory_space<hbm>>) dst(%dma_wait3A_227 : memref<2048xf32, #tpu.memory_space<vmem>>)
      %dma_wait3A_231 = arith.constant 3 : i32
      %dma_wait3A_232 = arith.constant 1 : i32
      %dma_wait3A_233 = arith.constant 3 : i32
      %dma_wait3A_234 = arith.constant 0 : i32
      %dma_wait3A_235 = tpu.memref_slice %arg6[%dma_wait3A_232, %dma_wait3A_233, %dma_wait3A_234] : memref<2x4x2048xf32, #tpu.memory_space<vmem>> -> memref<1x1x2048xf32, #tpu.memory_space<vmem>>
      %dma_wait3A_236 = tpu.memref_squeeze %dma_wait3A_235 : memref<1x1x2048xf32, #tpu.memory_space<vmem>> -> memref<2048xf32, #tpu.memory_space<vmem>>
      %dma_wait3A_237 = arith.constant 0 : i32
      %dma_wait3A_238 = tpu.memref_slice %arg2[%dma_wait3A_231, %dma_wait3A_237] : memref<4x2097152xf32, #tpu.memory_space<hbm>> -> memref<1x2048xf32, #tpu.memory_space<hbm>>
      %dma_wait3A_239 = tpu.memref_squeeze %dma_wait3A_238 : memref<1x2048xf32, #tpu.memory_space<hbm>> -> memref<2048xf32, #tpu.memory_space<hbm>>
      %dma_wait3A_240 = arith.constant 0 : i32
      %dma_wait3A_241 = tpu.memref_slice %arg6[%dma_wait3A_232, %dma_wait3A_233, %dma_wait3A_240] : memref<2x4x2048xf32, #tpu.memory_space<vmem>> -> memref<1x1x2048xf32, #tpu.memory_space<vmem>>
      %dma_wait3A_242 = tpu.memref_squeeze %dma_wait3A_241 : memref<1x1x2048xf32, #tpu.memory_space<vmem>> -> memref<2048xf32, #tpu.memory_space<vmem>>
      %dma_wait3A_243 = arith.constant 0 : i32
      %dma_wait3A_244 = tpu.memref_slice %arg2[%dma_wait3A_231, %dma_wait3A_243] : memref<4x2097152xf32, #tpu.memory_space<hbm>> -> memref<1x2048xf32, #tpu.memory_space<hbm>>
      %dma_wait3A_245 = tpu.memref_squeeze %dma_wait3A_244 : memref<1x2048xf32, #tpu.memory_space<hbm>> -> memref<2048xf32, #tpu.memory_space<hbm>>
      tpu.wait_dma2 semaphore(%arg11 : memref<!tpu.dma_semaphore, #tpu.memory_space<semaphore_mem>>) src(%dma_wait3A_245 : memref<2048xf32, #tpu.memory_space<hbm>>) dst(%dma_wait3A_242 : memref<2048xf32, #tpu.memory_space<vmem>>)
      %add3A_246 = arith.constant 1 : i32
      %add3A_247 = arith.addi %add3A_185, %add3A_246 : i32
      %lt3A_248 = arith.constant 64 : i32
      %lt3A_249 = arith.cmpi slt, %add3A_247, %lt3A_248 : i32
      %convert_element_type3A_250 = arith.extui %lt3A_249 : i1 to i32
      %cond3A_251 = arith.constant 0 : i32
      %cond3A_252 = arith.cmpi ne, %convert_element_type3A_250, %cond3A_251 : i32
      scf.if %cond3A_252 {
        %add3A_272 = arith.constant 1 : i32
        %add3A_273 = arith.addi %add3A_185, %add3A_272 : i32
        %mul3A_274 = arith.constant 2048 : i32
        %mul3A_275 = arith.muli %add3A_273, %mul3A_274 : i32
        %add3A_276 = arith.addi %mul3A_26, %mul3A_275 : i32
        %dma_start3A_277 = arith.constant 0 : i32
        %dma_start3A_278 = arith.constant 0 : i32
        %dma_start3A_279 = arith.constant 0 : i32
        %dma_start3A_280 = arith.constant 0 : i32
        %dma_start3A_281 = tpu.memref_slice %arg6[%dma_start3A_278, %dma_start3A_279, %dma_start3A_280] : memref<2x4x2048xf32, #tpu.memory_space<vmem>> -> memref<1x1x2048xf32, #tpu.memory_space<vmem>>
        %dma_start3A_282 = tpu.memref_squeeze %dma_start3A_281 : memref<1x1x2048xf32, #tpu.memory_space<vmem>> -> memref<2048xf32, #tpu.memory_space<vmem>>
        %dma_start3A_283 = tpu.memref_slice %arg2[%dma_start3A_277, %add3A_276] : memref<4x2097152xf32, #tpu.memory_space<hbm>> -> memref<1x2048xf32, #tpu.memory_space<hbm>>
        %dma_start3A_284 = tpu.memref_squeeze %dma_start3A_283 : memref<1x2048xf32, #tpu.memory_space<hbm>> -> memref<2048xf32, #tpu.memory_space<hbm>>
        %dma_start3A_285 = arith.constant 0 : i32
        %dma_start3A_286 = tpu.memref_slice %arg6[%dma_start3A_278, %dma_start3A_279, %dma_start3A_285] : memref<2x4x2048xf32, #tpu.memory_space<vmem>> -> memref<1x1x2048xf32, #tpu.memory_space<vmem>>
        %dma_start3A_287 = tpu.memref_squeeze %dma_start3A_286 : memref<1x1x2048xf32, #tpu.memory_space<vmem>> -> memref<2048xf32, #tpu.memory_space<vmem>>
        %dma_start3A_288 = tpu.memref_slice %arg2[%dma_start3A_277, %add3A_276] : memref<4x2097152xf32, #tpu.memory_space<hbm>> -> memref<1x2048xf32, #tpu.memory_space<hbm>>
        %dma_start3A_289 = tpu.memref_squeeze %dma_start3A_288 : memref<1x2048xf32, #tpu.memory_space<hbm>> -> memref<2048xf32, #tpu.memory_space<hbm>>
        tpu.enqueue_dma source(%dma_start3A_289 : memref<2048xf32, #tpu.memory_space<hbm>>) target(%dma_start3A_287 : memref<2048xf32, #tpu.memory_space<vmem>>) target_semaphore(%arg11 : memref<!tpu.dma_semaphore, #tpu.memory_space<semaphore_mem>>)
        %dma_start3A_290 = arith.constant 1 : i32
        %dma_start3A_291 = arith.constant 0 : i32
        %dma_start3A_292 = arith.constant 1 : i32
        %dma_start3A_293 = arith.constant 0 : i32
        %dma_start3A_294 = tpu.memref_slice %arg6[%dma_start3A_291, %dma_start3A_292, %dma_start3A_293] : memref<2x4x2048xf32, #tpu.memory_space<vmem>> -> memref<1x1x2048xf32, #tpu.memory_space<vmem>>
        %dma_start3A_295 = tpu.memref_squeeze %dma_start3A_294 : memref<1x1x2048xf32, #tpu.memory_space<vmem>> -> memref<2048xf32, #tpu.memory_space<vmem>>
        %dma_start3A_296 = tpu.memref_slice %arg2[%dma_start3A_290, %add3A_276] : memref<4x2097152xf32, #tpu.memory_space<hbm>> -> memref<1x2048xf32, #tpu.memory_space<hbm>>
        %dma_start3A_297 = tpu.memref_squeeze %dma_start3A_296 : memref<1x2048xf32, #tpu.memory_space<hbm>> -> memref<2048xf32, #tpu.memory_space<hbm>>
        %dma_start3A_298 = arith.constant 0 : i32
        %dma_start3A_299 = tpu.memref_slice %arg6[%dma_start3A_291, %dma_start3A_292, %dma_start3A_298] : memref<2x4x2048xf32, #tpu.memory_space<vmem>> -> memref<1x1x2048xf32, #tpu.memory_space<vmem>>
        %dma_start3A_300 = tpu.memref_squeeze %dma_start3A_299 : memref<1x1x2048xf32, #tpu.memory_space<vmem>> -> memref<2048xf32, #tpu.memory_space<vmem>>
        %dma_start3A_301 = tpu.memref_slice %arg2[%dma_start3A_290, %add3A_276] : memref<4x2097152xf32, #tpu.memory_space<hbm>> -> memref<1x2048xf32, #tpu.memory_space<hbm>>
        %dma_start3A_302 = tpu.memref_squeeze %dma_start3A_301 : memref<1x2048xf32, #tpu.memory_space<hbm>> -> memref<2048xf32, #tpu.memory_space<hbm>>
        tpu.enqueue_dma source(%dma_start3A_302 : memref<2048xf32, #tpu.memory_space<hbm>>) target(%dma_start3A_300 : memref<2048xf32, #tpu.memory_space<vmem>>) target_semaphore(%arg11 : memref<!tpu.dma_semaphore, #tpu.memory_space<semaphore_mem>>)
        %dma_start3A_303 = arith.constant 2 : i32
        %dma_start3A_304 = arith.constant 0 : i32
        %dma_start3A_305 = arith.constant 2 : i32
        %dma_start3A_306 = arith.constant 0 : i32
        %dma_start3A_307 = tpu.memref_slice %arg6[%dma_start3A_304, %dma_start3A_305, %dma_start3A_306] : memref<2x4x2048xf32, #tpu.memory_space<vmem>> -> memref<1x1x2048xf32, #tpu.memory_space<vmem>>
        %dma_start3A_308 = tpu.memref_squeeze %dma_start3A_307 : memref<1x1x2048xf32, #tpu.memory_space<vmem>> -> memref<2048xf32, #tpu.memory_space<vmem>>
        %dma_start3A_309 = tpu.memref_slice %arg2[%dma_start3A_303, %add3A_276] : memref<4x2097152xf32, #tpu.memory_space<hbm>> -> memref<1x2048xf32, #tpu.memory_space<hbm>>
        %dma_start3A_310 = tpu.memref_squeeze %dma_start3A_309 : memref<1x2048xf32, #tpu.memory_space<hbm>> -> memref<2048xf32, #tpu.memory_space<hbm>>
        %dma_start3A_311 = arith.constant 0 : i32
        %dma_start3A_312 = tpu.memref_slice %arg6[%dma_start3A_304, %dma_start3A_305, %dma_start3A_311] : memref<2x4x2048xf32, #tpu.memory_space<vmem>> -> memref<1x1x2048xf32, #tpu.memory_space<vmem>>
        %dma_start3A_313 = tpu.memref_squeeze %dma_start3A_312 : memref<1x1x2048xf32, #tpu.memory_space<vmem>> -> memref<2048xf32, #tpu.memory_space<vmem>>
        %dma_start3A_314 = tpu.memref_slice %arg2[%dma_start3A_303, %add3A_276] : memref<4x2097152xf32, #tpu.memory_space<hbm>> -> memref<1x2048xf32, #tpu.memory_space<hbm>>
        %dma_start3A_315 = tpu.memref_squeeze %dma_start3A_314 : memref<1x2048xf32, #tpu.memory_space<hbm>> -> memref<2048xf32, #tpu.memory_space<hbm>>
        tpu.enqueue_dma source(%dma_start3A_315 : memref<2048xf32, #tpu.memory_space<hbm>>) target(%dma_start3A_313 : memref<2048xf32, #tpu.memory_space<vmem>>) target_semaphore(%arg11 : memref<!tpu.dma_semaphore, #tpu.memory_space<semaphore_mem>>)
        %dma_start3A_316 = arith.constant 3 : i32
        %dma_start3A_317 = arith.constant 0 : i32
        %dma_start3A_318 = arith.constant 3 : i32
        %dma_start3A_319 = arith.constant 0 : i32
        %dma_start3A_320 = tpu.memref_slice %arg6[%dma_start3A_317, %dma_start3A_318, %dma_start3A_319] : memref<2x4x2048xf32, #tpu.memory_space<vmem>> -> memref<1x1x2048xf32, #tpu.memory_space<vmem>>
        %dma_start3A_321 = tpu.memref_squeeze %dma_start3A_320 : memref<1x1x2048xf32, #tpu.memory_space<vmem>> -> memref<2048xf32, #tpu.memory_space<vmem>>
        %dma_start3A_322 = tpu.memref_slice %arg2[%dma_start3A_316, %add3A_276] : memref<4x2097152xf32, #tpu.memory_space<hbm>> -> memref<1x2048xf32, #tpu.memory_space<hbm>>
        %dma_start3A_323 = tpu.memref_squeeze %dma_start3A_322 : memref<1x2048xf32, #tpu.memory_space<hbm>> -> memref<2048xf32, #tpu.memory_space<hbm>>
        %dma_start3A_324 = arith.constant 0 : i32
        %dma_start3A_325 = tpu.memref_slice %arg6[%dma_start3A_317, %dma_start3A_318, %dma_start3A_324] : memref<2x4x2048xf32, #tpu.memory_space<vmem>> -> memref<1x1x2048xf32, #tpu.memory_space<vmem>>
        %dma_start3A_326 = tpu.memref_squeeze %dma_start3A_325 : memref<1x1x2048xf32, #tpu.memory_space<vmem>> -> memref<2048xf32, #tpu.memory_space<vmem>>
        %dma_start3A_327 = tpu.memref_slice %arg2[%dma_start3A_316, %add3A_276] : memref<4x2097152xf32, #tpu.memory_space<hbm>> -> memref<1x2048xf32, #tpu.memory_space<hbm>>
        %dma_start3A_328 = tpu.memref_squeeze %dma_start3A_327 : memref<1x2048xf32, #tpu.memory_space<hbm>> -> memref<2048xf32, #tpu.memory_space<hbm>>
        tpu.enqueue_dma source(%dma_start3A_328 : memref<2048xf32, #tpu.memory_space<hbm>>) target(%dma_start3A_326 : memref<2048xf32, #tpu.memory_space<vmem>>) target_semaphore(%arg11 : memref<!tpu.dma_semaphore, #tpu.memory_space<semaphore_mem>>)
      } else {
      }
      %mul3A_253 = arith.constant 2048 : i32
      %mul3A_254 = arith.muli %add3A_185, %mul3A_253 : i32
      %add3A_255 = arith.addi %mul3A_26, %mul3A_254 : i32
      %mul3A_256 = arith.constant 1024 : i32
      %mul3A_257 = arith.muli %arg1, %mul3A_256 : i32
      %mul3A_258 = arith.constant 16 : i32
      %mul3A_259 = arith.muli %add3A_185, %mul3A_258 : i32
      %add3A_260 = arith.addi %mul3A_257, %mul3A_259 : i32
      %shift_right_arithmetic3A_261 = arith.constant 14 : i32
      %shift_right_arithmetic3A_262 = arith.shrsi %add3A_255, %shift_right_arithmetic3A_261 : i32
      %convert_element_type3A_263 = arith.sitofp %shift_right_arithmetic3A_262 : i32 to f32
      %add3A_264 = vector.broadcast %convert_element_type3A_263 : f32 to vector<16xf32>
      %add3A_265 = arith.addf %add3A_264, %get3A_15 : vector<16xf32>
      %scan3A_266 = arith.constant 0 : i32
      %scan3A_267 = arith.constant 0 : i32
      %scan3A_268 = arith.constant 8 : i32
      %scan3A_269 = arith.addi %scan3A_267, %scan3A_268 : i32
      %scan3A_270 = arith.constant 1 : i32
      scf.for %scan3A_272 = %scan3A_267 to %scan3A_269 step %scan3A_270  : i32 {
        %mul3A_273 = arith.constant 16 : i32
        %mul3A_274 = arith.muli %scan3A_272, %mul3A_273 : i32
        %mul3A_275 = arith.constant 16 : i32
        %mul3A_276 = arith.muli %scan3A_272, %mul3A_275 : i32
        %add3A_277 = arith.constant 16 : i32
        %add3A_278 = arith.addi %mul3A_276, %add3A_277 : i32
        %parallel_loop3A = arith.constant 1 : i32
        scf.for %parallel_loop3A_295 = %mul3A_274 to %add3A_278 step %parallel_loop3A  : i32 {
          %parallel_loop3A_296 = arith.constant 16 : i32
          %parallel_loop3A_297 = arith.muli %parallel_loop3A_295, %parallel_loop3A_296 : i32
          %parallel_loop3A_298 = arith.constant 1 : i32
          %parallel_loop3A_299 = arith.constant 0 : i32
          %parallel_loop3A_300 = arith.index_cast %parallel_loop3A_298 : i32 to index
          %parallel_loop3A_301 = arith.index_cast %parallel_loop3A_299 : i32 to index
          %parallel_loop3A_302 = arith.index_cast %parallel_loop3A_297 : i32 to index
          %parallel_loop3A_303 = tpu.vector_load %arg6[%parallel_loop3A_300, %parallel_loop3A_301, %parallel_loop3A_302] {strides = array<i32>} : memref<2x4x2048xf32, #tpu.memory_space<vmem>>, vector<1x1x16xf32>,
          %parallel_loop3A_304 = vector.shape_cast %parallel_loop3A_303 : vector<1x1x16xf32> to vector<16xf32>
          %parallel_loop3A_305 = arith.constant 16 : i32
          %parallel_loop3A_306 = arith.muli %parallel_loop3A_295, %parallel_loop3A_305 : i32
          %parallel_loop3A_307 = arith.constant 1 : i32
          %parallel_loop3A_308 = arith.constant 1 : i32
          %parallel_loop3A_309 = arith.index_cast %parallel_loop3A_307 : i32 to index
          %parallel_loop3A_310 = arith.index_cast %parallel_loop3A_308 : i32 to index
          %parallel_loop3A_311 = arith.index_cast %parallel_loop3A_306 : i32 to index
          %parallel_loop3A_312 = tpu.vector_load %arg6[%parallel_loop3A_309, %parallel_loop3A_310, %parallel_loop3A_311] {strides = array<i32>} : memref<2x4x2048xf32, #tpu.memory_space<vmem>>, vector<1x1x16xf32>,
          %parallel_loop3A_313 = vector.shape_cast %parallel_loop3A_312 : vector<1x1x16xf32> to vector<16xf32>
          %parallel_loop3A_314 = arith.constant 16 : i32
          %parallel_loop3A_315 = arith.muli %parallel_loop3A_295, %parallel_loop3A_314 : i32
          %parallel_loop3A_316 = arith.constant 1 : i32
          %parallel_loop3A_317 = arith.constant 2 : i32
          %parallel_loop3A_318 = arith.index_cast %parallel_loop3A_316 : i32 to index
          %parallel_loop3A_319 = arith.index_cast %parallel_loop3A_317 : i32 to index
          %parallel_loop3A_320 = arith.index_cast %parallel_loop3A_315 : i32 to index
          %parallel_loop3A_321 = tpu.vector_load %arg6[%parallel_loop3A_318, %parallel_loop3A_319, %parallel_loop3A_320] {strides = array<i32>} : memref<2x4x2048xf32, #tpu.memory_space<vmem>>, vector<1x1x16xf32>,
          %parallel_loop3A_322 = vector.shape_cast %parallel_loop3A_321 : vector<1x1x16xf32> to vector<16xf32>
          %parallel_loop3A_323 = arith.constant 16 : i32
          %parallel_loop3A_324 = arith.muli %parallel_loop3A_295, %parallel_loop3A_323 : i32
          %parallel_loop3A_325 = arith.constant 1 : i32
          %parallel_loop3A_326 = arith.constant 3 : i32
          %parallel_loop3A_327 = arith.index_cast %parallel_loop3A_325 : i32 to index
          %parallel_loop3A_328 = arith.index_cast %parallel_loop3A_326 : i32 to index
          %parallel_loop3A_329 = arith.index_cast %parallel_loop3A_324 : i32 to index
          %parallel_loop3A_330 = tpu.vector_load %arg6[%parallel_loop3A_327, %parallel_loop3A_328, %parallel_loop3A_329] {strides = array<i32>} : memref<2x4x2048xf32, #tpu.memory_space<vmem>>, vector<1x1x16xf32>,
          %parallel_loop3A_331 = vector.shape_cast %parallel_loop3A_330 : vector<1x1x16xf32> to vector<16xf32>
          %parallel_loop3A_332 = arith.constant 3 : i32
          %parallel_loop3A_333 = arith.shrsi %parallel_loop3A_295, %parallel_loop3A_332 : i32
          %parallel_loop3A_334 = arith.addi %add3A_260, %parallel_loop3A_333 : i32
          %parallel_loop3A_335 = arith.constant 127 : i32
          %parallel_loop3A_336 = arith.andi %parallel_loop3A_334, %parallel_loop3A_335 : i32
          %parallel_loop3A_337 = arith.sitofp %parallel_loop3A_336 : i32 to f32
          %parallel_loop3A_338 = arith.constant 7 : i32
          %parallel_loop3A_339 = arith.andi %parallel_loop3A_295, %parallel_loop3A_338 : i32
          %parallel_loop3A_340 = arith.constant 16 : i32
          %parallel_loop3A_341 = arith.muli %parallel_loop3A_339, %parallel_loop3A_340 : i32
          %parallel_loop3A_342 = arith.constant 3.072000e+00 : f32
          %parallel_loop3A_343 = vector.broadcast %parallel_loop3A_342 : f32 to vector<16xf32>
          %parallel_loop3A_344 = arith.mulf %parallel_loop3A_304, %parallel_loop3A_343 : vector<16xf32>
          %parallel_loop3A_345 = arith.addf %parallel_loop3A_344, %add3A_265 : vector<16xf32>
          %parallel_loop3A_346 = arith.constant 3.072000e+00 : f32
          %parallel_loop3A_347 = vector.broadcast %parallel_loop3A_346 : f32 to vector<16xf32>
          %parallel_loop3A_348 = arith.mulf %parallel_loop3A_313, %parallel_loop3A_347 : vector<16xf32>
          %parallel_loop3A_349 = vector.broadcast %parallel_loop3A_337 : f32 to vector<16xf32>
          %parallel_loop3A_350 = arith.addf %parallel_loop3A_349, %get3A_20 : vector<16xf32>
          %parallel_loop3A_351 = arith.addf %parallel_loop3A_348, %parallel_loop3A_350 : vector<16xf32>
          %parallel_loop3A_352 = arith.constant 3.072000e+00 : f32
          %parallel_loop3A_353 = vector.broadcast %parallel_loop3A_352 : f32 to vector<16xf32>
          %parallel_loop3A_354 = arith.mulf %parallel_loop3A_322, %parallel_loop3A_353 : vector<16xf32>
          %parallel_loop3A_355 = arith.sitofp %parallel_loop3A_341 : i32 to f32
          %parallel_loop3A_356 = vector.broadcast %parallel_loop3A_355 : f32 to vector<16xf32>
          %parallel_loop3A_357 = arith.addf %add3A, %parallel_loop3A_356 : vector<16xf32>
          %parallel_loop3A_358 = arith.addf %parallel_loop3A_354, %parallel_loop3A_357 : vector<16xf32>
          %parallel_loop3A_359 = arith.constant 16 : i32
          %parallel_loop3A_360 = arith.muli %parallel_loop3A_295, %parallel_loop3A_359 : i32
          %parallel_loop3A_361 = arith.addi %add3A_255, %parallel_loop3A_360 : i32
          %parallel_loop3A_362 = arith.constant 4095 : i32
          %parallel_loop3A_363 = arith.andi %parallel_loop3A_361, %parallel_loop3A_362 : i32
          %parallel_loop3A_364 = arith.constant 1048576 : i32
          %parallel_loop3A_365 = arith.addi %parallel_loop3A_364, %parallel_loop3A_363 : i32
          %parallel_loop3A_366 = vector.broadcast %parallel_loop3A_365 : i32 to vector<16xi32>
          %parallel_loop3A_367 = arith.addi %parallel_loop3A_366, %iota3A : vector<16xi32>
          %parallel_loop3A_368 = arith.fptosi %parallel_loop3A_345 : vector<16xf32> to vector<16xi32>
          %parallel_loop3A_369 = arith.sitofp %parallel_loop3A_368 : vector<16xi32> to vector<16xf32>
          %parallel_loop3A_370 = arith.cmpf ogt, %parallel_loop3A_369, %parallel_loop3A_345 : vector<16xf32>
          %parallel_loop3A_371 = arith.constant 1 : i32
          %parallel_loop3A_372 = arith.constant 0 : i32
          %parallel_loop3A_373 = vector.broadcast %parallel_loop3A_371 : i32 to vector<16xi32>
          %parallel_loop3A_374 = vector.broadcast %parallel_loop3A_372 : i32 to vector<16xi32>
          %parallel_loop3A_375 = arith.select %parallel_loop3A_370, %parallel_loop3A_373, %parallel_loop3A_374 : vector<16xi1>, vector<16xi32>
          %parallel_loop3A_376 = arith.subi %parallel_loop3A_368, %parallel_loop3A_375 : vector<16xi32>
          %parallel_loop3A_377 = arith.subf %parallel_loop3A_345, %parallel_loop3A_369 : vector<16xf32>
          %parallel_loop3A_378 = arith.constant 1.000000e+00 : f32
          %parallel_loop3A_379 = arith.constant 0.000000e+00 : f32
          %parallel_loop3A_380 = vector.broadcast %parallel_loop3A_378 : f32 to vector<16xf32>
          %parallel_loop3A_381 = vector.broadcast %parallel_loop3A_379 : f32 to vector<16xf32>
          %parallel_loop3A_382 = arith.select %parallel_loop3A_370, %parallel_loop3A_380, %parallel_loop3A_381 : vector<16xi1>, vector<16xf32>
          %parallel_loop3A_383 = arith.addf %parallel_loop3A_377, %parallel_loop3A_382 : vector<16xf32>
          %parallel_loop3A_384 = arith.fptosi %parallel_loop3A_351 : vector<16xf32> to vector<16xi32>
          %parallel_loop3A_385 = arith.sitofp %parallel_loop3A_384 : vector<16xi32> to vector<16xf32>
          %parallel_loop3A_386 = arith.cmpf ogt, %parallel_loop3A_385, %parallel_loop3A_351 : vector<16xf32>
          %parallel_loop3A_387 = arith.constant 1 : i32
          %parallel_loop3A_388 = arith.constant 0 : i32
          %parallel_loop3A_389 = vector.broadcast %parallel_loop3A_387 : i32 to vector<16xi32>
          %parallel_loop3A_390 = vector.broadcast %parallel_loop3A_388 : i32 to vector<16xi32>
          %parallel_loop3A_391 = arith.select %parallel_loop3A_386, %parallel_loop3A_389, %parallel_loop3A_390 : vector<16xi1>, vector<16xi32>
          %parallel_loop3A_392 = arith.subi %parallel_loop3A_384, %parallel_loop3A_391 : vector<16xi32>
          %parallel_loop3A_393 = arith.subf %parallel_loop3A_351, %parallel_loop3A_385 : vector<16xf32>
          %parallel_loop3A_394 = arith.constant 1.000000e+00 : f32
          %parallel_loop3A_395 = arith.constant 0.000000e+00 : f32
          %parallel_loop3A_396 = vector.broadcast %parallel_loop3A_394 : f32 to vector<16xf32>
          %parallel_loop3A_397 = vector.broadcast %parallel_loop3A_395 : f32 to vector<16xf32>
          %parallel_loop3A_398 = arith.select %parallel_loop3A_386, %parallel_loop3A_396, %parallel_loop3A_397 : vector<16xi1>, vector<16xf32>
          %parallel_loop3A_399 = arith.addf %parallel_loop3A_393, %parallel_loop3A_398 : vector<16xf32>
          %parallel_loop3A_400 = arith.fptosi %parallel_loop3A_358 : vector<16xf32> to vector<16xi32>
          %parallel_loop3A_401 = arith.sitofp %parallel_loop3A_400 : vector<16xi32> to vector<16xf32>
          %parallel_loop3A_402 = arith.cmpf ogt, %parallel_loop3A_401, %parallel_loop3A_358 : vector<16xf32>
          %parallel_loop3A_403 = arith.constant 1 : i32
          %parallel_loop3A_404 = arith.constant 0 : i32
          %parallel_loop3A_405 = vector.broadcast %parallel_loop3A_403 : i32 to vector<16xi32>
          %parallel_loop3A_406 = vector.broadcast %parallel_loop3A_404 : i32 to vector<16xi32>
          %parallel_loop3A_407 = arith.select %parallel_loop3A_402, %parallel_loop3A_405, %parallel_loop3A_406 : vector<16xi1>, vector<16xi32>
          %parallel_loop3A_408 = arith.subi %parallel_loop3A_400, %parallel_loop3A_407 : vector<16xi32>
          %parallel_loop3A_409 = arith.subf %parallel_loop3A_358, %parallel_loop3A_401 : vector<16xf32>
          %parallel_loop3A_410 = arith.constant 1.000000e+00 : f32
          %parallel_loop3A_411 = arith.constant 0.000000e+00 : f32
          %parallel_loop3A_412 = vector.broadcast %parallel_loop3A_410 : f32 to vector<16xf32>
          %parallel_loop3A_413 = vector.broadcast %parallel_loop3A_411 : f32 to vector<16xf32>
          %parallel_loop3A_414 = arith.select %parallel_loop3A_402, %parallel_loop3A_412, %parallel_loop3A_413 : vector<16xi1>, vector<16xf32>
          %parallel_loop3A_415 = arith.addf %parallel_loop3A_409, %parallel_loop3A_414 : vector<16xf32>
          %parallel_loop3A_416 = arith.constant 1.000000e+00 : f32
          %parallel_loop3A_417 = vector.broadcast %parallel_loop3A_416 : f32 to vector<16xf32>
          %parallel_loop3A_418 = arith.subf %parallel_loop3A_417, %parallel_loop3A_383 : vector<16xf32>
          %parallel_loop3A_419 = arith.constant 1.000000e+00 : f32
          %parallel_loop3A_420 = vector.broadcast %parallel_loop3A_419 : f32 to vector<16xf32>
          %parallel_loop3A_421 = arith.subf %parallel_loop3A_420, %parallel_loop3A_399 : vector<16xf32>
          %parallel_loop3A_422 = arith.constant 1.000000e+00 : f32
          %parallel_loop3A_423 = vector.broadcast %parallel_loop3A_422 : f32 to vector<16xf32>
          %parallel_loop3A_424 = arith.subf %parallel_loop3A_423, %parallel_loop3A_415 : vector<16xf32>
          %parallel_loop3A_425 = arith.constant 1 : i32
          %parallel_loop3A_426 = vector.broadcast %parallel_loop3A_425 : i32 to vector<16xi32>
          %parallel_loop3A_427 = arith.andi %parallel_loop3A_408, %parallel_loop3A_426 : vector<16xi32>
          %parallel_loop3A_428 = vector.broadcast %arg0 : i32 to vector<16xi32>
          %parallel_loop3A_429 = arith.xori %parallel_loop3A_427, %parallel_loop3A_428 : vector<16xi32>
          %parallel_loop3A_430 = arith.addi %parallel_loop3A_408, %parallel_loop3A_429 : vector<16xi32>
          %parallel_loop3A_431 = arith.constant 0 : i32
          %parallel_loop3A_432 = vector.broadcast %parallel_loop3A_431 : i32 to vector<16xi32>
          %parallel_loop3A_433 = arith.cmpi eq, %parallel_loop3A_429, %parallel_loop3A_432 : vector<16xi32>
          %parallel_loop3A_434 = arith.select %parallel_loop3A_433, %parallel_loop3A_424, %parallel_loop3A_415 : vector<16xi1>, vector<16xf32>
          %parallel_loop3A_435 = arith.mulf %parallel_loop3A_331, %parallel_loop3A_434 : vector<16xf32>
          %parallel_loop3A_436 = arith.constant 128 : i32
          %parallel_loop3A_437 = vector.broadcast %parallel_loop3A_436 : i32 to vector<16xi32>
          %parallel_loop3A_438 = arith.cmpi ult, %parallel_loop3A_376, %parallel_loop3A_437 : vector<16xi32>
          %parallel_loop3A_439 = arith.constant 1 : i32
          %parallel_loop3A_440 = vector.broadcast %parallel_loop3A_439 : i32 to vector<16xi32>
          %parallel_loop3A_441 = arith.addi %parallel_loop3A_376, %parallel_loop3A_440 : vector<16xi32>
          %parallel_loop3A_442 = arith.constant 128 : i32
          %parallel_loop3A_443 = vector.broadcast %parallel_loop3A_442 : i32 to vector<16xi32>
          %parallel_loop3A_444 = arith.cmpi ult, %parallel_loop3A_441, %parallel_loop3A_443 : vector<16xi32>
          %parallel_loop3A_445 = arith.constant 128 : i32
          %parallel_loop3A_446 = vector.broadcast %parallel_loop3A_445 : i32 to vector<16xi32>
          %parallel_loop3A_447 = arith.cmpi ult, %parallel_loop3A_392, %parallel_loop3A_446 : vector<16xi32>
          %parallel_loop3A_448 = arith.constant 1 : i32
          %parallel_loop3A_449 = vector.broadcast %parallel_loop3A_448 : i32 to vector<16xi32>
          %parallel_loop3A_450 = arith.addi %parallel_loop3A_392, %parallel_loop3A_449 : vector<16xi32>
          %parallel_loop3A_451 = arith.constant 128 : i32
          %parallel_loop3A_452 = vector.broadcast %parallel_loop3A_451 : i32 to vector<16xi32>
          %parallel_loop3A_453 = arith.cmpi ult, %parallel_loop3A_450, %parallel_loop3A_452 : vector<16xi32>
          %parallel_loop3A_454 = arith.constant 128 : i32
          %parallel_loop3A_455 = vector.broadcast %parallel_loop3A_454 : i32 to vector<16xi32>
          %parallel_loop3A_456 = arith.cmpi ult, %parallel_loop3A_430, %parallel_loop3A_455 : vector<16xi32>
          %parallel_loop3A_457 = arith.constant 8192 : i32
          %parallel_loop3A_458 = vector.broadcast %parallel_loop3A_457 : i32 to vector<16xi32>
          %parallel_loop3A_459 = arith.muli %parallel_loop3A_376, %parallel_loop3A_458 : vector<16xi32>
          %parallel_loop3A_460 = arith.constant 8192 : i32
          %parallel_loop3A_461 = vector.broadcast %parallel_loop3A_460 : i32 to vector<16xi32>
          %parallel_loop3A_462 = arith.addi %parallel_loop3A_459, %parallel_loop3A_461 : vector<16xi32>
          %parallel_loop3A_463 = arith.constant 64 : i32
          %parallel_loop3A_464 = vector.broadcast %parallel_loop3A_463 : i32 to vector<16xi32>
          %parallel_loop3A_465 = arith.muli %parallel_loop3A_392, %parallel_loop3A_464 : vector<16xi32>
          %parallel_loop3A_466 = arith.constant 1 : i32
          %parallel_loop3A_467 = vector.broadcast %parallel_loop3A_466 : i32 to vector<16xi32>
          %parallel_loop3A_468 = arith.shrsi %parallel_loop3A_430, %parallel_loop3A_467 : vector<16xi32>
          %parallel_loop3A_469 = arith.addi %parallel_loop3A_465, %parallel_loop3A_468 : vector<16xi32>
          %parallel_loop3A_470 = arith.constant 64 : i32
          %parallel_loop3A_471 = vector.broadcast %parallel_loop3A_470 : i32 to vector<16xi32>
          %parallel_loop3A_472 = arith.addi %parallel_loop3A_469, %parallel_loop3A_471 : vector<16xi32>
          %parallel_loop3A_473 = arith.mulf %parallel_loop3A_418, %parallel_loop3A_435 : vector<16xf32>
          %parallel_loop3A_474 = arith.mulf %parallel_loop3A_383, %parallel_loop3A_435 : vector<16xf32>
          %parallel_loop3A_475 = arith.andi %parallel_loop3A_438, %parallel_loop3A_456 : vector<16xi1>
          %parallel_loop3A_476 = arith.andi %parallel_loop3A_444, %parallel_loop3A_456 : vector<16xi1>
          %parallel_loop3A_477 = arith.mulf %parallel_loop3A_473, %parallel_loop3A_421 : vector<16xf32>
          %parallel_loop3A_478 = arith.addi %parallel_loop3A_459, %parallel_loop3A_469 : vector<16xi32>
          %parallel_loop3A_479 = arith.andi %parallel_loop3A_475, %parallel_loop3A_447 : vector<16xi1>
          %parallel_loop3A_480 = arith.select %parallel_loop3A_479, %parallel_loop3A_478, %parallel_loop3A_367 : vector<16xi1>, vector<16xi32>
          %parallel_loop3A_481 = arith.constant 1 : i32
          %parallel_loop3A_482 = arith.shrsi %parallel_loop3A_295, %parallel_loop3A_481 : i32
          %parallel_loop3A_483 = arith.constant 1 : i32
          %parallel_loop3A_484 = arith.andi %parallel_loop3A_295, %parallel_loop3A_483 : i32
          %parallel_loop3A_485 = arith.constant 64 : i32
          %parallel_loop3A_486 = arith.muli %parallel_loop3A_484, %parallel_loop3A_485 : i32
          %parallel_loop3A_487 = arith.constant 0 : i32
          %parallel_loop3A_488 = arith.addi %parallel_loop3A_486, %parallel_loop3A_487 : i32
          %parallel_loop3A_489 = arith.constant 1 : i32
          %parallel_loop3A_490 = arith.index_cast %parallel_loop3A_489 : i32 to index
          %parallel_loop3A_491 = arith.index_cast %parallel_loop3A_482 : i32 to index
          %parallel_loop3A_492 = arith.index_cast %parallel_loop3A_488 : i32 to index
          %parallel_loop3A_493 = tpu.vector_load %arg7[%parallel_loop3A_490, %parallel_loop3A_491, %parallel_loop3A_492] {strides = array<i32>} : memref<2x64x128xi32, #tpu.memory_space<vmem>>, vector<1x1x16xi32>,
          %parallel_loop3A_494 = vector.shape_cast %parallel_loop3A_493 : vector<1x1x16xi32> to vector<16xi32>
          %parallel_loop3A_495 = vector.shape_cast %parallel_loop3A_480 : vector<16xi32> to vector<1x1x16xi32>
          tpu.vector_store %arg7[%parallel_loop3A_490, %parallel_loop3A_491, %parallel_loop3A_492], %parallel_loop3A_495 {strides = array<i32>} : memref<2x64x128xi32, #tpu.memory_space<vmem>>, vector<1x1x16xi32>,
          %parallel_loop3A_496 = arith.constant 1 : i32
          %parallel_loop3A_497 = arith.shrsi %parallel_loop3A_295, %parallel_loop3A_496 : i32
          %parallel_loop3A_498 = arith.constant 1 : i32
          %parallel_loop3A_499 = arith.andi %parallel_loop3A_295, %parallel_loop3A_498 : i32
          %parallel_loop3A_500 = arith.constant 64 : i32
          %parallel_loop3A_501 = arith.muli %parallel_loop3A_499, %parallel_loop3A_500 : i32
          %parallel_loop3A_502 = arith.constant 0 : i32
          %parallel_loop3A_503 = arith.addi %parallel_loop3A_501, %parallel_loop3A_502 : i32
          %parallel_loop3A_504 = arith.constant 1 : i32
          %parallel_loop3A_505 = arith.index_cast %parallel_loop3A_504 : i32 to index
          %parallel_loop3A_506 = arith.index_cast %parallel_loop3A_497 : i32 to index
          %parallel_loop3A_507 = arith.index_cast %parallel_loop3A_503 : i32 to index
          %parallel_loop3A_508 = tpu.vector_load %arg8[%parallel_loop3A_505, %parallel_loop3A_506, %parallel_loop3A_507] {strides = array<i32>} : memref<2x64x128xf32, #tpu.memory_space<vmem>>, vector<1x1x16xf32>,
          %parallel_loop3A_509 = vector.shape_cast %parallel_loop3A_508 : vector<1x1x16xf32> to vector<16xf32>
          %parallel_loop3A_510 = vector.shape_cast %parallel_loop3A_477 : vector<16xf32> to vector<1x1x16xf32>
          tpu.vector_store %arg8[%parallel_loop3A_505, %parallel_loop3A_506, %parallel_loop3A_507], %parallel_loop3A_510 {strides = array<i32>} : memref<2x64x128xf32, #tpu.memory_space<vmem>>, vector<1x1x16xf32>,
          %parallel_loop3A_511 = arith.mulf %parallel_loop3A_473, %parallel_loop3A_399 : vector<16xf32>
          %parallel_loop3A_512 = arith.addi %parallel_loop3A_459, %parallel_loop3A_472 : vector<16xi32>
          %parallel_loop3A_513 = arith.andi %parallel_loop3A_475, %parallel_loop3A_453 : vector<16xi1>
          %parallel_loop3A_514 = arith.select %parallel_loop3A_513, %parallel_loop3A_512, %parallel_loop3A_367 : vector<16xi1>, vector<16xi32>
          %parallel_loop3A_515 = arith.constant 1 : i32
          %parallel_loop3A_516 = arith.shrsi %parallel_loop3A_295, %parallel_loop3A_515 : i32
          %parallel_loop3A_517 = arith.constant 1 : i32
          %parallel_loop3A_518 = arith.andi %parallel_loop3A_295, %parallel_loop3A_517 : i32
          %parallel_loop3A_519 = arith.constant 64 : i32
          %parallel_loop3A_520 = arith.muli %parallel_loop3A_518, %parallel_loop3A_519 : i32
          %parallel_loop3A_521 = arith.constant 16 : i32
          %parallel_loop3A_522 = arith.addi %parallel_loop3A_520, %parallel_loop3A_521 : i32
          %parallel_loop3A_523 = arith.constant 1 : i32
          %parallel_loop3A_524 = arith.index_cast %parallel_loop3A_523 : i32 to index
          %parallel_loop3A_525 = arith.index_cast %parallel_loop3A_516 : i32 to index
          %parallel_loop3A_526 = arith.index_cast %parallel_loop3A_522 : i32 to index
          %parallel_loop3A_527 = tpu.vector_load %arg7[%parallel_loop3A_524, %parallel_loop3A_525, %parallel_loop3A_526] {strides = array<i32>} : memref<2x64x128xi32, #tpu.memory_space<vmem>>, vector<1x1x16xi32>,
          %parallel_loop3A_528 = vector.shape_cast %parallel_loop3A_527 : vector<1x1x16xi32> to vector<16xi32>
          %parallel_loop3A_529 = vector.shape_cast %parallel_loop3A_514 : vector<16xi32> to vector<1x1x16xi32>
          tpu.vector_store %arg7[%parallel_loop3A_524, %parallel_loop3A_525, %parallel_loop3A_526], %parallel_loop3A_529 {strides = array<i32>} : memref<2x64x128xi32, #tpu.memory_space<vmem>>, vector<1x1x16xi32>,
          %parallel_loop3A_530 = arith.constant 1 : i32
          %parallel_loop3A_531 = arith.shrsi %parallel_loop3A_295, %parallel_loop3A_530 : i32
          %parallel_loop3A_532 = arith.constant 1 : i32
          %parallel_loop3A_533 = arith.andi %parallel_loop3A_295, %parallel_loop3A_532 : i32
          %parallel_loop3A_534 = arith.constant 64 : i32
          %parallel_loop3A_535 = arith.muli %parallel_loop3A_533, %parallel_loop3A_534 : i32
          %parallel_loop3A_536 = arith.constant 16 : i32
          %parallel_loop3A_537 = arith.addi %parallel_loop3A_535, %parallel_loop3A_536 : i32
          %parallel_loop3A_538 = arith.constant 1 : i32
          %parallel_loop3A_539 = arith.index_cast %parallel_loop3A_538 : i32 to index
          %parallel_loop3A_540 = arith.index_cast %parallel_loop3A_531 : i32 to index
          %parallel_loop3A_541 = arith.index_cast %parallel_loop3A_537 : i32 to index
          %parallel_loop3A_542 = tpu.vector_load %arg8[%parallel_loop3A_539, %parallel_loop3A_540, %parallel_loop3A_541] {strides = array<i32>} : memref<2x64x128xf32, #tpu.memory_space<vmem>>, vector<1x1x16xf32>,
          %parallel_loop3A_543 = vector.shape_cast %parallel_loop3A_542 : vector<1x1x16xf32> to vector<16xf32>
          %parallel_loop3A_544 = vector.shape_cast %parallel_loop3A_511 : vector<16xf32> to vector<1x1x16xf32>
          tpu.vector_store %arg8[%parallel_loop3A_539, %parallel_loop3A_540, %parallel_loop3A_541], %parallel_loop3A_544 {strides = array<i32>} : memref<2x64x128xf32, #tpu.memory_space<vmem>>, vector<1x1x16xf32>,
          %parallel_loop3A_545 = arith.mulf %parallel_loop3A_474, %parallel_loop3A_421 : vector<16xf32>
          %parallel_loop3A_546 = arith.addi %parallel_loop3A_462, %parallel_loop3A_469 : vector<16xi32>
          %parallel_loop3A_547 = arith.andi %parallel_loop3A_476, %parallel_loop3A_447 : vector<16xi1>
          %parallel_loop3A_548 = arith.select %parallel_loop3A_547, %parallel_loop3A_546, %parallel_loop3A_367 : vector<16xi1>, vector<16xi32>
          %parallel_loop3A_549 = arith.constant 1 : i32
          %parallel_loop3A_550 = arith.shrsi %parallel_loop3A_295, %parallel_loop3A_549 : i32
          %parallel_loop3A_551 = arith.constant 1 : i32
          %parallel_loop3A_552 = arith.andi %parallel_loop3A_295, %parallel_loop3A_551 : i32
          %parallel_loop3A_553 = arith.constant 64 : i32
          %parallel_loop3A_554 = arith.muli %parallel_loop3A_552, %parallel_loop3A_553 : i32
          %parallel_loop3A_555 = arith.constant 32 : i32
          %parallel_loop3A_556 = arith.addi %parallel_loop3A_554, %parallel_loop3A_555 : i32
          %parallel_loop3A_557 = arith.constant 1 : i32
          %parallel_loop3A_558 = arith.index_cast %parallel_loop3A_557 : i32 to index
          %parallel_loop3A_559 = arith.index_cast %parallel_loop3A_550 : i32 to index
          %parallel_loop3A_560 = arith.index_cast %parallel_loop3A_556 : i32 to index
          %parallel_loop3A_561 = tpu.vector_load %arg7[%parallel_loop3A_558, %parallel_loop3A_559, %parallel_loop3A_560] {strides = array<i32>} : memref<2x64x128xi32, #tpu.memory_space<vmem>>, vector<1x1x16xi32>,
          %parallel_loop3A_562 = vector.shape_cast %parallel_loop3A_561 : vector<1x1x16xi32> to vector<16xi32>
          %parallel_loop3A_563 = vector.shape_cast %parallel_loop3A_548 : vector<16xi32> to vector<1x1x16xi32>
          tpu.vector_store %arg7[%parallel_loop3A_558, %parallel_loop3A_559, %parallel_loop3A_560], %parallel_loop3A_563 {strides = array<i32>} : memref<2x64x128xi32, #tpu.memory_space<vmem>>, vector<1x1x16xi32>,
          %parallel_loop3A_564 = arith.constant 1 : i32
          %parallel_loop3A_565 = arith.shrsi %parallel_loop3A_295, %parallel_loop3A_564 : i32
          %parallel_loop3A_566 = arith.constant 1 : i32
          %parallel_loop3A_567 = arith.andi %parallel_loop3A_295, %parallel_loop3A_566 : i32
          %parallel_loop3A_568 = arith.constant 64 : i32
          %parallel_loop3A_569 = arith.muli %parallel_loop3A_567, %parallel_loop3A_568 : i32
          %parallel_loop3A_570 = arith.constant 32 : i32
          %parallel_loop3A_571 = arith.addi %parallel_loop3A_569, %parallel_loop3A_570 : i32
          %parallel_loop3A_572 = arith.constant 1 : i32
          %parallel_loop3A_573 = arith.index_cast %parallel_loop3A_572 : i32 to index
          %parallel_loop3A_574 = arith.index_cast %parallel_loop3A_565 : i32 to index
          %parallel_loop3A_575 = arith.index_cast %parallel_loop3A_571 : i32 to index
          %parallel_loop3A_576 = tpu.vector_load %arg8[%parallel_loop3A_573, %parallel_loop3A_574, %parallel_loop3A_575] {strides = array<i32>} : memref<2x64x128xf32, #tpu.memory_space<vmem>>, vector<1x1x16xf32>,
          %parallel_loop3A_577 = vector.shape_cast %parallel_loop3A_576 : vector<1x1x16xf32> to vector<16xf32>
          %parallel_loop3A_578 = vector.shape_cast %parallel_loop3A_545 : vector<16xf32> to vector<1x1x16xf32>
          tpu.vector_store %arg8[%parallel_loop3A_573, %parallel_loop3A_574, %parallel_loop3A_575], %parallel_loop3A_578 {strides = array<i32>} : memref<2x64x128xf32, #tpu.memory_space<vmem>>, vector<1x1x16xf32>,
          %parallel_loop3A_579 = arith.mulf %parallel_loop3A_474, %parallel_loop3A_399 : vector<16xf32>
          %parallel_loop3A_580 = arith.addi %parallel_loop3A_462, %parallel_loop3A_472 : vector<16xi32>
          %parallel_loop3A_581 = arith.andi %parallel_loop3A_476, %parallel_loop3A_453 : vector<16xi1>
          %parallel_loop3A_582 = arith.select %parallel_loop3A_581, %parallel_loop3A_580, %parallel_loop3A_367 : vector<16xi1>, vector<16xi32>
          %parallel_loop3A_583 = arith.constant 1 : i32
          %parallel_loop3A_584 = arith.shrsi %parallel_loop3A_295, %parallel_loop3A_583 : i32
          %parallel_loop3A_585 = arith.constant 1 : i32
          %parallel_loop3A_586 = arith.andi %parallel_loop3A_295, %parallel_loop3A_585 : i32
          %parallel_loop3A_587 = arith.constant 64 : i32
          %parallel_loop3A_588 = arith.muli %parallel_loop3A_586, %parallel_loop3A_587 : i32
          %parallel_loop3A_589 = arith.constant 48 : i32
          %parallel_loop3A_590 = arith.addi %parallel_loop3A_588, %parallel_loop3A_589 : i32
          %parallel_loop3A_591 = arith.constant 1 : i32
          %parallel_loop3A_592 = arith.index_cast %parallel_loop3A_591 : i32 to index
          %parallel_loop3A_593 = arith.index_cast %parallel_loop3A_584 : i32 to index
          %parallel_loop3A_594 = arith.index_cast %parallel_loop3A_590 : i32 to index
          %parallel_loop3A_595 = tpu.vector_load %arg7[%parallel_loop3A_592, %parallel_loop3A_593, %parallel_loop3A_594] {strides = array<i32>} : memref<2x64x128xi32, #tpu.memory_space<vmem>>, vector<1x1x16xi32>,
          %parallel_loop3A_596 = vector.shape_cast %parallel_loop3A_595 : vector<1x1x16xi32> to vector<16xi32>
          %parallel_loop3A_597 = vector.shape_cast %parallel_loop3A_582 : vector<16xi32> to vector<1x1x16xi32>
          tpu.vector_store %arg7[%parallel_loop3A_592, %parallel_loop3A_593, %parallel_loop3A_594], %parallel_loop3A_597 {strides = array<i32>} : memref<2x64x128xi32, #tpu.memory_space<vmem>>, vector<1x1x16xi32>,
          %parallel_loop3A_598 = arith.constant 1 : i32
          %parallel_loop3A_599 = arith.shrsi %parallel_loop3A_295, %parallel_loop3A_598 : i32
          %parallel_loop3A_600 = arith.constant 1 : i32
          %parallel_loop3A_601 = arith.andi %parallel_loop3A_295, %parallel_loop3A_600 : i32
          %parallel_loop3A_602 = arith.constant 64 : i32
          %parallel_loop3A_603 = arith.muli %parallel_loop3A_601, %parallel_loop3A_602 : i32
          %parallel_loop3A_604 = arith.constant 48 : i32
          %parallel_loop3A_605 = arith.addi %parallel_loop3A_603, %parallel_loop3A_604 : i32
          %parallel_loop3A_606 = arith.constant 1 : i32
          %parallel_loop3A_607 = arith.index_cast %parallel_loop3A_606 : i32 to index
          %parallel_loop3A_608 = arith.index_cast %parallel_loop3A_599 : i32 to index
          %parallel_loop3A_609 = arith.index_cast %parallel_loop3A_605 : i32 to index
          %parallel_loop3A_610 = tpu.vector_load %arg8[%parallel_loop3A_607, %parallel_loop3A_608, %parallel_loop3A_609] {strides = array<i32>} : memref<2x64x128xf32, #tpu.memory_space<vmem>>, vector<1x1x16xf32>,
          %parallel_loop3A_611 = vector.shape_cast %parallel_loop3A_610 : vector<1x1x16xf32> to vector<16xf32>
          %parallel_loop3A_612 = vector.shape_cast %parallel_loop3A_579 : vector<16xf32> to vector<1x1x16xf32>
          tpu.vector_store %arg8[%parallel_loop3A_607, %parallel_loop3A_608, %parallel_loop3A_609], %parallel_loop3A_612 {strides = array<i32>} : memref<2x64x128xf32, #tpu.memory_space<vmem>>, vector<1x1x16xf32>,
        } {sc.loop_unroll_factor = 2 : i64, sc.parallel_access}
        %ge3A = arith.constant 2 : i32
        %ge3A_279 = arith.cmpi sge, %add3A_185, %ge3A : i32
        %convert_element_type3A_280 = arith.extui %ge3A_279 : i1 to i32
        %cond3A_281 = arith.constant 0 : i32
        %cond3A_282 = arith.cmpi ne, %convert_element_type3A_280, %cond3A_281 : i32
        scf.if %cond3A_282 {
          %scan3A_295 = arith.constant 0 : i32
          %scan3A_296 = arith.constant 0 : i32
          %scan3A_297 = arith.constant 8 : i32
          %scan3A_298 = arith.addi %scan3A_296, %scan3A_297 : i32
          %scan3A_299 = arith.constant 1 : i32
          scf.for %scan3A_301 = %scan3A_296 to %scan3A_298 step %scan3A_299  : i32 {
            %dma_wait3A_302 = arith.constant 0 : i32
            %dma_wait3A_303 = arith.constant 0 : i32
            %dma_wait3A_304 = arith.constant 0 : i32
            %dma_wait3A_305 = arith.constant 0 : i32
            %dma_wait3A_306 = arith.constant 0 : i32
            %dma_wait3A_307 = tpu.memref_slice %arg8[%dma_wait3A_302, %dma_wait3A_303, %dma_wait3A_306] : memref<2x64x128xf32, #tpu.memory_space<vmem>> -> memref<1x1x128xf32, #tpu.memory_space<vmem>>
            %dma_wait3A_308 = tpu.memref_squeeze %dma_wait3A_307 : memref<1x1x128xf32, #tpu.memory_space<vmem>> -> memref<128xf32, #tpu.memory_space<vmem>>
            %dma_wait3A_309 = arith.constant 0 : i32
            %dma_wait3A_310 = tpu.memref_slice %arg7[%dma_wait3A_304, %dma_wait3A_305, %dma_wait3A_309] : memref<2x64x128xi32, #tpu.memory_space<vmem>> -> memref<1x1x128xi32, #tpu.memory_space<vmem>>
            %dma_wait3A_311 = tpu.memref_squeeze %dma_wait3A_310 : memref<1x1x128xi32, #tpu.memory_space<vmem>> -> memref<128xi32, #tpu.memory_space<vmem>>
            %dma_wait3A_312 = arith.constant 0 : i32
            %dma_wait3A_313 = tpu.memref_slice %arg10[%dma_wait3A_312] : memref<1056768xf32, #tpu.memory_space<vmem_shared>> -> memref<1056768xf32, #tpu.memory_space<vmem_shared>>
            tpu.wait_indirect_dma semaphore(%arg12 : memref<!tpu.dma_semaphore, #tpu.memory_space<semaphore_mem>>) src(%dma_wait3A_308 : memref<128xf32, #tpu.memory_space<vmem>>) dst(%dma_wait3A_313 : memref<1056768xf32, #tpu.memory_space<vmem_shared>>)
          }
          %scan3A_300 = arith.constant 8 : i32
        } else {
        }
        %mul3A_283 = arith.constant 8 : i32
        %mul3A_284 = arith.muli %scan3A_272, %mul3A_283 : i32
        %add3A_285 = arith.constant 8 : i32
        %add3A_286 = arith.addi %mul3A_284, %add3A_285 : i32
        %while3A = arith.constant 0 : i32
        %while3A_287 = arith.subi %add3A_286, %mul3A_284 : i32
        %while3A_288 = arith.addi %mul3A_284, %while3A_287 : i32
        %while3A_289 = arith.constant 1 : i32
        %while3A_290 = arith.divsi %while3A_287, %while3A_289 : i32
        %while3A_291 = arith.muli %while3A_290, %while3A_289 : i32
        %while3A_292 = arith.addi %mul3A_284, %while3A_291 : i32
        %while3A_293 = arith.constant 1 : i32
        scf.for %while3A_295 = %mul3A_284 to %while3A_292 step %while3A_293  : i32 {
          %dma_start3A_296 = arith.constant 1 : i32
          %dma_start3A_297 = arith.constant 1 : i32
          %dma_start3A_298 = arith.constant 0 : i32
          %dma_start3A_299 = tpu.memref_slice %arg8[%dma_start3A_296, %while3A_295, %dma_start3A_298] : memref<2x64x128xf32, #tpu.memory_space<vmem>> -> memref<1x1x128xf32, #tpu.memory_space<vmem>>
          %dma_start3A_300 = tpu.memref_squeeze %dma_start3A_299 : memref<1x1x128xf32, #tpu.memory_space<vmem>> -> memref<128xf32, #tpu.memory_space<vmem>>
          %dma_start3A_301 = arith.constant 0 : i32
          %dma_start3A_302 = tpu.memref_slice %arg7[%dma_start3A_297, %while3A_295, %dma_start3A_301] : memref<2x64x128xi32, #tpu.memory_space<vmem>> -> memref<1x1x128xi32, #tpu.memory_space<vmem>>
          %dma_start3A_303 = tpu.memref_squeeze %dma_start3A_302 : memref<1x1x128xi32, #tpu.memory_space<vmem>> -> memref<128xi32, #tpu.memory_space<vmem>>
          %dma_start3A_304 = arith.constant 0 : i32
          %dma_start3A_305 = tpu.memref_slice %arg10[%dma_start3A_304] : memref<1056768xf32, #tpu.memory_space<vmem_shared>> -> memref<1056768xf32, #tpu.memory_space<vmem_shared>>
          tpu.enqueue_indirect_dma source(%dma_start3A_300 : memref<128xf32, #tpu.memory_space<vmem>>) target(%dma_start3A_305 : memref<1056768xf32, #tpu.memory_space<vmem_shared>>) offsets(%dma_start3A_303 : memref<128xi32, #tpu.memory_space<vmem>>) semaphore(%arg12 : memref<!tpu.dma_semaphore, #tpu.memory_space<semaphore_mem>>) {add = true}
        }
        %while3A_294 = arith.constant 1 : i32
        scf.for %while3A_295 = %while3A_292 to %while3A_288 step %while3A_294  : i32 {
          %dma_start3A_296 = arith.constant 1 : i32
          %dma_start3A_297 = arith.constant 1 : i32
          %dma_start3A_298 = arith.constant 0 : i32
          %dma_start3A_299 = tpu.memref_slice %arg8[%dma_start3A_296, %while3A_295, %dma_start3A_298] : memref<2x64x128xf32, #tpu.memory_space<vmem>> -> memref<1x1x128xf32, #tpu.memory_space<vmem>>
          %dma_start3A_300 = tpu.memref_squeeze %dma_start3A_299 : memref<1x1x128xf32, #tpu.memory_space<vmem>> -> memref<128xf32, #tpu.memory_space<vmem>>
          %dma_start3A_301 = arith.constant 0 : i32
          %dma_start3A_302 = tpu.memref_slice %arg7[%dma_start3A_297, %while3A_295, %dma_start3A_301] : memref<2x64x128xi32, #tpu.memory_space<vmem>> -> memref<1x1x128xi32, #tpu.memory_space<vmem>>
          %dma_start3A_303 = tpu.memref_squeeze %dma_start3A_302 : memref<1x1x128xi32, #tpu.memory_space<vmem>> -> memref<128xi32, #tpu.memory_space<vmem>>
          %dma_start3A_304 = arith.constant 0 : i32
          %dma_start3A_305 = tpu.memref_slice %arg10[%dma_start3A_304] : memref<1056768xf32, #tpu.memory_space<vmem_shared>> -> memref<1056768xf32, #tpu.memory_space<vmem_shared>>
          tpu.enqueue_indirect_dma source(%dma_start3A_300 : memref<128xf32, #tpu.memory_space<vmem>>) target(%dma_start3A_305 : memref<1056768xf32, #tpu.memory_space<vmem_shared>>) offsets(%dma_start3A_303 : memref<128xi32, #tpu.memory_space<vmem>>) semaphore(%arg12 : memref<!tpu.dma_semaphore, #tpu.memory_space<semaphore_mem>>) {add = true}
        }
      }
      %scan3A_271 = arith.constant 8 : i32
    }
    %scan3A_85 = arith.constant 32 : i32
    %scan3A_86 = arith.constant 0 : i32
    %scan3A_87 = arith.constant 0 : i32
    %scan3A_88 = arith.constant 128 : i32
    %scan3A_89 = arith.addi %scan3A_87, %scan3A_88 : i32
    %scan3A_90 = arith.constant 1 : i32
    scf.for %scan3A_97 = %scan3A_87 to %scan3A_89 step %scan3A_90  : i32 {
      %dma_wait3A = arith.constant 0 : i32
      %dma_wait3A_98 = arith.constant 0 : i32
      %dma_wait3A_99 = arith.constant 0 : i32
      %dma_wait3A_100 = arith.constant 0 : i32
      %dma_wait3A_101 = arith.constant 0 : i32
      %dma_wait3A_102 = tpu.memref_slice %arg8[%dma_wait3A, %dma_wait3A_98, %dma_wait3A_101] : memref<2x64x128xf32, #tpu.memory_space<vmem>> -> memref<1x1x128xf32, #tpu.memory_space<vmem>>
      %dma_wait3A_103 = tpu.memref_squeeze %dma_wait3A_102 : memref<1x1x128xf32, #tpu.memory_space<vmem>> -> memref<128xf32, #tpu.memory_space<vmem>>
      %dma_wait3A_104 = arith.constant 0 : i32
      %dma_wait3A_105 = tpu.memref_slice %arg7[%dma_wait3A_99, %dma_wait3A_100, %dma_wait3A_104] : memref<2x64x128xi32, #tpu.memory_space<vmem>> -> memref<1x1x128xi32, #tpu.memory_space<vmem>>
      %dma_wait3A_106 = tpu.memref_squeeze %dma_wait3A_105 : memref<1x1x128xi32, #tpu.memory_space<vmem>> -> memref<128xi32, #tpu.memory_space<vmem>>
      %dma_wait3A_107 = arith.constant 0 : i32
      %dma_wait3A_108 = tpu.memref_slice %arg10[%dma_wait3A_107] : memref<1056768xf32, #tpu.memory_space<vmem_shared>> -> memref<1056768xf32, #tpu.memory_space<vmem_shared>>
      tpu.wait_indirect_dma semaphore(%arg12 : memref<!tpu.dma_semaphore, #tpu.memory_space<semaphore_mem>>) src(%dma_wait3A_103 : memref<128xf32, #tpu.memory_space<vmem>>) dst(%dma_wait3A_108 : memref<1056768xf32, #tpu.memory_space<vmem_shared>>)
    }
    %scan3A_91 = arith.constant 128 : i32
    %barrier3A_92 = arith.constant 0 : index
    tpu.barrier barrier_id(%barrier3A_92)
    %mul3A_93 = arith.constant 65536 : i32
    %mul3A_94 = arith.muli %arg1, %mul3A_93 : i32
    %mul3A_95 = arith.constant 65536 : i32
    %mul3A_96 = arith.muli %arg1, %mul3A_95 : i32
    "tpu.region"() ({
      %run_scoped3A = tpu.sem_alloc : memref<!tpu.dma_semaphore, #tpu.memory_space<semaphore_mem>>
      %dma_start3A_97 = tpu.memref_slice %arg4[%arg0, %mul3A_96] : memref<2x1048576xf32, #tpu.memory_space<hbm>> -> memref<1x65536xf32, #tpu.memory_space<hbm>>
      %dma_start3A_98 = tpu.memref_squeeze %dma_start3A_97 : memref<1x65536xf32, #tpu.memory_space<hbm>> -> memref<65536xf32, #tpu.memory_space<hbm>>
      %dma_start3A_99 = tpu.memref_slice %arg10[%mul3A_94] : memref<1056768xf32, #tpu.memory_space<vmem_shared>> -> memref<65536xf32, #tpu.memory_space<vmem_shared>>
      tpu.enqueue_dma source(%dma_start3A_99 : memref<65536xf32, #tpu.memory_space<vmem_shared>>) target(%dma_start3A_98 : memref<65536xf32, #tpu.memory_space<hbm>>) target_semaphore(%run_scoped3A : memref<!tpu.dma_semaphore, #tpu.memory_space<semaphore_mem>>)
      %dma_wait3A = tpu.memref_slice %arg4[%arg0, %mul3A_96] : memref<2x1048576xf32, #tpu.memory_space<hbm>> -> memref<1x65536xf32, #tpu.memory_space<hbm>>
      %dma_wait3A_100 = tpu.memref_squeeze %dma_wait3A : memref<1x65536xf32, #tpu.memory_space<hbm>> -> memref<65536xf32, #tpu.memory_space<hbm>>
      %dma_wait3A_101 = tpu.memref_slice %arg10[%mul3A_94] : memref<1056768xf32, #tpu.memory_space<vmem_shared>> -> memref<65536xf32, #tpu.memory_space<vmem_shared>>
      tpu.wait_dma2 semaphore(%run_scoped3A : memref<!tpu.dma_semaphore, #tpu.memory_space<semaphore_mem>>) src(%dma_wait3A_101 : memref<65536xf32, #tpu.memory_space<vmem_shared>>) dst(%dma_wait3A_100 : memref<65536xf32, #tpu.memory_space<hbm>>)
      tpu.yield
    }) : () -> ()
    return
  }
}

module attributes {stable_mosaic.version = 14 : i64} {
  func.func @body(%arg0: i32, %arg1: memref<3x131072xf32, #tpu.memory_space<vmem>>, %arg2: memref<3x16xf32, #tpu.memory_space<vmem>>) attributes {dimension_semantics = [#tpu.dimension_semantics<arbitrary>], iteration_bounds = array<i64: 16>, scalar_prefetch = 0 : i64, scratch_operands = 0 : i64, tpu.core_type = #tpu.core_type<tc>, window_params = [{transform_indices = @transform_0, window_bounds = array<i64: 3, 131072>}, {pipeline_mode = #tpu.pipeline_mode<synchronous>, transform_indices = @transform_1, window_bounds = array<i64: 3, 16>}]} {
    %eq3A = arith.constant 0 : i32
    %eq3A_0 = arith.cmpi eq, %arg0, %eq3A : i32
    %convert_element_type3A = arith.extui %eq3A_0 : i1 to i32
    %cond3A = arith.constant 0 : i32
    %cond3A_1 = arith.cmpi ne, %convert_element_type3A, %cond3A : i32
    scf.if %cond3A_1 {
      %broadcast_in_dim3A_17 = arith.constant 0.000000e+00 : f32
      %broadcast_in_dim3A_18 = vector.broadcast %broadcast_in_dim3A_17 : f32 to vector<3x16xf32>
      %swap3A_19 = arith.constant 0 : index
      %swap3A_20 = arith.constant 0 : index
      %swap3A_21 = vector.load %arg2[%swap3A_19, %swap3A_20] : memref<3x16xf32, #tpu.memory_space<vmem>>, vector<3x16xf32>
      tpu.vector_store %arg2[%swap3A_19, %swap3A_20], %broadcast_in_dim3A_18 {strides = array<i32>} : memref<3x16xf32, #tpu.memory_space<vmem>>, vector<3x16xf32>,
    } else {
    }
    %get3A = arith.constant 0 : index
    %get3A_2 = arith.constant 0 : index
    %get3A_3 = vector.load %arg1[%get3A, %get3A_2] : memref<3x131072xf32, #tpu.memory_space<vmem>>, vector<3x131072xf32>
    %reduce_sum3A = arith.constant dense<0.000000e+00> : vector<3xf32>
    %reduce_sum3A_4 = vector.multi_reduction <add>, %get3A_3, %reduce_sum3A [1] : vector<3x131072xf32> to vector<3xf32>
    %get3A_5 = arith.constant 0 : index
    %get3A_6 = arith.constant 0 : index
    %get3A_7 = vector.load %arg2[%get3A_5, %get3A_6] : memref<3x16xf32, #tpu.memory_space<vmem>>, vector<3x16xf32>
    %broadcast_in_dim3A = vector.shape_cast %reduce_sum3A_4 : vector<3xf32> to vector<3x1xf32>
    %broadcast_in_dim3A_8 = vector.shape_cast %broadcast_in_dim3A : vector<3x1xf32> to vector<3x1xf32>
    %broadcast_in_dim3A_9 = vector.broadcast %broadcast_in_dim3A_8 : vector<3x1xf32> to vector<3x16xf32>
    %add3A = arith.addf %get3A_7, %broadcast_in_dim3A_9 : vector<3x16xf32>
    %swap3A = arith.constant 0 : index
    %swap3A_10 = arith.constant 0 : index
    %swap3A_11 = vector.load %arg2[%swap3A, %swap3A_10] : memref<3x16xf32, #tpu.memory_space<vmem>>, vector<3x16xf32>
    tpu.vector_store %arg2[%swap3A, %swap3A_10], %add3A {strides = array<i32>} : memref<3x16xf32, #tpu.memory_space<vmem>>, vector<3x16xf32>,
    %eq3A_12 = arith.constant 15 : i32
    %eq3A_13 = arith.cmpi eq, %arg0, %eq3A_12 : i32
    %convert_element_type3A_14 = arith.extui %eq3A_13 : i1 to i32
    %cond3A_15 = arith.constant 0 : i32
    %cond3A_16 = arith.cmpi ne, %convert_element_type3A_14, %cond3A_15 : i32
    scf.if %cond3A_16 {
      %get3A_17 = arith.constant 0 : index
      %get3A_18 = arith.constant 0 : index
      %get3A_19 = vector.load %arg2[%get3A_17, %get3A_18] : memref<3x16xf32, #tpu.memory_space<vmem>>, vector<3x16xf32>
      %mul3A = arith.constant 1.46484376E-6 : f32
      %mul3A_20 = vector.broadcast %mul3A : f32 to vector<3x16xf32>
      %mul3A_21 = arith.mulf %get3A_19, %mul3A_20 : vector<3x16xf32>
      %sub3A = arith.constant 5.000000e-01 : f32
      %sub3A_22 = vector.broadcast %sub3A : f32 to vector<3x16xf32>
      %sub3A_23 = arith.subf %sub3A_22, %mul3A_21 : vector<3x16xf32>
      %swap3A_24 = arith.constant 0 : index
      %swap3A_25 = arith.constant 0 : index
      %swap3A_26 = vector.load %arg2[%swap3A_24, %swap3A_25] : memref<3x16xf32, #tpu.memory_space<vmem>>, vector<3x16xf32>
      tpu.vector_store %arg2[%swap3A_24, %swap3A_25], %sub3A_23 {strides = array<i32>} : memref<3x16xf32, #tpu.memory_space<vmem>>, vector<3x16xf32>,
    } else {
    }
    return
  }
  func.func @transform_0(%arg0: i32) -> (i32, i32) {
    %c0_i32 = arith.constant 0 : i32
    %c0_i32_0 = arith.constant 0 : i32
    return %c0_i32, %arg0 : i32, i32
  }
  func.func @transform_1(%arg0: i32) -> (i32, i32) {
    %c0_i32 = arith.constant 0 : i32
    %c0_i32_0 = arith.constant 0 : i32
    %c0_i32_1 = arith.constant 0 : i32
    return %c0_i32, %c0_i32_0 : i32, i32
  }
}

</mosaic_0001>

<sc_bundles>
// kernel: kernel.4.cloned.1.call-start
scs
__scs_entry_jumppad:
0x0: {  	(pc) =	sbr.rel $0x88, $3  }
0x1: {  	(tag) =	ssettag $0x0;
	lr =	simm.s32 $0x1  }
0x2: {  	[smem:$0x3FA0] =	sst lr;
	_ =	strace $0xD0000000  }
0x3: {  	_ = 	snop  }
0x4: {  	_ = 	snop  }
0x5: {  	_ = 	snop  }
0x6: {  	_ = 	snop  }
0x7: {  	_ = 	snop  }
__scs_overlays_trampoline_lowered:
0x8: {  	[smem:$0x3FAF] =	sst s0  }
0x9: {  	[smem:$0x3FB0] =	sst s1  }
0xa: {  	[smem:$0x3FB1] =	sst s2  }
0xb: {  	[smem:$0x3FB2] =	sst s3  }
0xc: {  	[smem:$0x3FB3] =	sst s4  }
0xd: {  	[smem:$0x3FB4] =	sst s5  }
0xe: {  	[smem:$0x3FB5] =	sst s6  }
0xf: {  	[smem:$0x3FB6] =	sst s7  }
0x10: {  	[smem:$0x3FB7] =	sst s8  }
0x11: {  	[smem:$0x3FB8] =	sst s9;
	s0 =	simm.s32 @!p0 $0x0  }
0x12: {  	s1 =	sld [smem:$0x3F9E];
	s0 =	simm.s32 @p0 $0x1  }
0x13: {  	[smem:$0x3FB9] =	sst s0;
	s0 =	simm.s32 @!p1 $0x0  }
0x14: {  	s2 =	sld [smem:$0x3F9D];
	s0 =	simm.s32 @p1 $0x1  }
0x15: {  	[smem:$0x3FBA] =	sst s0;
	s0 =	simm.s32 @!p2 $0x0  }
0x16: {  	s3 =	sld [smem:$0x3FDB];
	s0 =	simm.s32 @p2 $0x1  }
0x17: {  	s4 =	simm.s32 $0x1BF5;
	[smem:$0x3FBC] =	sst s0  }
0x18: {  	s0 =	sld [smem:$0x3F9F];
	_ =	swait.ge [sflag:s4], $0x0  }
0x19: {  	s7 =	sld [smem:$0x3FA0]  }
0x1a: {  	s8 =	sadd.s32 $0xFFFFE003, lr  }
0x1b: {  	s9 =	sadd.s32 $0xFFFFFEF7, lr;
	s5 =	simm.s32 $0xFFFFFFFF;
	p2 =	slt.u32 s8, $0xFFFFF086  }
0x1c: {  	p1 =	slt.u32 s9, $0xF7A;
	s5 =	simm.s32 @!p2 $0x0  }
0x1d: {  	s5 =	simm.s32 @p1 $0x1;
	p0 =	seq.s32 s7, s2  }
0x1e: {  	s7 =	smul.u32 @!p0 $0xF7A, s2;
	p2 =	seq.s32 @!p0 s5, $0x0  }
0x1f: {  	s9 =	smul.u32 $0xF7A, s1;
	s8 =	simm.s32 @!p0 $0x1BF5;
	p2 =	por !p2, p0  }
0x20: {  	[sflag:s8] =	ssyncset.s32 @!p0 $0xFFFFF086;
	s6 =	sadd.s32 @!p0 s3, s7;
	s7 =	simm.s32 @!p0 $0x108  }
0x21: {  	s3 =	sadd.s32 s3, s9;
	s6 =	sadd.s32 @!p0 $0x88, s6;
	s7 =	simm.s32 @p2 $0x1082  }
0x22: {  	[simem:s7], [sflag:s8] =	dma.local @!p0 [hbm:s6], $0xF7A  }
0x23: {  	s9 =	sor.u32 $0xD0000000, s2;
	s6 =	simm.s32 $0x108;
	_ =	swait.ge @!p0 [sflag:s8], $0x0  }
0x24: {  	s3 =	sadd.s32 $0x88, s3;
	s6 =	simm.s32 @!p1 $0x1082;
	[sflag:s4] =	ssyncset.s32 $0xFFFFF086  }
0x25: {  	[simem:s6], [sflag:s4] =	dma.local [hbm:s3], $0xF7A  }
0x26: {  	[smem:$0x3FA0] =	sst s1;
	(tag) =	ssettag s2;
	_ =	strace s9  }
0x27: {  	s1 =	sld [smem:$0x3FB0]  }
0x28: {  	s2 =	sld [smem:$0x3FB1]  }
0x29: {  	s4 =	sld [smem:$0x3FB3]  }
0x2a: {  	p0 =	seq.s32 s5, $0x0;
	s5 =	sld [smem:$0x3FB4]  }
0x2b: {  	s6 =	sld [smem:$0x3FB5]  }
0x2c: {  	s7 =	sld [smem:$0x3FB6]  }
0x2d: {  	s3 =	simm.s32 $0x108;
	s8 =	sld [smem:$0x3FB7]  }
0x2e: {  	s3 =	simm.s32 @!p0 $0x1082;
	s9 =	sld [smem:$0x3FB8]  }
0x2f: {  	lr =	sadd.s32 s0, s3;
	s0 =	sld [smem:$0x3FAF]  }
0x30: {  	s3 =	sld [smem:$0x3FB2]  }
0x31: {  	[smem:$0x3FBB] =	sst s10  }
0x32: {  	s10 =	sld [smem:$0x3FB9];
	_ =	sdelay $0x3  }
0x33: {  	p0 =	seq.s32 s10, $0x1;
	s10 =	sld [smem:$0x3FBB];
	_ =	sdelay $0x3  }
0x34: {  	[smem:$0x3FBB] =	sst s10  }
0x35: {  	s10 =	sld [smem:$0x3FBA];
	_ =	sdelay $0x3  }
0x36: {  	p1 =	seq.s32 s10, $0x1;
	s10 =	sld [smem:$0x3FBB];
	_ =	sdelay $0x3  }
0x37: {  	[smem:$0x3FBB] =	sst s10  }
0x38: {  	s10 =	sld [smem:$0x3FBC]  }
0x39: {  	_ = 	snop;
	(pc) =	sbr.ind lr, $3  }
0x3a: {  	_ = 	snop  }
0x3b: {  	_ = 	snop  }
0x3c: {  	p2 =	seq.s32 s10, $0x1;
	s10 =	sld [smem:$0x3FBB]  }
0x3d: {  	_ =	shalt  }
0x3e: {  	_ =	shalt  }
0x3f: {  	_ =	shalt  }
0x40: {  	_ =	shalt  }
0x41: {  	_ =	shalt  }
0x42: {  	_ =	shalt  }
0x43: {  	_ =	shalt  }
0x44: {  	_ =	shalt  }
0x45: {  	_ =	shalt  }
0x46: {  	_ =	shalt  }
0x47: {  	_ =	shalt  }
0x48: {  	_ =	shalt  }
0x49: {  	_ =	shalt  }
0x4a: {  	_ =	shalt  }
0x4b: {  	_ =	shalt  }
0x4c: {  	_ =	shalt  }
0x4d: {  	_ =	shalt  }
0x4e: {  	_ =	shalt  }
0x4f: {  	_ =	shalt  }
0x50: {  	_ =	shalt  }
0x51: {  	_ =	shalt  }
0x52: {  	_ =	shalt  }
0x53: {  	_ =	shalt  }
0x54: {  	_ =	shalt  }
0x55: {  	_ =	shalt  }
0x56: {  	_ =	shalt  }
0x57: {  	_ =	shalt  }
0x58: {  	_ =	shalt  }
0x59: {  	_ =	shalt  }
0x5a: {  	_ =	shalt  }
0x5b: {  	_ =	shalt  }
0x5c: {  	_ =	shalt  }
0x5d: {  	_ =	shalt  }
0x5e: {  	_ =	shalt  }
0x5f: {  	_ =	shalt  }
0x60: {  	_ =	shalt  }
0x61: {  	_ =	shalt  }
0x62: {  	_ =	shalt  }
0x63: {  	_ =	shalt  }
0x64: {  	_ =	shalt  }
0x65: {  	_ =	shalt  }
0x66: {  	_ =	shalt  }
0x67: {  	_ =	shalt  }
0x68: {  	_ =	shalt  }
0x69: {  	_ =	shalt  }
0x6a: {  	_ =	shalt  }
0x6b: {  	_ =	shalt  }
0x6c: {  	_ =	shalt  }
0x6d: {  	_ =	shalt  }
0x6e: {  	_ =	shalt  }
0x6f: {  	_ =	shalt  }
0x70: {  	_ =	shalt  }
0x71: {  	_ =	shalt  }
0x72: {  	_ =	shalt  }
0x73: {  	_ =	shalt  }
0x74: {  	_ =	shalt  }
0x75: {  	_ =	shalt  }
0x76: {  	_ =	shalt  }
0x77: {  	_ =	shalt  }
0x78: {  	_ =	shalt  }
0x79: {  	_ =	shalt  }
0x7a: {  	_ =	shalt  }
0x7b: {  	_ =	shalt  }
0x7c: {  	_ =	shalt  }
0x7d: {  	_ =	shalt  }
0x7e: {  	_ =	shalt  }
0x7f: {  	_ =	shalt  }
0x80: {  	_ =	shalt  }
0x81: {  	_ =	shalt  }
0x82: {  	_ =	shalt  }
0x83: {  	_ =	shalt  }
0x84: {  	_ =	shalt  }
0x85: {  	_ =	shalt  }
0x86: {  	_ =	shalt  }
0x87: {  	_ =	shalt  }
.Lfunc_end0:
.L_simem_size_0:
called_computation_lowered:
.L_overlay_start_0:
0x88: {  	s2 =	sld [smem:$0x3FD9]  }
0x89: {  	s3 =	sld [smem:$0x3FFE];
	_ =	sdelay $0x1  }
0x8a: {  	s1 =	srdreg.scid  }
0x8b: {  	s0 =	sand.u32 $0x1, s1  }
0x8c: {  	s17 =	sshll.u32 s0, $0xA;
	s2 =	sadd.s32 s3, s2  }
0x8d: {  	s2 =	sadd.s32 s2, s17  }
0x8e: {  	[smem:$0x3FC7] =	sst s2  }
0x8f: {  	_ = 	snop  }
0x90: {  	s2 =	sld [smem:$0x3FD0];
	(tm) =	ssettm $0x1  }
0x91: {  	s18 =	sld [smem:$0x3FFB];
	_ =	sdelay $0x3  }
0x92: {  	_ =	strace s18  }
0x93: {  	s3 =	sld [smem:$0x3FFC];
	_ =	sdelay $0x3  }
0x94: {  	_ =	strace s3  }
0x95: {  	s3 =	sld [smem:$0x3FFD];
	_ =	sdelay $0x3  }
0x96: {  	_ =	strace s3  }
0x97: {  	_ =	strace $0x8FFFFFFF  }
0x98: {  	s19 =	sld [smem:$0x3FDB];
	_ =	sdelay $0x1  }
0x99: {  	s4 =	simm.s32 $_scs_section_size  }
0x9a: {  	s5 =	simm.s32 $_size__tile_overlayer_lowered;
	s6 =	simm.s32 $_tile_overlayer_lowered  }
0x9b: {  	s22 =	simm.s32 $0x1BFF;
	s21 =	sshll.u32 s6, $0x1;
	s3 =	sadd.s32 s4, s19  }
0x9c: {  	s7 =	simm.s32 $0x0;
	s20 =	sshll.u32 s5, $0x1;
	s5 =	sadd.s32 s21, s3  }
0x9d: {  	[timem:s7], [sflag:s22] =	dma.local [hbm:s5], s20  }
0x9e: {  	_ =	swait.ge [sflag:s22], s20  }
0x9f: {  	s4 =	ssub.s32 $0x0, s20;
	[sflag:s22] =	ssyncset.done $0x0  }
0xa0: {  	[sflag:s22] =	ssyncadd.s32 s4;
	_ =	sdelay $0x1  }
0xa1: {  	s23 =	simm.s32 $0x1B8B  }
0xa2: {  	_ =	swait.ge [sflag:s23], $0x1  }
0xa3: {  	[sflag:s23] =	ssyncset.done $0x0  }
0xa4: {  	s25 =	simm.s32 $0x1B8E;
	s24 =	sld [smem:$0x3FFE];
	[sflag:s23] =	ssyncadd.s32 $0xFFFFFFFF  }
0xa5: {  	s26 =	simm.s32 $execute0_lowered;
	[smem:$0x3FD2] =	sst s25  }
0xa6: {  	s5 =	sshll.u32 s26, $0x1;
	_ =	strace $0x80000046;
	[dreg:$0x1] =	wrdreg $0xFFFFFFFF  }
0xa7: {  	s28 =	simm.s32 $_size_execute0_lowered;
	s3 =	sadd.s32 s3, s5;
	[dreg:$0x0] =	wrdreg $0x0  }
0xa8: {  	s5 =	sshll.u32 s28, $0x1;
	[dreg:$0x2] =	wrdreg s3  }
0xa9: {  	[dreg:$0x3] =	wrdreg s5  }
0xaa: {  	[dreg:$0x4] =	wrdreg $0xC0  }
0xab: {  	_ =	task [dreg:s7], $0x5FFFF  }
0xac: {  	[dreg:$0x1] =	wrdreg $0xFFFFFFFF  }
0xad: {  	[dreg:$0x0] =	wrdreg $0x60  }
0xae: {  	[dreg:$0x2] =	wrdreg s24  }
0xaf: {  	[dreg:$0x3] =	wrdreg s2  }
0xb0: {  	[dreg:$0x4] =	wrdreg $0xE2800  }
0xb1: {  	[dreg:$0x5] =	wrdreg $0x9  }
0xb2: {  	_ =	task.clear_ibuf [dreg:s7], $0x6FFFF;
	_ =	strace $0x90000046  }
0xb3: {  	s29 =	simm.s32 $0x9;
	_ =	strace $0x80000048  }
0xb4: {  	_ =	swait.ge [sflag:s29], $0x1  }
0xb5: {  	[sflag:s29] =	ssyncadd.s32 $0xFFFFFFFF  }
0xb6: {  	_ =	strace $0x90000048  }
0xb7: {  	_ =	sfence  }
0xb8: {  	s30 =	sld [smem:$0x0];
	_ =	sdelay $0x2  }
0xb9: {  	s31 =	sshll.u32 s1, $0xD;
	s1 =	sshrl.u32 s1, $0x2  }
0xba: {  	s3 =	sand.u32 $0x4000, s31;
	s1 =	sadd.s32 s1, s30  }
0xbb: {  	s0 =	sor.u32 s3, s0;
	s1 =	sshll.u32 s1, $0x11  }
0xbc: {  	s0 =	sor.u32 s1, s0  }
0xbd: {  	s0 =	sadd.s32 $0x8F2B, s0  }
0xbe: {  	[sflag:s0] =	ssyncadd.remote.s32 $0x1  }
0xbf: {  	_ =	sfence.sel $0xFFFF  }
0xc0: {  	[dreg:$0x0] =	wrdreg $0xFFFFFFFF;
	(pc) =	sbr.abs _section_cstart, $3  }
0xc1: {  	[dreg:$0x1] =	wrdreg $0xFFFFFFFF  }
0xc2: {  	_ =	task.clear_ibuf [dreg:s7], $0x2FFFF;
	_ =	strace $0x9FFFFFFF  }
0xc3: {  	(tm) =	ssettm $0x7FFFFFFF  }
tec
execute0_lowered:
.L_overlay_start_1:
0x0: {  	(tag) =	ssettag $0x1  }
0x1: {  	s1 =	rddreg [dreg:$0x0]  }
0x2: {  	s5 =	rddreg [dreg:$0x1]  }
0x3: {  	s2 =	rddreg [dreg:$0x2];
	s0 =	srdreg.scid;
	s3 =	simm.s32 $0x0  }
0x4: {  	s4 =	stileid.u32;
	[smem:$0x7FF] =	sst s3;
	s10 =	sadd.s32 $0x100A00, s1  }
0x5: {  	s9 =	sadd.s32 $0xA00, s1;
	_ =	strace $0x80000047;
	[dreg:$0x4] =	wrdreg s10  }
0x6: {  	s0 =	sand.u32 $0x1, s0;
	s17 =	sadd.s32 $0xA10, s1;
	[dreg:$0x8] =	wrdreg s9  }
0x7: {  	s7 =	smul.u32 $0x40800, s4;
	s11 =	sadd.s32 $0xA20, s1;
	[dreg:$0x9] =	wrdreg s17  }
0x8: {  	s15 =	sshll.u32 s4, $0x11;
	s16 =	sshll.u32 s4, $0x10;
	[dreg:$0xc] =	wrdreg s11  }
0x9: {  	s20 =	sadd.s32 $0xA30, s1;
	s4 =	sshll.u32 s4, $0x13;
	[dreg:$0x6] =	wrdreg s15  }
0xa: {  	s6 =	ssub.s32 $0x2, s0;
	s9 =	sadd.s32 s9, s16;
	[dreg:$0xd] =	wrdreg s4  }
0xb: {  	v0 =	vimm.f32 $1.500000000e+01;
	vm0 =	vcmask $0x300;
	s18 =	sadd.s32 s16, s11;
	s19 =	sshll.u32 s0, $0x7;
	[dreg:$0x7] =	wrdreg s9  }
0xc: {  	vm14 =	vcmask $0x704;
	v0 =	vsel vm0, $0x0, v0;
	s4 =	sor.u32 $0x4000, s4;
	s8 =	sshrl.u32 s6, $0x1;
	[dreg:$0xb] =	wrdreg s18  }
0xd: {  	vm15 =	vcmask $0xB08;
	v0 =	vsel vm14, $0x3F800000, v0;
	s7 =	sshrl.u32 s7, $0x2;
	s9 =	sadd.s32 s16, s17;
	[dreg:$0xf] =	wrdreg s4  }
0xe: {  	vm4 =	vcmask $0xF0C;
	s21 =	sor.u32 s19, s15;
	v0 =	vsel vm15, $0x40000000, v0;
	[dreg:$0xa] =	wrdreg s9;
	s9 =	sadd.s32 s16, s20  }
0xf: {  	vm5 =	vcmask $0x1310;
	s7 =	sadd.s32 s7, s2;
	s1 =	sshrl.u32 s21, $0x3;
	v0 =	vsel vm4, $0x40400000, v0;
	[dreg:$0xe] =	wrdreg s9  }
0x10: {  	vm6 =	vcmask $0x1714;
	s6 =	ssub.s32 s6, s8;
	s1 =	sadd.s32 s5, s1;
	[dreg:$0x5] =	wrdreg s7;
	v0 =	vsel vm5, $0x40800000, v0  }
0x11: {  	vm7 =	vcmask $0x1B18;
	s23 =	smax.u32 s6, $0x1;
	[dreg:$0x10] =	wrdreg s1;
	v0 =	vsel vm6, $0x40A00000, v0  }
0x12: {  	vm8 =	vcmask $0x1F1C;
	s24 =	sadd.s32 $0x2040, s7;
	[dreg:$0x11] =	wrdreg s23;
	v0 =	vsel vm7, $0x40C00000, v0  }
0x13: {  	vm9 =	vcmask $0x2320;
	s25 =	sadd.s32 $0x4080, s7;
	[dreg:$0x12] =	wrdreg s24;
	v0 =	vsel vm8, $0x40E00000, v0  }
0x14: {  	vm10 =	vcmask $0x2724;
	s13 =	smov.u32 s20;
	s26 =	sadd.s32 $0x60C0, s7;
	[dreg:$0x13] =	wrdreg s25;
	v0 =	vsel vm9, $0x41000000, v0  }
0x15: {  	vm11 =	vcmask $0x2B28;
	s22 =	sadd.s32 s16, s2;
	s28 =	sadd.s32 $0x8100, s7;
	[dreg:$0x14] =	wrdreg s26;
	v0 =	vsel vm10, $0x41100000, v0  }
0x16: {  	vm12 =	vcmask $0x2F2C;
	s4 =	simm.s32 $0x3;
	s29 =	sadd.s32 $0xA140, s7;
	[dreg:$0x15] =	wrdreg s28;
	v0 =	vsel vm11, $0x41200000, v0  }
0x17: {  	vm13 =	vcmask $0x3330;
	s15 =	simm.s32 $0x80;
	s30 =	sadd.s32 $0xC180, s7;
	[dreg:$0x16] =	wrdreg s29;
	v1 =	vsel vm12, $0x41300000, v0  }
0x18: {  	v3 =	vlaneseq.u32;
	vm14 =	vcmask $0x3734;
	s16 =	simm.s32 $0x2;
	s31 =	sadd.s32 $0xE1C0, s7;
	[dreg:$0x18] =	wrdreg s30;
	v2 =	vsel vm13, $0x41400000, v1  }
0x19: {  	v4 =	vimm.s32 $0x0;
	vm15 =	vcmask $0x3B38;
	s1 =	sshrl.u32 s22, $0x3;
	[dreg:$0x19] =	wrdreg s31;
	s25 =	simm.s32 $0x1;
	v2 =	vsel vm14, $0x41500000, v2  }
0x1a: {  	s26 =	simm.s32 $0x0;
	[dreg:$0x17] =	wrdreg s1;
	s1 =	simm.s32 $0x0;
	v0 =	vmov s0;
	v1 =	vimm.f32 $0.0e+00;
	v2 =	vsel vm15, $0x41600000, v2  }
.LBB2_1:
0x1b: {  	[dreg:$0x1a] =	wrdreg s1;
	s0 =	simm.s32 $0x40;
	s1 =	simm.s32 $0x0  }
.LBB2_2:
0x1c: {  	p0 =	sne.s32 s0, $0x80C0;
	[tilespmem:s1+$0xC200] =	vst v1;
	s1 =	smov.u32 s0;
	s0 =	sadd.s32 $0x40, s0  }
.Ltmp0:
0x1d: {  	(pc) =	sbr.rel @p0 .LBB2_2-.Ltmp0, $2  }
0x1e: {  	_ =	sdelay $0x2  }
0x1f: {  	s1 =	sshra.s32 s1, $0x2  }
0x20: {  	[tilespmem:s1+$0xC200] =	vst v1;
	s0 =	rddreg [dreg:$0x5];
	s24 =	simm.s32 $0xC200  }
0x21: {  	[spmem:s0] =	stream.linear.scatter [tilespmem:s24], [sflag:$0x3], $0x2040, $0x38;
	[tilespmem:$0x1E480] =	vst v63  }
0x22: {  	_ =	swait.ge [sflag:s4], $0x2040  }
0x23: {  	[sflag:s4] =	ssyncset.done $0x0  }
0x24: {  	s28 =	rddreg [dreg:$0x12];
	[sflag:s4] =	ssyncadd.s32 $0xFFFFDFC0  }
0x25: {  	[spmem:s28] =	stream.linear.scatter [tilespmem:s24], [sflag:$0x3], $0x2040, $0x38;
	[tilespmem:$0x1E480] =	vst v63  }
0x26: {  	_ =	swait.ge [sflag:s4], $0x2040  }
0x27: {  	[sflag:s4] =	ssyncset.done $0x0  }
0x28: {  	s29 =	rddreg [dreg:$0x13];
	[sflag:s4] =	ssyncadd.s32 $0xFFFFDFC0  }
0x29: {  	[spmem:s29] =	stream.linear.scatter [tilespmem:s24], [sflag:$0x3], $0x2040, $0x38;
	[tilespmem:$0x1E480] =	vst v63  }
0x2a: {  	_ =	swait.ge [sflag:s4], $0x2040  }
0x2b: {  	[sflag:s4] =	ssyncset.done $0x0  }
0x2c: {  	s30 =	rddreg [dreg:$0x14];
	[sflag:s4] =	ssyncadd.s32 $0xFFFFDFC0  }
0x2d: {  	[spmem:s30] =	stream.linear.scatter [tilespmem:s24], [sflag:$0x3], $0x2040, $0x38;
	[tilespmem:$0x1E480] =	vst v63  }
0x2e: {  	_ =	swait.ge [sflag:s4], $0x2040  }
0x2f: {  	[sflag:s4] =	ssyncset.done $0x0  }
0x30: {  	s31 =	rddreg [dreg:$0x15];
	[sflag:s4] =	ssyncadd.s32 $0xFFFFDFC0  }
0x31: {  	[spmem:s31] =	stream.linear.scatter [tilespmem:s24], [sflag:$0x3], $0x2040, $0x38;
	[tilespmem:$0x1E480] =	vst v63  }
0x32: {  	_ =	swait.ge [sflag:s4], $0x2040  }
0x33: {  	[sflag:s4] =	ssyncset.done $0x0  }
0x34: {  	s5 =	rddreg [dreg:$0x16];
	[sflag:s4] =	ssyncadd.s32 $0xFFFFDFC0  }
0x35: {  	[spmem:s5] =	stream.linear.scatter [tilespmem:s24], [sflag:$0x3], $0x2040, $0x38;
	[tilespmem:$0x1E480] =	vst v63  }
0x36: {  	_ =	swait.ge [sflag:s4], $0x2040  }
0x37: {  	[sflag:s4] =	ssyncset.done $0x0  }
0x38: {  	s6 =	rddreg [dreg:$0x18];
	[sflag:s4] =	ssyncadd.s32 $0xFFFFDFC0  }
0x39: {  	[spmem:s6] =	stream.linear.scatter [tilespmem:s24], [sflag:$0x3], $0x2040, $0x38;
	[tilespmem:$0x1E480] =	vst v63  }
0x3a: {  	_ =	swait.ge [sflag:s4], $0x2040  }
0x3b: {  	[sflag:s4] =	ssyncset.done $0x0  }
0x3c: {  	s7 =	rddreg [dreg:$0x19];
	[sflag:s4] =	ssyncadd.s32 $0xFFFFDFC0  }
0x3d: {  	[spmem:s7] =	stream.linear.scatter [tilespmem:s24], [sflag:$0x3], $0x2040, $0x38;
	[tilespmem:$0x1E480] =	vst v63  }
0x3e: {  	_ =	swait.ge [sflag:s4], $0x2040  }
0x3f: {  	[sflag:s4] =	ssyncset.done $0x0  }
0x40: {  	s8 =	rddreg [dreg:$0x4];
	[sflag:s4] =	ssyncadd.s32 $0xFFFFDFC0  }
0x41: {  	[tilespmem:s26], [sflag:$0x3] =	stream.linear.gather [hbm4b:s8+s26], $0x180, $0x38;
	[tilespmem:$0x1E480] =	vst v63  }
0x42: {  	_ =	swait.ge [sflag:s4], $0x180  }
0x43: {  	[sflag:s4] =	ssyncset.done $0x0  }
0x44: {  	[sflag:s4] =	ssyncadd.s32 $0xFFFFFE80  }
0x45: {  	[bflag:$0x0] =	sbarrier.arrive $0xFFFF  }
0x46: {  	v5 =	vld [tilespmem:$0x0]  }
0x47: {  	s9 =	simm.s32 $0x200;
	v6 =	vld [tilespmem:$0x80];
	s1 =	rddreg [dreg:$0x7]  }
0x48: {  	v7 =	vld [tilespmem:$0x100];
	[tilespmem:s9], [sflag:$0x1] =	stream.linear.gather [hbm4b:s1+s26], $0x80, $0x38  }
0x49: {  	s11 =	simm.s32 $0x400;
	s10 =	sadd.s32 $0x40, s1  }
0x4a: {  	[tilespmem:s11], [sflag:$0x1] =	stream.linear.gather [hbm4b:s10+s26], $0x80, $0x38;
	[tilespmem:$0x1E480] =	vst v63  }
0x4b: {  	s14 =	simm.s32 $0x600;
	s12 =	sadd.s32 $0x80, s1  }
0x4c: {  	[tilespmem:s14], [sflag:$0x1] =	stream.linear.gather [hbm4b:s12+s26], $0x80, $0x38;
	[tilespmem:$0x1E480] =	vst v63  }
0x4d: {  	s18 =	simm.s32 $0x800;
	s17 =	sadd.s32 $0xC0, s1  }
0x4e: {  	[tilespmem:s18], [sflag:$0x1] =	stream.linear.gather [hbm4b:s17+s26], $0x80, $0x38;
	[tilespmem:$0x1E480] =	vst v63  }
0x4f: {  	s20 =	simm.s32 $0xA00;
	s19 =	sadd.s32 $0x100, s1  }
0x50: {  	[tilespmem:s20], [sflag:$0x1] =	stream.linear.gather [hbm4b:s19+s26], $0x80, $0x38;
	[tilespmem:$0x1E480] =	vst v63  }
0x51: {  	s22 =	simm.s32 $0xC00;
	s21 =	sadd.s32 $0x140, s1  }
0x52: {  	[tilespmem:s22], [sflag:$0x1] =	stream.linear.gather [hbm4b:s21+s26], $0x80, $0x38;
	[tilespmem:$0x1E480] =	vst v63  }
0x53: {  	s24 =	simm.s32 $0xE00;
	s23 =	sadd.s32 $0x180, s1  }
0x54: {  	[tilespmem:s24], [sflag:$0x1] =	stream.linear.gather [hbm4b:s23+s26], $0x80, $0x38;
	[tilespmem:$0x1E480] =	vst v63  }
0x55: {  	s29 =	simm.s32 $0x1000;
	s28 =	sadd.s32 $0x1C0, s1  }
0x56: {  	[tilespmem:s29], [sflag:$0x1] =	stream.linear.gather [hbm4b:s28+s26], $0x80, $0x38;
	[tilespmem:$0x1E480] =	vst v63  }
0x57: {  	s31 =	simm.s32 $0x1200;
	s30 =	sadd.s32 $0x200, s1  }
0x58: {  	[tilespmem:s31], [sflag:$0x1] =	stream.linear.gather [hbm4b:s30+s26], $0x80, $0x38;
	[tilespmem:$0x1E480] =	vst v63  }
0x59: {  	s6 =	simm.s32 $0x1400;
	s5 =	sadd.s32 $0x240, s1  }
0x5a: {  	[tilespmem:s6], [sflag:$0x1] =	stream.linear.gather [hbm4b:s5+s26], $0x80, $0x38;
	[tilespmem:$0x1E480] =	vst v63  }
0x5b: {  	s8 =	simm.s32 $0x1600;
	s7 =	sadd.s32 $0x280, s1  }
0x5c: {  	[tilespmem:s8], [sflag:$0x1] =	stream.linear.gather [hbm4b:s7+s26], $0x80, $0x38;
	[tilespmem:$0x1E480] =	vst v63  }
0x5d: {  	s9 =	sadd.s32 $0x2C0, s1;
	s10 =	simm.s32 $0x1800  }
0x5e: {  	[tilespmem:s10], [sflag:$0x1] =	stream.linear.gather [hbm4b:s9+s26], $0x80, $0x38;
	[tilespmem:$0x1E480] =	vst v63  }
0x5f: {  	s11 =	sadd.s32 $0x300, s1;
	s12 =	simm.s32 $0x1A00  }
0x60: {  	[tilespmem:s12], [sflag:$0x1] =	stream.linear.gather [hbm4b:s11+s26], $0x80, $0x38;
	[tilespmem:$0x1E480] =	vst v63  }
0x61: {  	s14 =	sadd.s32 $0x340, s1;
	s17 =	simm.s32 $0x1C00  }
0x62: {  	[tilespmem:s17], [sflag:$0x1] =	stream.linear.gather [hbm4b:s14+s26], $0x80, $0x38;
	[tilespmem:$0x1E480] =	vst v63  }
0x63: {  	s18 =	sadd.s32 $0x380, s1;
	s19 =	simm.s32 $0x1E00  }
0x64: {  	[tilespmem:s19], [sflag:$0x1] =	stream.linear.gather [hbm4b:s18+s26], $0x80, $0x38;
	[tilespmem:$0x1E480] =	vst v63  }
0x65: {  	s20 =	sadd.s32 $0x3C0, s1;
	s21 =	simm.s32 $0x2000  }
0x66: {  	[tilespmem:s21], [sflag:$0x1] =	stream.linear.gather [hbm4b:s20+s26], $0x80, $0x38;
	[tilespmem:$0x1E480] =	vst v63  }
0x67: {  	s1 =	rddreg [dreg:$0xa];
	s22 =	simm.s32 $0x280  }
0x68: {  	[tilespmem:s22], [sflag:$0x1] =	stream.linear.gather [hbm4b:s1+s26], $0x80, $0x38;
	[tilespmem:$0x1E480] =	vst v63  }
0x69: {  	s23 =	sadd.s32 $0x40, s1;
	s24 =	simm.s32 $0x480  }
0x6a: {  	[tilespmem:s24], [sflag:$0x1] =	stream.linear.gather [hbm4b:s23+s26], $0x80, $0x38;
	[tilespmem:$0x1E480] =	vst v63  }
0x6b: {  	s28 =	sadd.s32 $0x80, s1;
	s29 =	simm.s32 $0x680  }
0x6c: {  	[tilespmem:s29], [sflag:$0x1] =	stream.linear.gather [hbm4b:s28+s26], $0x80, $0x38;
	[tilespmem:$0x1E480] =	vst v63  }
0x6d: {  	s30 =	sadd.s32 $0xC0, s1;
	s31 =	simm.s32 $0x880  }
0x6e: {  	[tilespmem:s31], [sflag:$0x1] =	stream.linear.gather [hbm4b:s30+s26], $0x80, $0x38;
	[tilespmem:$0x1E480] =	vst v63  }
0x6f: {  	s4 =	sadd.s32 $0x100, s1;
	s5 =	simm.s32 $0xA80  }
0x70: {  	[tilespmem:s5], [sflag:$0x1] =	stream.linear.gather [hbm4b:s4+s26], $0x80, $0x38;
	[tilespmem:$0x1E480] =	vst v63  }
0x71: {  	s6 =	sadd.s32 $0x140, s1;
	s7 =	simm.s32 $0xC80  }
0x72: {  	[tilespmem:s7], [sflag:$0x1] =	stream.linear.gather [hbm4b:s6+s26], $0x80, $0x38;
	[tilespmem:$0x1E480] =	vst v63  }
0x73: {  	s8 =	sadd.s32 $0x180, s1;
	s9 =	simm.s32 $0xE80  }
0x74: {  	[tilespmem:s9], [sflag:$0x1] =	stream.linear.gather [hbm4b:s8+s26], $0x80, $0x38;
	[tilespmem:$0x1E480] =	vst v63  }
0x75: {  	s10 =	sadd.s32 $0x1C0, s1;
	s11 =	simm.s32 $0x1080  }
0x76: {  	[tilespmem:s11], [sflag:$0x1] =	stream.linear.gather [hbm4b:s10+s26], $0x80, $0x38;
	[tilespmem:$0x1E480] =	vst v63  }
0x77: {  	s12 =	sadd.s32 $0x200, s1;
	s14 =	simm.s32 $0x1280  }
0x78: {  	[tilespmem:s14], [sflag:$0x1] =	stream.linear.gather [hbm4b:s12+s26], $0x80, $0x38;
	[tilespmem:$0x1E480] =	vst v63  }
0x79: {  	s17 =	sadd.s32 $0x240, s1;
	s18 =	simm.s32 $0x1480  }
0x7a: {  	[tilespmem:s18], [sflag:$0x1] =	stream.linear.gather [hbm4b:s17+s26], $0x80, $0x38;
	[tilespmem:$0x1E480] =	vst v63  }
0x7b: {  	s19 =	sadd.s32 $0x280, s1;
	s20 =	simm.s32 $0x1680  }
0x7c: {  	[tilespmem:s20], [sflag:$0x1] =	stream.linear.gather [hbm4b:s19+s26], $0x80, $0x38;
	[tilespmem:$0x1E480] =	vst v63  }
0x7d: {  	s21 =	sadd.s32 $0x2C0, s1;
	s22 =	simm.s32 $0x1880  }
0x7e: {  	[tilespmem:s22], [sflag:$0x1] =	stream.linear.gather [hbm4b:s21+s26], $0x80, $0x38;
	[tilespmem:$0x1E480] =	vst v63  }
0x7f: {  	s23 =	sadd.s32 $0x300, s1;
	s24 =	simm.s32 $0x1A80  }
0x80: {  	[tilespmem:s24], [sflag:$0x1] =	stream.linear.gather [hbm4b:s23+s26], $0x80, $0x38;
	[tilespmem:$0x1E480] =	vst v63  }
0x81: {  	s28 =	sadd.s32 $0x340, s1;
	s29 =	simm.s32 $0x1C80  }
0x82: {  	[tilespmem:s29], [sflag:$0x1] =	stream.linear.gather [hbm4b:s28+s26], $0x80, $0x38;
	[tilespmem:$0x1E480] =	vst v63  }
0x83: {  	s30 =	sadd.s32 $0x380, s1;
	s31 =	simm.s32 $0x1E80  }
0x84: {  	[tilespmem:s31], [sflag:$0x1] =	stream.linear.gather [hbm4b:s30+s26], $0x80, $0x38;
	[tilespmem:$0x1E480] =	vst v63  }
0x85: {  	s5 =	sadd.s32 $0x3C0, s1;
	s6 =	simm.s32 $0x2080  }
0x86: {  	[tilespmem:s6], [sflag:$0x1] =	stream.linear.gather [hbm4b:s5+s26], $0x80, $0x38;
	[tilespmem:$0x1E480] =	vst v63  }
0x87: {  	s1 =	rddreg [dreg:$0xb];
	s7 =	simm.s32 $0x300  }
0x88: {  	[tilespmem:s7], [sflag:$0x1] =	stream.linear.gather [hbm4b:s1+s26], $0x80, $0x38;
	[tilespmem:$0x1E480] =	vst v63  }
0x89: {  	s8 =	sadd.s32 $0x40, s1;
	s9 =	simm.s32 $0x500  }
0x8a: {  	[tilespmem:s9], [sflag:$0x1] =	stream.linear.gather [hbm4b:s8+s26], $0x80, $0x38;
	[tilespmem:$0x1E480] =	vst v63  }
0x8b: {  	s10 =	sadd.s32 $0x80, s1;
	s11 =	simm.s32 $0x700  }
0x8c: {  	[tilespmem:s11], [sflag:$0x1] =	stream.linear.gather [hbm4b:s10+s26], $0x80, $0x38;
	[tilespmem:$0x1E480] =	vst v63  }
0x8d: {  	s12 =	sadd.s32 $0xC0, s1;
	s14 =	simm.s32 $0x900  }
0x8e: {  	[tilespmem:s14], [sflag:$0x1] =	stream.linear.gather [hbm4b:s12+s26], $0x80, $0x38;
	[tilespmem:$0x1E480] =	vst v63  }
0x8f: {  	s17 =	sadd.s32 $0x100, s1;
	s18 =	simm.s32 $0xB00  }
0x90: {  	[tilespmem:s18], [sflag:$0x1] =	stream.linear.gather [hbm4b:s17+s26], $0x80, $0x38;
	[tilespmem:$0x1E480] =	vst v63  }
0x91: {  	s19 =	sadd.s32 $0x140, s1;
	s20 =	simm.s32 $0xD00  }
0x92: {  	[tilespmem:s20], [sflag:$0x1] =	stream.linear.gather [hbm4b:s19+s26], $0x80, $0x38;
	[tilespmem:$0x1E480] =	vst v63  }
0x93: {  	s21 =	sadd.s32 $0x180, s1;
	s22 =	simm.s32 $0xF00  }
0x94: {  	[tilespmem:s22], [sflag:$0x1] =	stream.linear.gather [hbm4b:s21+s26], $0x80, $0x38;
	[tilespmem:$0x1E480] =	vst v63  }
0x95: {  	s23 =	sadd.s32 $0x1C0, s1;
	s24 =	simm.s32 $0x1100  }
0x96: {  	[tilespmem:s24], [sflag:$0x1] =	stream.linear.gather [hbm4b:s23+s26], $0x80, $0x38;
	[tilespmem:$0x1E480] =	vst v63  }
0x97: {  	s28 =	sadd.s32 $0x200, s1;
	s29 =	simm.s32 $0x1300  }
0x98: {  	[tilespmem:s29], [sflag:$0x1] =	stream.linear.gather [hbm4b:s28+s26], $0x80, $0x38;
	[tilespmem:$0x1E480] =	vst v63  }
0x99: {  	s30 =	sadd.s32 $0x240, s1;
	s31 =	simm.s32 $0x1500  }
0x9a: {  	[tilespmem:s31], [sflag:$0x1] =	stream.linear.gather [hbm4b:s30+s26], $0x80, $0x38;
	[tilespmem:$0x1E480] =	vst v63  }
0x9b: {  	s5 =	sadd.s32 $0x280, s1;
	s6 =	simm.s32 $0x1700  }
0x9c: {  	[tilespmem:s6], [sflag:$0x1] =	stream.linear.gather [hbm4b:s5+s26], $0x80, $0x38;
	[tilespmem:$0x1E480] =	vst v63  }
0x9d: {  	s7 =	sadd.s32 $0x2C0, s1;
	s8 =	simm.s32 $0x1900  }
0x9e: {  	[tilespmem:s8], [sflag:$0x1] =	stream.linear.gather [hbm4b:s7+s26], $0x80, $0x38;
	[tilespmem:$0x1E480] =	vst v63  }
0x9f: {  	s9 =	sadd.s32 $0x300, s1;
	s10 =	simm.s32 $0x1B00  }
0xa0: {  	[tilespmem:s10], [sflag:$0x1] =	stream.linear.gather [hbm4b:s9+s26], $0x80, $0x38;
	[tilespmem:$0x1E480] =	vst v63  }
0xa1: {  	s11 =	sadd.s32 $0x340, s1;
	s12 =	simm.s32 $0x1D00  }
0xa2: {  	[tilespmem:s12], [sflag:$0x1] =	stream.linear.gather [hbm4b:s11+s26], $0x80, $0x38;
	[tilespmem:$0x1E480] =	vst v63  }
0xa3: {  	s14 =	sadd.s32 $0x380, s1;
	s17 =	simm.s32 $0x1F00  }
0xa4: {  	[tilespmem:s17], [sflag:$0x1] =	stream.linear.gather [hbm4b:s14+s26], $0x80, $0x38;
	[tilespmem:$0x1E480] =	vst v63  }
0xa5: {  	s18 =	sadd.s32 $0x3C0, s1;
	s19 =	simm.s32 $0x2100  }
0xa6: {  	[tilespmem:s19], [sflag:$0x1] =	stream.linear.gather [hbm4b:s18+s26], $0x80, $0x38;
	[tilespmem:$0x1E480] =	vst v63  }
0xa7: {  	s1 =	rddreg [dreg:$0xe];
	s20 =	simm.s32 $0x380  }
0xa8: {  	[tilespmem:s20], [sflag:$0x1] =	stream.linear.gather [hbm4b:s1+s26], $0x80, $0x38;
	[tilespmem:$0x1E480] =	vst v63  }
0xa9: {  	s21 =	sadd.s32 $0x40, s1;
	s22 =	simm.s32 $0x580  }
0xaa: {  	[tilespmem:s22], [sflag:$0x1] =	stream.linear.gather [hbm4b:s21+s26], $0x80, $0x38;
	[tilespmem:$0x1E480] =	vst v63  }
0xab: {  	s23 =	sadd.s32 $0x80, s1;
	s24 =	simm.s32 $0x780  }
0xac: {  	[tilespmem:s24], [sflag:$0x1] =	stream.linear.gather [hbm4b:s23+s26], $0x80, $0x38;
	[tilespmem:$0x1E480] =	vst v63  }
0xad: {  	s28 =	sadd.s32 $0xC0, s1;
	s29 =	simm.s32 $0x980  }
0xae: {  	[tilespmem:s29], [sflag:$0x1] =	stream.linear.gather [hbm4b:s28+s26], $0x80, $0x38;
	[tilespmem:$0x1E480] =	vst v63  }
0xaf: {  	s30 =	sadd.s32 $0x100, s1;
	s31 =	simm.s32 $0xB80  }
0xb0: {  	[tilespmem:s31], [sflag:$0x1] =	stream.linear.gather [hbm4b:s30+s26], $0x80, $0x38;
	[tilespmem:$0x1E480] =	vst v63  }
0xb1: {  	s4 =	sadd.s32 $0x140, s1;
	s5 =	simm.s32 $0xD80  }
0xb2: {  	[tilespmem:s5], [sflag:$0x1] =	stream.linear.gather [hbm4b:s4+s26], $0x80, $0x38;
	[tilespmem:$0x1E480] =	vst v63  }
0xb3: {  	s6 =	sadd.s32 $0x180, s1;
	s7 =	simm.s32 $0xF80  }
0xb4: {  	[tilespmem:s7], [sflag:$0x1] =	stream.linear.gather [hbm4b:s6+s26], $0x80, $0x38;
	[tilespmem:$0x1E480] =	vst v63  }
0xb5: {  	s8 =	sadd.s32 $0x1C0, s1;
	s9 =	simm.s32 $0x1180  }
0xb6: {  	[tilespmem:s9], [sflag:$0x1] =	stream.linear.gather [hbm4b:s8+s26], $0x80, $0x38;
	[tilespmem:$0x1E480] =	vst v63  }
0xb7: {  	s10 =	sadd.s32 $0x200, s1;
	s11 =	simm.s32 $0x1380  }
0xb8: {  	[tilespmem:s11], [sflag:$0x1] =	stream.linear.gather [hbm4b:s10+s26], $0x80, $0x38;
	[tilespmem:$0x1E480] =	vst v63  }
0xb9: {  	s12 =	sadd.s32 $0x240, s1;
	s14 =	simm.s32 $0x1580  }
0xba: {  	[tilespmem:s14], [sflag:$0x1] =	stream.linear.gather [hbm4b:s12+s26], $0x80, $0x38;
	[tilespmem:$0x1E480] =	vst v63  }
0xbb: {  	s17 =	sadd.s32 $0x280, s1;
	s18 =	simm.s32 $0x1780  }
0xbc: {  	[tilespmem:s18], [sflag:$0x1] =	stream.linear.gather [hbm4b:s17+s26], $0x80, $0x38;
	[tilespmem:$0x1E480] =	vst v63  }
0xbd: {  	s19 =	sadd.s32 $0x2C0, s1;
	s20 =	simm.s32 $0x1980  }
0xbe: {  	[tilespmem:s20], [sflag:$0x1] =	stream.linear.gather [hbm4b:s19+s26], $0x80, $0x38;
	[tilespmem:$0x1E480] =	vst v63  }
0xbf: {  	s21 =	sadd.s32 $0x300, s1;
	s22 =	simm.s32 $0x1B80  }
0xc0: {  	[tilespmem:s22], [sflag:$0x1] =	stream.linear.gather [hbm4b:s21+s26], $0x80, $0x38;
	[tilespmem:$0x1E480] =	vst v63  }
0xc1: {  	s23 =	sadd.s32 $0x340, s1;
	s24 =	simm.s32 $0x1D80  }
0xc2: {  	[tilespmem:s24], [sflag:$0x1] =	stream.linear.gather [hbm4b:s23+s26], $0x80, $0x38;
	[tilespmem:$0x1E480] =	vst v63  }
.Ltmp1:
0xc3: {  	_ = 	snop;
	(pc) =	sbr.rel .LBB2_4-.Ltmp1, $4  }
0xc4: {  	s28 =	sadd.s32 $0x380, s1;
	s29 =	simm.s32 $0x1F80  }
0xc5: {  	[tilespmem:s29], [sflag:$0x1] =	stream.linear.gather [hbm4b:s28+s26], $0x80, $0x38;
	[tilespmem:$0x1E480] =	vst v63  }
0xc6: {  	s30 =	sadd.s32 $0x3C0, s1;
	s31 =	simm.s32 $0x2180;
	s6 =	simm.s32 $0x0  }
0xc7: {  	v7 =	vadd.f32 v2, v7;
	[tilespmem:s31], [sflag:$0x1] =	stream.linear.gather [hbm4b:s30+s26], $0x80, $0x38;
	[tilespmem:$0x1E480] =	vst v63  }
.LBB2_22:
0xc8: {  	s6 =	sadd.s32 $0x1, s6  }
0xc9: {  	p0 =	sne.s32 s6, $0x20  }
.Ltmp2:
0xca: {  	_ = 	snop;
	(pc) =	sbr.rel @!p0 .LBB2_23-.Ltmp2, $1  }
0xcb: {  	_ =	sdelay $0x3  }
.LBB2_4:
0xcc: {  	_ =	swait.ge [sflag:s25], $0x800  }
0xcd: {  	[sflag:s25] =	ssyncset.done $0x0  }
0xce: {  	[sflag:s25] =	ssyncadd.s32 $0xFFFFF800  }
0xcf: {  	_ =	swait.ge [sflag:s25], $0x800  }
0xd0: {  	[sflag:s25] =	ssyncset.done $0x0  }
0xd1: {  	[sflag:s25] =	ssyncadd.s32 $0xFFFFF800  }
0xd2: {  	_ =	swait.ge [sflag:s25], $0x800  }
0xd3: {  	[sflag:s25] =	ssyncset.done $0x0  }
0xd4: {  	[sflag:s25] =	ssyncadd.s32 $0xFFFFF800  }
0xd5: {  	s28 =	sshllo.u32 s6, $0x1;
	_ =	swait.ge [sflag:s25], $0x800  }
0xd6: {  	s0 =	sshll.u32 s28, $0xD;
	s1 =	rddreg [dreg:$0xd]  }
0xd7: {  	s0 =	sadd.s32 s1, s0  }
0xd8: {  	[sflag:s25] =	ssyncset.done $0x0;
	s18 =	rddreg [dreg:$0x8];
	s0 =	sshrl.u32 s0, $0x3  }
0xd9: {  	s4 =	simm.s32 $0x2200;
	[sflag:s25] =	ssyncadd.s32 $0xFFFFF800;
	s1 =	sadd.s32 s18, s0  }
0xda: {  	[tilespmem:s4], [sflag:$0x1] =	stream.linear.gather [hbm4b:s1+s26], $0x80, $0x38;
	[tilespmem:$0x1E480] =	vst v63  }
0xdb: {  	s19 =	simm.s32 $0x2400;
	s5 =	sadd.s32 $0x40, s1  }
0xdc: {  	[tilespmem:s19], [sflag:$0x1] =	stream.linear.gather [hbm4b:s5+s26], $0x80, $0x38;
	[tilespmem:$0x1E480] =	vst v63  }
0xdd: {  	s21 =	simm.s32 $0x2600;
	s20 =	sadd.s32 $0x80, s1  }
0xde: {  	[tilespmem:s21], [sflag:$0x1] =	stream.linear.gather [hbm4b:s20+s26], $0x80, $0x38;
	[tilespmem:$0x1E480] =	vst v63  }
0xdf: {  	s23 =	simm.s32 $0x2800;
	s22 =	sadd.s32 $0xC0, s1  }
0xe0: {  	[tilespmem:s23], [sflag:$0x1] =	stream.linear.gather [hbm4b:s22+s26], $0x80, $0x38;
	[tilespmem:$0x1E480] =	vst v63  }
0xe1: {  	s29 =	simm.s32 $0x2A00;
	s24 =	sadd.s32 $0x100, s1  }
0xe2: {  	[tilespmem:s29], [sflag:$0x1] =	stream.linear.gather [hbm4b:s24+s26], $0x80, $0x38;
	[tilespmem:$0x1E480] =	vst v63  }
0xe3: {  	s8 =	simm.s32 $0x2C00;
	s7 =	sadd.s32 $0x140, s1  }
0xe4: {  	[tilespmem:s8], [sflag:$0x1] =	stream.linear.gather [hbm4b:s7+s26], $0x80, $0x38;
	[tilespmem:$0x1E480] =	vst v63  }
0xe5: {  	s10 =	simm.s32 $0x2E00;
	s9 =	sadd.s32 $0x180, s1  }
0xe6: {  	[tilespmem:s10], [sflag:$0x1] =	stream.linear.gather [hbm4b:s9+s26], $0x80, $0x38;
	[tilespmem:$0x1E480] =	vst v63  }
0xe7: {  	s12 =	simm.s32 $0x3000;
	s11 =	sadd.s32 $0x1C0, s1  }
0xe8: {  	[tilespmem:s12], [sflag:$0x1] =	stream.linear.gather [hbm4b:s11+s26], $0x80, $0x38;
	[tilespmem:$0x1E480] =	vst v63  }
0xe9: {  	s17 =	simm.s32 $0x3200;
	s14 =	sadd.s32 $0x200, s1  }
0xea: {  	[tilespmem:s17], [sflag:$0x1] =	stream.linear.gather [hbm4b:s14+s26], $0x80, $0x38;
	[tilespmem:$0x1E480] =	vst v63  }
0xeb: {  	s18 =	sadd.s32 $0x240, s1;
	s19 =	simm.s32 $0x3400  }
0xec: {  	[tilespmem:s19], [sflag:$0x1] =	stream.linear.gather [hbm4b:s18+s26], $0x80, $0x38;
	[tilespmem:$0x1E480] =	vst v63  }
0xed: {  	s20 =	sadd.s32 $0x280, s1;
	s21 =	simm.s32 $0x3600  }
0xee: {  	[tilespmem:s21], [sflag:$0x1] =	stream.linear.gather [hbm4b:s20+s26], $0x80, $0x38;
	[tilespmem:$0x1E480] =	vst v63  }
0xef: {  	s22 =	sadd.s32 $0x2C0, s1;
	s23 =	simm.s32 $0x3800  }
0xf0: {  	[tilespmem:s23], [sflag:$0x1] =	stream.linear.gather [hbm4b:s22+s26], $0x80, $0x38;
	[tilespmem:$0x1E480] =	vst v63  }
0xf1: {  	s24 =	sadd.s32 $0x300, s1;
	s29 =	simm.s32 $0x3A00  }
0xf2: {  	[tilespmem:s29], [sflag:$0x1] =	stream.linear.gather [hbm4b:s24+s26], $0x80, $0x38;
	[tilespmem:$0x1E480] =	vst v63  }
0xf3: {  	s4 =	sadd.s32 $0x340, s1;
	s7 =	simm.s32 $0x3C00  }
0xf4: {  	[tilespmem:s7], [sflag:$0x1] =	stream.linear.gather [hbm4b:s4+s26], $0x80, $0x38;
	[tilespmem:$0x1E480] =	vst v63  }
0xf5: {  	s8 =	sadd.s32 $0x380, s1;
	s9 =	simm.s32 $0x3E00  }
0xf6: {  	[tilespmem:s9], [sflag:$0x1] =	stream.linear.gather [hbm4b:s8+s26], $0x80, $0x38;
	[tilespmem:$0x1E480] =	vst v63  }
0xf7: {  	s1 =	sadd.s32 $0x3C0, s1;
	s10 =	simm.s32 $0x4000;
	s11 =	rddreg [dreg:$0x9]  }
0xf8: {  	[tilespmem:s10], [sflag:$0x1] =	stream.linear.gather [hbm4b:s1+s26], $0x80, $0x38;
	[tilespmem:$0x1E480] =	vst v63  }
0xf9: {  	s12 =	simm.s32 $0x2280;
	s1 =	sadd.s32 s0, s11  }
0xfa: {  	[tilespmem:s12], [sflag:$0x1] =	stream.linear.gather [hbm4b:s1+s26], $0x80, $0x38;
	[tilespmem:$0x1E480] =	vst v63  }
0xfb: {  	s17 =	simm.s32 $0x2480;
	s14 =	sadd.s32 $0x40, s1  }
0xfc: {  	[tilespmem:s17], [sflag:$0x1] =	stream.linear.gather [hbm4b:s14+s26], $0x80, $0x38;
	[tilespmem:$0x1E480] =	vst v63  }
0xfd: {  	s19 =	simm.s32 $0x2680;
	s18 =	sadd.s32 $0x80, s1  }
0xfe: {  	[tilespmem:s19], [sflag:$0x1] =	stream.linear.gather [hbm4b:s18+s26], $0x80, $0x38;
	[tilespmem:$0x1E480] =	vst v63  }
0xff: {  	s21 =	simm.s32 $0x2880;
	s20 =	sadd.s32 $0xC0, s1  }
0x100: {  	[tilespmem:s21], [sflag:$0x1] =	stream.linear.gather [hbm4b:s20+s26], $0x80, $0x38;
	[tilespmem:$0x1E480] =	vst v63  }
0x101: {  	s23 =	simm.s32 $0x2A80;
	s22 =	sadd.s32 $0x100, s1  }
0x102: {  	[tilespmem:s23], [sflag:$0x1] =	stream.linear.gather [hbm4b:s22+s26], $0x80, $0x38;
	[tilespmem:$0x1E480] =	vst v63  }
0x103: {  	s29 =	simm.s32 $0x2C80;
	s24 =	sadd.s32 $0x140, s1  }
0x104: {  	[tilespmem:s29], [sflag:$0x1] =	stream.linear.gather [hbm4b:s24+s26], $0x80, $0x38;
	[tilespmem:$0x1E480] =	vst v63  }
0x105: {  	s8 =	simm.s32 $0x2E80;
	s7 =	sadd.s32 $0x180, s1  }
0x106: {  	[tilespmem:s8], [sflag:$0x1] =	stream.linear.gather [hbm4b:s7+s26], $0x80, $0x38;
	[tilespmem:$0x1E480] =	vst v63  }
0x107: {  	s10 =	simm.s32 $0x3080;
	s9 =	sadd.s32 $0x1C0, s1  }
0x108: {  	[tilespmem:s10], [sflag:$0x1] =	stream.linear.gather [hbm4b:s9+s26], $0x80, $0x38;
	[tilespmem:$0x1E480] =	vst v63  }
0x109: {  	s11 =	sadd.s32 $0x200, s1;
	s12 =	simm.s32 $0x3280  }
0x10a: {  	[tilespmem:s12], [sflag:$0x1] =	stream.linear.gather [hbm4b:s11+s26], $0x80, $0x38;
	[tilespmem:$0x1E480] =	vst v63  }
0x10b: {  	s14 =	sadd.s32 $0x240, s1;
	s17 =	simm.s32 $0x3480  }
0x10c: {  	[tilespmem:s17], [sflag:$0x1] =	stream.linear.gather [hbm4b:s14+s26], $0x80, $0x38;
	[tilespmem:$0x1E480] =	vst v63  }
0x10d: {  	s18 =	sadd.s32 $0x280, s1;
	s19 =	simm.s32 $0x3680  }
0x10e: {  	[tilespmem:s19], [sflag:$0x1] =	stream.linear.gather [hbm4b:s18+s26], $0x80, $0x38;
	[tilespmem:$0x1E480] =	vst v63  }
0x10f: {  	s20 =	sadd.s32 $0x2C0, s1;
	s21 =	simm.s32 $0x3880  }
0x110: {  	[tilespmem:s21], [sflag:$0x1] =	stream.linear.gather [hbm4b:s20+s26], $0x80, $0x38;
	[tilespmem:$0x1E480] =	vst v63  }
0x111: {  	s22 =	sadd.s32 $0x300, s1;
	s23 =	simm.s32 $0x3A80  }
0x112: {  	[tilespmem:s23], [sflag:$0x1] =	stream.linear.gather [hbm4b:s22+s26], $0x80, $0x38;
	[tilespmem:$0x1E480] =	vst v63  }
0x113: {  	s24 =	sadd.s32 $0x340, s1;
	s29 =	simm.s32 $0x3C80  }
0x114: {  	[tilespmem:s29], [sflag:$0x1] =	stream.linear.gather [hbm4b:s24+s26], $0x80, $0x38;
	[tilespmem:$0x1E480] =	vst v63  }
0x115: {  	s4 =	sadd.s32 $0x380, s1;
	s7 =	simm.s32 $0x3E80  }
0x116: {  	[tilespmem:s7], [sflag:$0x1] =	stream.linear.gather [hbm4b:s4+s26], $0x80, $0x38;
	[tilespmem:$0x1E480] =	vst v63  }
0x117: {  	s1 =	sadd.s32 $0x3C0, s1;
	s8 =	simm.s32 $0x4080;
	s9 =	rddreg [dreg:$0xc]  }
0x118: {  	[tilespmem:s8], [sflag:$0x1] =	stream.linear.gather [hbm4b:s1+s26], $0x80, $0x38;
	[tilespmem:$0x1E480] =	vst v63  }
0x119: {  	s10 =	simm.s32 $0x2300;
	s1 =	sadd.s32 s0, s9  }
0x11a: {  	[tilespmem:s10], [sflag:$0x1] =	stream.linear.gather [hbm4b:s1+s26], $0x80, $0x38;
	[tilespmem:$0x1E480] =	vst v63  }
0x11b: {  	s12 =	simm.s32 $0x2500;
	s11 =	sadd.s32 $0x40, s1  }
0x11c: {  	[tilespmem:s12], [sflag:$0x1] =	stream.linear.gather [hbm4b:s11+s26], $0x80, $0x38;
	[tilespmem:$0x1E480] =	vst v63  }
0x11d: {  	s17 =	simm.s32 $0x2700;
	s14 =	sadd.s32 $0x80, s1  }
0x11e: {  	[tilespmem:s17], [sflag:$0x1] =	stream.linear.gather [hbm4b:s14+s26], $0x80, $0x38;
	[tilespmem:$0x1E480] =	vst v63  }
0x11f: {  	s19 =	simm.s32 $0x2900;
	s18 =	sadd.s32 $0xC0, s1  }
0x120: {  	[tilespmem:s19], [sflag:$0x1] =	stream.linear.gather [hbm4b:s18+s26], $0x80, $0x38;
	[tilespmem:$0x1E480] =	vst v63  }
0x121: {  	s21 =	simm.s32 $0x2B00;
	s20 =	sadd.s32 $0x100, s1  }
0x122: {  	[tilespmem:s21], [sflag:$0x1] =	stream.linear.gather [hbm4b:s20+s26], $0x80, $0x38;
	[tilespmem:$0x1E480] =	vst v63  }
0x123: {  	s23 =	simm.s32 $0x2D00;
	s22 =	sadd.s32 $0x140, s1  }
0x124: {  	[tilespmem:s23], [sflag:$0x1] =	stream.linear.gather [hbm4b:s22+s26], $0x80, $0x38;
	[tilespmem:$0x1E480] =	vst v63  }
0x125: {  	s29 =	simm.s32 $0x2F00;
	s24 =	sadd.s32 $0x180, s1  }
0x126: {  	[tilespmem:s29], [sflag:$0x1] =	stream.linear.gather [hbm4b:s24+s26], $0x80, $0x38;
	[tilespmem:$0x1E480] =	vst v63  }
0x127: {  	s8 =	simm.s32 $0x3100;
	s7 =	sadd.s32 $0x1C0, s1  }
0x128: {  	[tilespmem:s8], [sflag:$0x1] =	stream.linear.gather [hbm4b:s7+s26], $0x80, $0x38;
	[tilespmem:$0x1E480] =	vst v63  }
0x129: {  	s9 =	sadd.s32 $0x200, s1;
	s10 =	simm.s32 $0x3300  }
0x12a: {  	[tilespmem:s10], [sflag:$0x1] =	stream.linear.gather [hbm4b:s9+s26], $0x80, $0x38;
	[tilespmem:$0x1E480] =	vst v63  }
0x12b: {  	s11 =	sadd.s32 $0x240, s1;
	s12 =	simm.s32 $0x3500  }
0x12c: {  	[tilespmem:s12], [sflag:$0x1] =	stream.linear.gather [hbm4b:s11+s26], $0x80, $0x38;
	[tilespmem:$0x1E480] =	vst v63  }
0x12d: {  	s14 =	sadd.s32 $0x280, s1;
	s17 =	simm.s32 $0x3700  }
0x12e: {  	[tilespmem:s17], [sflag:$0x1] =	stream.linear.gather [hbm4b:s14+s26], $0x80, $0x38;
	[tilespmem:$0x1E480] =	vst v63  }
0x12f: {  	s18 =	sadd.s32 $0x2C0, s1;
	s19 =	simm.s32 $0x3900  }
0x130: {  	[tilespmem:s19], [sflag:$0x1] =	stream.linear.gather [hbm4b:s18+s26], $0x80, $0x38;
	[tilespmem:$0x1E480] =	vst v63  }
0x131: {  	s20 =	sadd.s32 $0x300, s1;
	s21 =	simm.s32 $0x3B00  }
0x132: {  	[tilespmem:s21], [sflag:$0x1] =	stream.linear.gather [hbm4b:s20+s26], $0x80, $0x38;
	[tilespmem:$0x1E480] =	vst v63  }
0x133: {  	s22 =	sadd.s32 $0x340, s1;
	s23 =	simm.s32 $0x3D00  }
0x134: {  	[tilespmem:s23], [sflag:$0x1] =	stream.linear.gather [hbm4b:s22+s26], $0x80, $0x38;
	[tilespmem:$0x1E480] =	vst v63  }
0x135: {  	s24 =	sadd.s32 $0x380, s1;
	s29 =	simm.s32 $0x3F00  }
0x136: {  	[tilespmem:s29], [sflag:$0x1] =	stream.linear.gather [hbm4b:s24+s26], $0x80, $0x38;
	[tilespmem:$0x1E480] =	vst v63  }
0x137: {  	s1 =	sadd.s32 $0x3C0, s1;
	s7 =	simm.s32 $0x4100  }
0x138: {  	[tilespmem:s7], [sflag:$0x1] =	stream.linear.gather [hbm4b:s1+s26], $0x80, $0x38;
	[tilespmem:$0x1E480] =	vst v63  }
0x139: {  	s0 =	sadd.s32 s0, s13;
	s8 =	simm.s32 $0x2380  }
0x13a: {  	[tilespmem:s8], [sflag:$0x1] =	stream.linear.gather [hbm4b:s0+s26], $0x80, $0x38;
	[tilespmem:$0x1E480] =	vst v63  }
0x13b: {  	s9 =	sadd.s32 $0x40, s0;
	s10 =	simm.s32 $0x2580  }
0x13c: {  	[tilespmem:s10], [sflag:$0x1] =	stream.linear.gather [hbm4b:s9+s26], $0x80, $0x38;
	[tilespmem:$0x1E480] =	vst v63  }
0x13d: {  	s11 =	sadd.s32 $0x80, s0;
	s12 =	simm.s32 $0x2780  }
0x13e: {  	[tilespmem:s12], [sflag:$0x1] =	stream.linear.gather [hbm4b:s11+s26], $0x80, $0x38;
	[tilespmem:$0x1E480] =	vst v63  }
0x13f: {  	s14 =	sadd.s32 $0xC0, s0;
	s17 =	simm.s32 $0x2980  }
0x140: {  	[tilespmem:s17], [sflag:$0x1] =	stream.linear.gather [hbm4b:s14+s26], $0x80, $0x38;
	[tilespmem:$0x1E480] =	vst v63  }
0x141: {  	s18 =	sadd.s32 $0x100, s0;
	s19 =	simm.s32 $0x2B80  }
0x142: {  	[tilespmem:s19], [sflag:$0x1] =	stream.linear.gather [hbm4b:s18+s26], $0x80, $0x38;
	[tilespmem:$0x1E480] =	vst v63  }
0x143: {  	s20 =	sadd.s32 $0x140, s0;
	s21 =	simm.s32 $0x2D80  }
0x144: {  	[tilespmem:s21], [sflag:$0x1] =	stream.linear.gather [hbm4b:s20+s26], $0x80, $0x38;
	[tilespmem:$0x1E480] =	vst v63  }
0x145: {  	s22 =	sadd.s32 $0x180, s0;
	s23 =	simm.s32 $0x2F80  }
0x146: {  	[tilespmem:s23], [sflag:$0x1] =	stream.linear.gather [hbm4b:s22+s26], $0x80, $0x38;
	[tilespmem:$0x1E480] =	vst v63  }
0x147: {  	s24 =	sadd.s32 $0x1C0, s0;
	s29 =	simm.s32 $0x3180  }
0x148: {  	[tilespmem:s29], [sflag:$0x1] =	stream.linear.gather [hbm4b:s24+s26], $0x80, $0x38;
	[tilespmem:$0x1E480] =	vst v63  }
0x149: {  	s5 =	sadd.s32 $0x200, s0;
	s7 =	simm.s32 $0x3380  }
0x14a: {  	[tilespmem:s7], [sflag:$0x1] =	stream.linear.gather [hbm4b:s5+s26], $0x80, $0x38;
	[tilespmem:$0x1E480] =	vst v63  }
0x14b: {  	s8 =	sadd.s32 $0x240, s0;
	s9 =	simm.s32 $0x3580  }
0x14c: {  	[tilespmem:s9], [sflag:$0x1] =	stream.linear.gather [hbm4b:s8+s26], $0x80, $0x38;
	[tilespmem:$0x1E480] =	vst v63  }
0x14d: {  	s10 =	sadd.s32 $0x280, s0;
	s11 =	simm.s32 $0x3780  }
0x14e: {  	[tilespmem:s11], [sflag:$0x1] =	stream.linear.gather [hbm4b:s10+s26], $0x80, $0x38;
	[tilespmem:$0x1E480] =	vst v63  }
0x14f: {  	s12 =	sadd.s32 $0x2C0, s0;
	s14 =	simm.s32 $0x3980  }
0x150: {  	[tilespmem:s14], [sflag:$0x1] =	stream.linear.gather [hbm4b:s12+s26], $0x80, $0x38;
	[tilespmem:$0x1E480] =	vst v63  }
0x151: {  	s17 =	sadd.s32 $0x300, s0;
	s18 =	simm.s32 $0x3B80  }
0x152: {  	[tilespmem:s18], [sflag:$0x1] =	stream.linear.gather [hbm4b:s17+s26], $0x80, $0x38;
	[tilespmem:$0x1E480] =	vst v63  }
0x153: {  	s19 =	sadd.s32 $0x340, s0;
	s20 =	simm.s32 $0x3D80  }
0x154: {  	[tilespmem:s20], [sflag:$0x1] =	stream.linear.gather [hbm4b:s19+s26], $0x80, $0x38;
	[tilespmem:$0x1E480] =	vst v63  }
0x155: {  	s21 =	sadd.s32 $0x380, s0;
	s0 =	sadd.s32 $0x3C0, s0;
	s22 =	simm.s32 $0x3F80  }
0x156: {  	[tilespmem:s22], [sflag:$0x1] =	stream.linear.gather [hbm4b:s21+s26], $0x80, $0x38;
	[tilespmem:$0x1E480] =	vst v63  }
0x157: {  	s23 =	simm.s32 $0x4180;
	s24 =	sshll.u32 s6, $0xC;
	s29 =	rddreg [dreg:$0x6]  }
0x158: {  	[tilespmem:s23], [sflag:$0x1] =	stream.linear.gather [hbm4b:s0+s26], $0x80, $0x38;
	[tilespmem:$0x1E480] =	vst v63  }
0x159: {  	s0 =	sadd.s32 s29, s24  }
0x15a: {  	s0 =	sshrl.u32 s0, $0xE  }
0x15b: {  	s30 =	sshll.u32 s6, $0x5;
	s0 =	scvt.s32.f32 s0  }
0x15c: {  	s31 =	simm.s32 $0x100000;
	p0 =	seq.s32 s6, $0x0;
	s5 =	simm.s32 $0x0  }
0x15d: {  	s17 =	simm.s32 $0x0;
	s24 =	simm.s32 $0x8240;
	s23 =	simm.s32 $0x4240;
	v8 =	vadd.f32 s0, v5  }
.LBB2_5:
0x15e: {  	s11 =	sadd.s32 $0xFFF00000, s31  }
0x15f: {  	s1 =	sand.u32 $0xFFFFFE00, s5;
	s12 =	sand.u32 $0x60, s11  }
0x160: {  	s1 =	sadd.s32 $0x200, s1;
	s19 =	sor.u32 $0x10, s12  }
0x161: {  	s0 =	sshll.u32 s17, $0x4;
	s20 =	sor.u32 s19, s1  }
0x162: {  	s21 =	sshrl.u32 s0, $0x3;
	v9 =	vld [tilespmem:s20+$0x80]  }
0x163: {  	s21 =	sadd.s32 s30, s21;
	v10 =	vld [tilespmem:s20+$0x0]  }
0x164: {  	s1 =	sor.u32 s12, s1;
	v11 =	vld [tilespmem:s20+$0x100];
	s20 =	sand.u32 $0x7F, s21  }
0x165: {  	v12 =	vld [tilespmem:s1+$0x100];
	s20 =	scvt.s32.f32 s20  }
0x166: {  	v13 =	vld [tilespmem:s1+$0x0]  }
0x167: {  	s19 =	scvt.s32.f32 s19;
	v14 =	vadd.f32 s20, v6;
	v9 =	vmul.f32 $3.072000030e+00, v9  }
0x168: {  	s12 =	scvt.s32.f32 s12;
	v10 =	vmul.f32 $3.072000030e+00, v10  }
0x169: {  	v16 =	vadd.f32 s19, v7;
	v11 =	vmul.f32 $3.072000030e+00, v11;
	v9 =	vadd.f32 v9, v14  }
0x16a: {  	v15 =	vadd.f32 s12, v7;
	v12 =	vmul.f32 $3.072000030e+00, v12;
	v10 =	vadd.f32 v10, v8  }
0x16b: {  	v13 =	vmul.f32 $3.072000030e+00, v13;
	v16 =	vadd.f32 v11, v16;
	v17 =	vtrunc.f32 v9  }
0x16c: {  	v12 =	vadd.f32 v12, v15;
	v11 =	vtrunc.f32 v10;
	v15 =	vcvt.f32.s32 v17  }
0x16d: {  	s11 =	sor.u32 $0x100010, s11;
	v17 =	vtrunc.f32 v16;
	v18 =	vcvt.f32.s32 v11  }
0x16e: {  	v23 =	vor.u32 s11, v3;
	v17 =	vcvt.f32.s32 v17;
	v20 =	vcvt.s32.f32 v15  }
0x16f: {  	v13 =	vadd.f32 v13, v8;
	v19 =	vtrunc.f32 v12;
	v21 =	vcvt.s32.f32 v18  }
0x170: {  	s8 =	simm.s32 $0x0;
	v19 =	vcvt.f32.s32 v19;
	v22 =	vcvt.s32.f32 v17;
	vm0 =	vlt.f32 v9, v20  }
0x171: {  	s8 =	sand.u32 $0x3, s8;
	v9 =	vsub.f32 v9, v20;
	vm1 =	vlt.f32 v10, v21;
	v10 =	vsub.f32 v10, v21  }
0x172: {  	s8 =	sshll.u32 s8, $0x5;
	vm2 =	vlt.f32 v16, v22;
	v20 =	vsel vm1, $0xFFFFFFFF, v4;
	v21 =	vsel vm0, $0xFFFFFFFF, v4  }
0x173: {  	s8 =	sadd.s32 s8, s5;
	v16 =	vsub.f32 v16, v22;
	v22 =	vsel vm1, $0x3F800000, v1;
	v24 =	vsel vm0, $0x3F800000, v1  }
0x174: {  	s22 =	sadd.s32 $0x10, s8;
	v25 =	vsel vm2, $0xFFFFFFFF, v4;
	v18 =	vadd.s32 v18, v20;
	v9 =	vadd.f32 v24, v9  }
0x175: {  	s11 =	sor.u32 $0x180, s22;
	v20 =	vsel vm2, $0x3F800000, v1;
	v10 =	vadd.f32 v22, v10;
	v15 =	vadd.s32 v15, v21  }
0x176: {  	v24 =	vld [tilespmem:s11+$0x200];
	v16 =	vadd.f32 v20, v16;
	v17 =	vadd.s32 v17, v25;
	v20 =	vadd.s32 $0x1, v15  }
0x177: {  	v21 =	vshll.u32 v18, $0xD;
	v26 =	vadd.s32 $0x1, v18;
	v28 =	vshll.u32 v15, $0x6  }
0x178: {  	v25 =	vand.u32 $0x1, v17;
	v27 =	vadd.s32 $0x2000, v21;
	v22 =	vsub.f32 $1.000000000e+00, v16  }
0x179: {  	v29 =	vsub.f32 $1.000000000e+00, v9;
	vm7 =	veq.s32 v25, v0;
	v25 =	vxor.u32 v0, v25  }
0x17a: {  	v17 =	vadd.s32 v17, v25;
	v16 =	vsel vm7, v22, v16;
	v22 =	vsub.f32 $1.000000000e+00, v10  }
0x17b: {  	v18 =	vor.u32 v18, v17;
	v16 =	vmul.f32 v16, v24;
	v24 =	vshra.s32 v17, $0x1  }
0x17c: {  	v17 =	vor.u32 v26, v17;
	v25 =	vor.u32 v15, v18;
	v18 =	vor.u32 v20, v18  }
0x17d: {  	v24 =	vadd.s32 v28, v24;
	vm8 =	vlt.u32 v25, $0x80;
	vm9 =	vlt.u32 v18, $0x80  }
0x17e: {  	v26 =	vld [tilespmem:s1+$0x80];
	v15 =	vor.u32 v15, v17;
	v17 =	vor.u32 v20, v17;
	v22 =	vmul.f32 v16, v22  }
0x17f: {  	v28 =	vadd.s32 v21, v24;
	v25 =	vadd.s32 $0x40, v24;
	v10 =	vmul.f32 v16, v10  }
0x180: {  	v18 =	vadd.s32 v27, v24;
	vm10 =	vlt.u32 v15, $0x80;
	vm11 =	vlt.u32 v17, $0x80  }
0x181: {  	v28 =	vsel vm8, v28, v23;
	v24 =	vsel vm10, v18, v23;
	v18 =	vcvt.s32.f32 v19  }
0x182: {  	v21 =	vadd.s32 v21, v25;
	v30 =	vmul.f32 v22, v29;
	v16 =	vmul.f32 v22, v9  }
0x183: {  	v20 =	vadd.s32 v27, v25;
	v22 =	vmul.f32 v10, v29;
	v15 =	vmul.f32 $3.072000030e+00, v26  }
0x184: {  	v9 =	vmul.f32 v10, v9;
	vm12 =	vlt.f32 v12, v18;
	v10 =	vsub.f32 v12, v18  }
0x185: {  	[tilespmem:s23+$0x0] =	vst v28;
	v25 =	vsel vm12, $0x3F800000, v1;
	v17 =	vadd.f32 v15, v14;
	v14 =	vtrunc.f32 v13  }
0x186: {  	v21 =	vsel vm9, v21, v23;
	[tilespmem:s24+$0x0] =	vst v30;
	v10 =	vadd.f32 v25, v10;
	v15 =	vcvt.f32.s32 v14  }
0x187: {  	[tilespmem:s23+$0x10] =	vst v21;
	v14 =	vsel vm12, $0xFFFFFFFF, v4  }
0x188: {  	s29 =	sor.u32 $0x180, s8;
	[tilespmem:s24+$0x10] =	vst v16;
	v12 =	vtrunc.f32 v17;
	v16 =	vsub.f32 $1.000000000e+00, v10;
	v26 =	vcvt.s32.f32 v15  }
0x189: {  	s18 =	sadd.s32 $0x10, s0;
	s8 =	sadd.s32 $0x2, s0;
	v25 =	vld [tilespmem:s29+$0x200];
	v18 =	vcvt.f32.s32 v12;
	v12 =	vsel vm11, v20, v23;
	v20 =	vadd.s32 v19, v14  }
0x18a: {  	p2 =	slt.u32 s8, s18;
	v21 =	vand.u32 $0x1, v20;
	vm13 =	vlt.f32 v13, v26;
	v13 =	vsub.f32 v13, v26  }
.Ltmp3:
0x18b: {  	v19 =	vcvt.s32.f32 v18;
	vm15 =	veq.s32 v21, v0;
	v14 =	vsel vm13, $0x3F800000, v1;
	(pc) =	sbr.rel @!p2 .LBB2_6-.Ltmp3, $4  }
0x18c: {  	v11 =	vor.u32 s31, v3;
	[tilespmem:s23+$0x20] =	vst v24;
	v10 =	vsel vm15, v16, v10;
	v14 =	vadd.f32 v14, v13  }
0x18d: {  	[tilespmem:s24+$0x20] =	vst v22;
	vm14 =	vlt.f32 v17, v19;
	v19 =	vsub.f32 v17, v19;
	v13 =	vxor.u32 v0, v21  }
0x18e: {  	[tilespmem:s23+$0x30] =	vst v12;
	v21 =	vsel vm13, $0xFFFFFFFF, v4;
	v17 =	vmul.f32 v10, v25;
	v23 =	vsel vm14, $0xFFFFFFFF, v4  }
0x18f: {  	p1 =	por $0x0, $0x0;
	s21 =	sadd.s32 $0x20, s31;
	[tilespmem:s24+$0x30] =	vst v9;
	v24 =	vsel vm14, $0x3F800000, v1;
	v13 =	vadd.s32 v20, v13;
	v16 =	vsub.f32 $1.000000000e+00, v14  }
0x190: {  	s1 =	sadd.s32 $0xFFF00000, s21;
	v9 =	vadd.s32 v15, v21;
	v10 =	vadd.s32 v18, v23;
	v15 =	vadd.f32 v24, v19;
	s19 =	sadd.s32 $0x80, s5  }
0x191: {  	v19 =	vshra.s32 v13, $0x1;
	s0 =	sand.u32 $0x60, s1;
	s11 =	sand.u32 $0xFFFFFE00, s19;
	v12 =	vadd.s32 $0x1, v9;
	v18 =	vshll.u32 v10, $0x6  }
0x192: {  	v16 =	vmul.f32 v17, v16;
	v17 =	vmul.f32 v17, v14;
	v14 =	vor.u32 v9, v13;
	s11 =	sadd.s32 $0x200, s11;
	s20 =	sor.u32 $0x10, s0  }
0x193: {  	v22 =	vshll.u32 v9, $0xD;
	v18 =	vadd.s32 v18, v19;
	v19 =	vsub.f32 $1.000000000e+00, v15;
	s22 =	sor.u32 s20, s11  }
0x194: {  	s1 =	sor.u32 $0x100010, s1;
	v12 =	vor.u32 v12, v13;
	v13 =	vadd.s32 $0x1, v10;
	v25 =	vor.u32 v10, v14;
	v21 =	vld [tilespmem:s22+$0x80]  }
0x195: {  	v28 =	vadd.s32 $0x2000, v22;
	v32 =	vor.u32 s1, v3;
	v24 =	vadd.s32 $0x40, v18;
	v23 =	vld [tilespmem:s22+$0x0]  }
0x196: {  	s7 =	sshrl.u32 s8, $0x3;
	s12 =	scvt.s32.f32 s0;
	v26 =	vor.u32 v13, v14;
	s0 =	sor.u32 s0, s11;
	v10 =	vor.u32 v10, v12;
	v29 =	vor.u32 v13, v12;
	v27 =	vld [tilespmem:s22+$0x100]  }
0x197: {  	s9 =	sadd.s32 s30, s7;
	v13 =	vmul.f32 v16, v15;
	v9 =	vmul.f32 v17, v15;
	vm0 =	vlt.u32 v25, $0x80;
	v30 =	vld [tilespmem:s0+$0x100]  }
0x198: {  	s11 =	sand.u32 $0x7F, s9;
	s10 =	scvt.s32.f32 s20;
	v25 =	vadd.s32 v28, v18;
	v20 =	vadd.f32 s12, v7;
	v14 =	vmul.f32 v16, v19;
	v31 =	vld [tilespmem:s0+$0x0]  }
0x199: {  	v16 =	vadd.s32 v22, v24;
	s11 =	scvt.s32.f32 s11;
	v12 =	vmul.f32 v17, v19;
	v15 =	vadd.s32 v28, v24  }
0x19a: {  	v17 =	vadd.s32 v22, v18;
	v24 =	vadd.f32 s10, v7;
	v22 =	vmul.f32 $3.072000030e+00, v23  }
0x19b: {  	v19 =	vadd.f32 s11, v6;
	v21 =	vmul.f32 $3.072000030e+00, v21;
	v23 =	vmul.f32 $3.072000030e+00, v27  }
0x19c: {  	vm3 =	vlt.u32 v26, $0x80;
	v18 =	vmul.f32 $3.072000030e+00, v30;
	v22 =	vadd.f32 v22, v8  }
0x19d: {  	v26 =	vmul.f32 $3.072000030e+00, v31;
	v21 =	vadd.f32 v21, v19;
	v23 =	vadd.f32 v23, v24  }
0x19e: {  	vm1 =	vlt.u32 v10, $0x80;
	v18 =	vadd.f32 v18, v20;
	v10 =	vtrunc.f32 v22  }
0x19f: {  	v24 =	vadd.f32 v26, v8;
	v20 =	vtrunc.f32 v21;
	v26 =	vtrunc.f32 v23  }
0x1a0: {  	vm2 =	vlt.u32 v29, $0x80;
	v20 =	vcvt.f32.s32 v20;
	v27 =	vcvt.f32.s32 v10  }
0x1a1: {  	v16 =	vsel vm3, v16, v11;
	v44 =	vtrunc.f32 v18;
	v26 =	vcvt.f32.s32 v26  }
0x1a2: {  	v17 =	vsel vm0, v17, v11;
	v45 =	vcvt.s32.f32 v20;
	v46 =	vcvt.s32.f32 v27  }
0x1a3: {  	v10 =	vor.u32 s21, v3;
	v28 =	vcvt.f32.s32 v44;
	v47 =	vcvt.s32.f32 v26  }
0x1a4: {  	s20 =	simm.s32 $0x1;
	vm15 =	vlt.f32 v21, v45;
	v21 =	vsub.f32 v21, v45;
	vm4 =	vlt.f32 v22, v46  }
0x1a5: {  	s14 =	sand.u32 $0x3, s20;
	v22 =	vsub.f32 v22, v46;
	vm5 =	vlt.f32 v23, v47;
	v23 =	vsub.f32 v23, v47  }
0x1a6: {  	s22 =	sshll.u32 s14, $0x5;
	v48 =	vsel vm4, $0xFFFFFFFF, v4;
	v49 =	vsel vm15, $0xFFFFFFFF, v4;
	v50 =	vsel vm4, $0x3F800000, v1  }
0x1a7: {  	s11 =	sadd.s32 s22, s19;
	v33 =	vsel vm15, $0x3F800000, v1;
	v34 =	vsel vm5, $0xFFFFFFFF, v4;
	v51 =	vsel vm5, $0x3F800000, v1  }
0x1a8: {  	s1 =	sadd.s32 $0x10, s11;
	v27 =	vadd.s32 v27, v48;
	v21 =	vadd.f32 v33, v21;
	v22 =	vadd.f32 v50, v22  }
0x1a9: {  	s1 =	sor.u32 $0x180, s1;
	v20 =	vadd.s32 v20, v49;
	v23 =	vadd.f32 v51, v23;
	v26 =	vadd.s32 v26, v34  }
0x1aa: {  	v52 =	vld [tilespmem:s1+$0x200];
	v53 =	vadd.s32 $0x1, v20;
	v54 =	vshll.u32 v27, $0xD;
	v34 =	vand.u32 $0x1, v26  }
0x1ab: {  	v35 =	vadd.s32 $0x1, v27;
	v37 =	vshll.u32 v20, $0x6;
	v55 =	vsub.f32 $1.000000000e+00, v23  }
0x1ac: {  	vm7 =	veq.s32 v34, v0;
	v36 =	vadd.s32 $0x2000, v54;
	v34 =	vxor.u32 v0, v34  }
0x1ad: {  	v38 =	vsub.f32 $1.000000000e+00, v21;
	v56 =	vsub.f32 $1.000000000e+00, v22;
	v26 =	vadd.s32 v26, v34  }
0x1ae: {  	v60 =	vld [tilespmem:s0+$0x80];
	v23 =	vsel vm7, v55, v23;
	v57 =	vshra.s32 v26, $0x1;
	v27 =	vor.u32 v27, v26  }
0x1af: {  	v26 =	vor.u32 v35, v26;
	v23 =	vmul.f32 v23, v52;
	v33 =	vadd.s32 v37, v57  }
0x1b0: {  	v58 =	vor.u32 v20, v27;
	v27 =	vor.u32 v53, v27;
	v20 =	vor.u32 v20, v26  }
0x1b1: {  	v59 =	vadd.s32 v54, v33;
	vm8 =	vlt.u32 v58, $0x80;
	v37 =	vadd.s32 $0x40, v33  }
0x1b2: {  	vm9 =	vlt.u32 v27, $0x80;
	v61 =	vadd.s32 v36, v33;
	v31 =	vmul.f32 v23, v56  }
0x1b3: {  	vm10 =	vlt.u32 v20, $0x80;
	v20 =	vor.u32 v53, v26;
	v26 =	vmul.f32 $3.072000030e+00, v60  }
0x1b4: {  	s1 =	sadd.s32 $0x80, s23;
	v35 =	vsel vm8, v59, v32;
	v30 =	vadd.s32 v54, v37;
	v39 =	vmul.f32 v31, v38  }
0x1b5: {  	s0 =	sadd.s32 $0x80, s24;
	v22 =	vmul.f32 v23, v22;
	v63 =	vadd.s32 v36, v37;
	vm11 =	vlt.u32 v20, $0x80;
	[tilespmem:s1+$0x0] =	vst v35  }
0x1b6: {  	v20 =	vsel vm2, v15, v11;
	v27 =	vsel vm9, v30, v32;
	v23 =	vmul.f32 v31, v21;
	[tilespmem:s0+$0x0] =	vst v39  }
0x1b7: {  	v30 =	vsel vm10, v61, v32;
	v62 =	vmul.f32 v22, v38;
	[tilespmem:s1+$0x10] =	vst v27;
	v27 =	vcvt.s32.f32 v28  }
0x1b8: {  	v19 =	vadd.f32 v26, v19;
	v21 =	vmul.f32 v22, v21;
	[tilespmem:s0+$0x10] =	vst v23;
	v23 =	vtrunc.f32 v24  }
0x1b9: {  	v22 =	vsel vm11, v63, v32;
	[tilespmem:s1+$0x20] =	vst v30;
	v15 =	vcvt.f32.s32 v23;
	vm12 =	vlt.f32 v18, v27  }
0x1ba: {  	v23 =	vsub.f32 v18, v27;
	v18 =	vtrunc.f32 v19;
	[tilespmem:s0+$0x20] =	vst v62;
	v26 =	vsel vm12, $0xFFFFFFFF, v4  }
0x1bb: {  	v27 =	vsel vm12, $0x3F800000, v1;
	v18 =	vcvt.f32.s32 v18;
	[tilespmem:s1+$0x30] =	vst v22;
	v22 =	vcvt.s32.f32 v15  }
0x1bc: {  	s29 =	sadd.s32 $0x2, s8;
	[tilespmem:s23+$0xFFFFFFC0] =	vst v17;
	s11 =	sor.u32 $0x180, s11;
	v11 =	vsel vm1, v25, v11;
	v23 =	vadd.f32 v27, v23;
	v26 =	vadd.s32 v28, v26  }
0x1bd: {  	p2 =	slt.u32 s29, s18;
	v25 =	vld [tilespmem:s11+$0x200];
	[tilespmem:s0+$0x30] =	vst v21;
	vm13 =	vlt.f32 v24, v22;
	v21 =	vsub.f32 v24, v22;
	v22 =	vcvt.s32.f32 v18  }
.Ltmp4:
0x1be: {  	[tilespmem:s24+$0xFFFFFFC0] =	vst v14;
	v27 =	vand.u32 $0x1, v26;
	v24 =	vsub.f32 $1.000000000e+00, v23;
	v17 =	vsel vm13, $0x3F800000, v1;
	(pc) =	sbr.rel @!p2 .LBB2_8-.Ltmp4, $4  }
0x1bf: {  	[tilespmem:s23+$0xFFFFFFD0] =	vst v16;
	vm15 =	veq.s32 v27, v0;
	v14 =	vadd.f32 v17, v21;
	vm14 =	vlt.f32 v19, v22  }
0x1c0: {  	[tilespmem:s24+$0xFFFFFFD0] =	vst v13;
	v19 =	vsub.f32 v19, v22;
	v17 =	vxor.u32 v0, v27;
	v22 =	vsel vm15, v24, v23  }
0x1c1: {  	s8 =	sadd.s32 $0x20, s21;
	[tilespmem:s23+$0xFFFFFFE0] =	vst v11;
	v21 =	vsel vm13, $0xFFFFFFFF, v4;
	v23 =	vsel vm14, $0xFFFFFFFF, v4;
	v24 =	vsel vm14, $0x3F800000, v1  }
0x1c2: {  	p1 =	por $0x1, $0x1;
	s22 =	smov.u32 s24;
	s21 =	smov.u32 s23;
	[tilespmem:s24+$0xFFFFFFE0] =	vst v12;
	v13 =	vadd.s32 v26, v17;
	v17 =	vmul.f32 v22, v25;
	v16 =	vsub.f32 $1.000000000e+00, v14  }
.LBB2_9:
0x1c3: {  	s11 =	sadd.s32 $0xFFF00000, s8;
	v11 =	vadd.s32 v15, v21;
	v12 =	vadd.s32 v18, v23;
	v15 =	vadd.f32 v24, v19;
	s19 =	sadd.s32 $0x80, s19;
	[tilespmem:s21+$0xFFFFFFF0] =	vst v20;
	s21 =	smov.u32 s1  }
0x1c4: {  	v20 =	vshra.s32 v13, $0x1;
	s12 =	sand.u32 $0x60, s11;
	s7 =	sand.u32 $0xFFFFFE00, s19;
	v18 =	vadd.s32 $0x1, v11;
	v19 =	vshll.u32 v12, $0x6;
	[tilespmem:s22+$0xFFFFFFF0] =	vst v9;
	s22 =	smov.u32 s0  }
0x1c5: {  	v9 =	vmul.f32 v17, v16;
	v14 =	vmul.f32 v17, v14;
	s7 =	sadd.s32 $0x200, s7;
	s14 =	scvt.s32.f32 s12;
	s4 =	sor.u32 $0x10, s12;
	v19 =	vadd.s32 v19, v20  }
0x1c6: {  	v17 =	vor.u32 v11, v13;
	v16 =	vsub.f32 $1.000000000e+00, v15;
	v13 =	vor.u32 v18, v13;
	s12 =	sor.u32 s12, s7;
	s7 =	sor.u32 s4, s7  }
0x1c7: {  	v23 =	vshll.u32 v11, $0xD;
	v18 =	vadd.s32 $0x1, v12;
	v21 =	vadd.f32 s14, v7;
	v22 =	vld [tilespmem:s7+$0x80]  }
0x1c8: {  	v25 =	vor.u32 v12, v17;
	v20 =	vadd.s32 $0x40, v19;
	v17 =	vor.u32 v18, v17;
	s14 =	sshrl.u32 s29, $0x3;
	v24 =	vld [tilespmem:s7+$0x0]  }
0x1c9: {  	v27 =	vadd.s32 $0x2000, v23;
	v28 =	vor.u32 v12, v13;
	v29 =	vor.u32 v18, v13;
	s14 =	sadd.s32 s30, s14;
	v26 =	vld [tilespmem:s7+$0x100]  }
0x1ca: {  	v12 =	vmul.f32 v9, v15;
	v13 =	vmul.f32 v9, v16;
	v31 =	vadd.s32 v23, v20;
	s7 =	sand.u32 $0x7F, s14;
	v30 =	vld [tilespmem:s12+$0x100]  }
0x1cb: {  	v11 =	vmul.f32 v14, v16;
	v9 =	vmul.f32 v14, v15;
	v15 =	vadd.s32 v27, v20;
	s7 =	scvt.s32.f32 s7;
	v32 =	vld [tilespmem:s12+$0x0]  }
0x1cc: {  	s4 =	scvt.s32.f32 s4;
	vm0 =	vlt.u32 v25, $0x80;
	v14 =	vadd.s32 v23, v19;
	vm3 =	vlt.u32 v17, $0x80;
	v20 =	vld [tilespmem:s12+$0x80]  }
0x1cd: {  	s29 =	sadd.s32 $0x2, s29;
	v18 =	vadd.f32 s7, v6;
	v22 =	vmul.f32 $3.072000030e+00, v22;
	v17 =	vmul.f32 $3.072000030e+00, v24  }
0x1ce: {  	v16 =	vadd.s32 v27, v19;
	p2 =	slt.u32 s29, s18;
	v24 =	vadd.f32 s4, v7;
	v23 =	vmul.f32 $3.072000030e+00, v26  }
0x1cf: {  	v22 =	vadd.f32 v22, v18;
	v19 =	vmul.f32 $3.072000030e+00, v30;
	v25 =	vadd.f32 v17, v8  }
0x1d0: {  	vm1 =	vlt.u32 v28, $0x80;
	v17 =	vmul.f32 $3.072000030e+00, v32;
	v24 =	vadd.f32 v23, v24  }
0x1d1: {  	v23 =	vadd.f32 v19, v21;
	v19 =	vtrunc.f32 v25;
	v21 =	vtrunc.f32 v22  }
0x1d2: {  	v17 =	vadd.f32 v17, v8;
	v26 =	vcvt.f32.s32 v21;
	v21 =	vtrunc.f32 v24  }
0x1d3: {  	vm2 =	vlt.u32 v29, $0x80;
	v27 =	vcvt.f32.s32 v19;
	v28 =	vcvt.f32.s32 v21  }
0x1d4: {  	v21 =	vor.u32 s8, v3;
	v29 =	vtrunc.f32 v23;
	v30 =	vcvt.s32.f32 v26  }
0x1d5: {  	s20 =	sadd.s32 $0x1, s20;
	s4 =	sor.u32 $0x100010, s11;
	v19 =	vsel vm3, v31, v10;
	v32 =	vcvt.s32.f32 v27;
	v33 =	vcvt.s32.f32 v28  }
0x1d6: {  	s7 =	sand.u32 $0x3, s20;
	v31 =	vor.u32 s4, v3;
	vm3 =	vlt.f32 v22, v30;
	v30 =	vsub.f32 v22, v30  }
0x1d7: {  	s4 =	sshll.u32 s7, $0x5;
	vm4 =	vlt.f32 v25, v32;
	v25 =	vsub.f32 v25, v32;
	vm5 =	vlt.f32 v24, v33  }
0x1d8: {  	s4 =	sadd.s32 s4, s19;
	v32 =	vsel vm4, $0xFFFFFFFF, v4;
	v34 =	vsel vm3, $0xFFFFFFFF, v4;
	v24 =	vsub.f32 v24, v33  }
0x1d9: {  	s7 =	sor.u32 $0x180, s4;
	s4 =	sadd.s32 $0x10, s4;
	v33 =	vsel vm4, $0x3F800000, v1;
	v35 =	vsel vm3, $0x3F800000, v1;
	v36 =	vsel vm5, $0xFFFFFFFF, v4  }
0x1da: {  	s4 =	sor.u32 $0x180, s4;
	v27 =	vadd.s32 v27, v32;
	v30 =	vadd.f32 v35, v30;
	v32 =	vsel vm5, $0x3F800000, v1;
	v22 =	vld [tilespmem:s7+$0x200]  }
0x1db: {  	v25 =	vadd.f32 v33, v25;
	v26 =	vadd.s32 v26, v34;
	v24 =	vadd.f32 v32, v24;
	v35 =	vld [tilespmem:s4+$0x200]  }
0x1dc: {  	v28 =	vadd.s32 v28, v36;
	v32 =	vadd.s32 $0x1, v26;
	v33 =	vshll.u32 v27, $0xD  }
0x1dd: {  	v37 =	vadd.s32 $0x1, v27;
	v36 =	vand.u32 $0x1, v28;
	v34 =	vsub.f32 $1.000000000e+00, v24  }
0x1de: {  	v39 =	vshll.u32 v26, $0x6;
	v38 =	vadd.s32 $0x2000, v33;
	vm3 =	veq.s32 v36, v0  }
0x1df: {  	v40 =	vsub.f32 $1.000000000e+00, v30;
	v36 =	vxor.u32 v0, v36;
	v24 =	vsel vm3, v34, v24  }
0x1e0: {  	v28 =	vadd.s32 v28, v36;
	v34 =	vsub.f32 $1.000000000e+00, v25;
	v24 =	vmul.f32 v24, v35  }
0x1e1: {  	v27 =	vor.u32 v27, v28;
	v35 =	vshra.s32 v28, $0x1;
	v28 =	vor.u32 v37, v28  }
0x1e2: {  	v36 =	vor.u32 v26, v27;
	v35 =	vadd.s32 v39, v35;
	v34 =	vmul.f32 v24, v34  }
0x1e3: {  	v27 =	vor.u32 v32, v27;
	vm3 =	vlt.u32 v36, $0x80;
	v37 =	vadd.s32 v33, v35  }
0x1e4: {  	s1 =	sadd.s32 $0x80, s1;
	v36 =	vadd.s32 $0x40, v35;
	v37 =	vsel vm3, v37, v31;
	v39 =	vmul.f32 v34, v40  }
0x1e5: {  	s0 =	sadd.s32 $0x80, s0;
	v26 =	vor.u32 v26, v28;
	v33 =	vadd.s32 v33, v36;
	vm3 =	vlt.u32 v27, $0x80;
	[tilespmem:s1+$0x0] =	vst v37  }
0x1e6: {  	v24 =	vmul.f32 v24, v25;
	v25 =	vmul.f32 v34, v30;
	v27 =	vsel vm3, v33, v31;
	[tilespmem:s0+$0x0] =	vst v39  }
0x1e7: {  	v29 =	vcvt.f32.s32 v29;
	vm3 =	vlt.u32 v26, $0x80;
	[tilespmem:s1+$0x10] =	vst v27;
	v27 =	vadd.s32 v38, v35  }
0x1e8: {  	[tilespmem:s0+$0x10] =	vst v25;
	v25 =	vmul.f32 v24, v40;
	v26 =	vsel vm3, v27, v31;
	v27 =	vor.u32 v32, v28  }
0x1e9: {  	v20 =	vmul.f32 $3.072000030e+00, v20;
	[tilespmem:s1+$0x20] =	vst v26;
	v26 =	vadd.s32 v38, v36;
	vm3 =	vlt.u32 v27, $0x80  }
0x1ea: {  	v24 =	vmul.f32 v24, v30;
	v27 =	vcvt.s32.f32 v29;
	[tilespmem:s0+$0x20] =	vst v25;
	v25 =	vsel vm3, v26, v31  }
0x1eb: {  	v26 =	vadd.f32 v20, v18;
	v18 =	vtrunc.f32 v17;
	v20 =	vsel vm2, v15, v10;
	[tilespmem:s1+$0x30] =	vst v25  }
0x1ec: {  	v15 =	vcvt.f32.s32 v18;
	vm2 =	vlt.f32 v23, v27;
	v23 =	vsub.f32 v23, v27;
	[tilespmem:s0+$0x30] =	vst v24  }
0x1ed: {  	v18 =	vtrunc.f32 v26;
	v24 =	vsel vm2, $0xFFFFFFFF, v4;
	v25 =	vsel vm2, $0x3F800000, v1  }
0x1ee: {  	v27 =	vcvt.s32.f32 v15;
	v18 =	vcvt.f32.s32 v18;
	v23 =	vadd.f32 v25, v23  }
0x1ef: {  	v14 =	vsel vm0, v14, v10;
	v16 =	vsel vm1, v16, v10;
	v10 =	vmovc v21;
	v25 =	vadd.s32 v29, v24  }
0x1f0: {  	vm0 =	vlt.f32 v17, v27;
	v17 =	vsub.f32 v17, v27;
	v21 =	vcvt.s32.f32 v18;
	[tilespmem:s21+$0xFFFFFFC0] =	vst v14  }
.Ltmp5:
0x1f1: {  	v24 =	vsub.f32 $1.000000000e+00, v23;
	v27 =	vand.u32 $0x1, v25;
	v14 =	vsel vm0, $0x3F800000, v1;
	[tilespmem:s22+$0xFFFFFFC0] =	vst v13;
	(pc) =	sbr.rel @p2 .LBB2_9-.Ltmp5, $4  }
0x1f2: {  	vm2 =	veq.s32 v27, v0;
	v14 =	vadd.f32 v14, v17;
	vm1 =	vlt.f32 v26, v21;
	[tilespmem:s21+$0xFFFFFFD0] =	vst v19  }
0x1f3: {  	v13 =	vxor.u32 v0, v27;
	v17 =	vsel vm2, v24, v23;
	v19 =	vsub.f32 v26, v21;
	[tilespmem:s22+$0xFFFFFFD0] =	vst v12  }
0x1f4: {  	v21 =	vsel vm0, $0xFFFFFFFF, v4;
	v23 =	vsel vm1, $0xFFFFFFFF, v4;
	v24 =	vsel vm1, $0x3F800000, v1;
	[tilespmem:s21+$0xFFFFFFE0] =	vst v16  }
0x1f5: {  	s8 =	sadd.s32 $0x20, s8;
	v13 =	vadd.s32 v25, v13;
	v17 =	vmul.f32 v17, v22;
	v16 =	vsub.f32 $1.000000000e+00, v14;
	[tilespmem:s22+$0xFFFFFFE0] =	vst v11  }
0x1f6: {  	v11 =	vmov v10  }
.LBB2_11:
0x1f7: {  	v10 =	vadd.s32 v15, v21;
	v12 =	vadd.s32 v18, v23;
	v48 =	vadd.f32 v24, v19  }
0x1f8: {  	v51 =	vshra.s32 v13, $0x1;
	v16 =	vmul.f32 v17, v16;
	v14 =	vmul.f32 v17, v14  }
0x1f9: {  	v49 =	vadd.s32 $0x1, v10;
	v50 =	vshll.u32 v12, $0x6;
	v53 =	vor.u32 v10, v13  }
0x1fa: {  	v55 =	vadd.s32 $0x1, v12;
	v10 =	vshll.u32 v10, $0xD;
	v19 =	vadd.s32 v50, v51  }
0x1fb: {  	[tilespmem:s21+$0xFFFFFFF0] =	vst @p1 v20;
	v52 =	vsub.f32 $1.000000000e+00, v48;
	v54 =	vor.u32 v49, v13;
	v22 =	vor.u32 v12, v53  }
0x1fc: {  	[tilespmem:s22+$0xFFFFFFF0] =	vst @p1 v9;
	v9 =	vor.u32 v55, v53;
	v57 =	vadd.s32 v10, v19;
	vm0 =	vlt.u32 v22, $0x80  }
0x1fd: {  	v56 =	vadd.s32 $0x40, v19;
	v58 =	vmul.f32 v16, v52;
	v22 =	vsel vm0, v57, v11  }
0x1fe: {  	v59 =	vadd.s32 $0x2000, v10;
	vm13 =	vlt.u32 v9, $0x80;
	v10 =	vadd.s32 v10, v56;
	[tilespmem:s1+$0xFFFFFFC0] =	vst v22  }
0x1ff: {  	v60 =	vmul.f32 v16, v48;
	v9 =	vor.u32 v12, v54;
	v10 =	vsel vm13, v10, v11;
	[tilespmem:s0+$0xFFFFFFC0] =	vst v58  }
0x200: {  	v61 =	vadd.s32 v59, v19;
	vm14 =	vlt.u32 v9, $0x80;
	[tilespmem:s1+$0xFFFFFFD0] =	vst v10  }
0x201: {  	v9 =	vor.u32 v55, v54;
	v62 =	vsel vm14, v61, v11;
	v10 =	vmul.f32 v14, v52;
	[tilespmem:s0+$0xFFFFFFD0] =	vst v60  }
0x202: {  	v63 =	vadd.s32 v59, v56;
	vm15 =	vlt.u32 v9, $0x80;
	[tilespmem:s1+$0xFFFFFFE0] =	vst v62  }
0x203: {  	v9 =	vmul.f32 v14, v48;
	v11 =	vsel vm15, v63, v11;
	[tilespmem:s0+$0xFFFFFFE0] =	vst v10  }
0x204: {  	[tilespmem:s1+$0xFFFFFFF0] =	vst v11  }
0x205: {  	[tilespmem:s0+$0xFFFFFFF0] =	vst v9;
	s0 =	simm.s32 @!p0 $0x2  }
0x206: {  	_ =	swait.ge @!p0 [sflag:s0], $0x80  }
0x207: {  	[sflag:s0] =	ssyncset.done @!p0 $0x0  }
0x208: {  	[sflag:s0] =	ssyncadd.s32 @!p0 $0xFFFFFF80  }
0x209: {  	_ =	swait.ge @!p0 [sflag:s0], $0x80  }
0x20a: {  	[sflag:s0] =	ssyncset.done @!p0 $0x0  }
0x20b: {  	[sflag:s0] =	ssyncadd.s32 @!p0 $0xFFFFFF80  }
0x20c: {  	_ =	swait.ge @!p0 [sflag:s0], $0x80  }
0x20d: {  	[sflag:s0] =	ssyncset.done @!p0 $0x0  }
0x20e: {  	[sflag:s0] =	ssyncadd.s32 @!p0 $0xFFFFFF80  }
0x20f: {  	_ =	swait.ge @!p0 [sflag:s0], $0x80  }
0x210: {  	[sflag:s0] =	ssyncset.done @!p0 $0x0  }
0x211: {  	[sflag:s0] =	ssyncadd.s32 @!p0 $0xFFFFFF80  }
0x212: {  	_ =	swait.ge @!p0 [sflag:s0], $0x80  }
0x213: {  	[sflag:s0] =	ssyncset.done @!p0 $0x0  }
0x214: {  	[sflag:s0] =	ssyncadd.s32 @!p0 $0xFFFFFF80  }
0x215: {  	_ =	swait.ge @!p0 [sflag:s0], $0x80  }
0x216: {  	[sflag:s0] =	ssyncset.done @!p0 $0x0  }
0x217: {  	[sflag:s0] =	ssyncadd.s32 @!p0 $0xFFFFFF80  }
0x218: {  	_ =	swait.ge @!p0 [sflag:s0], $0x80  }
0x219: {  	[sflag:s0] =	ssyncset.done @!p0 $0x0  }
0x21a: {  	[sflag:s0] =	ssyncadd.s32 @!p0 $0xFFFFFF80  }
0x21b: {  	_ =	swait.ge @!p0 [sflag:s0], $0x80  }
0x21c: {  	[sflag:s0] =	ssyncset.done @!p0 $0x0  }
0x21d: {  	[sflag:s0] =	ssyncadd.s32 @!p0 $0xFFFFFF80;
	s0 =	sshll.u32 s17, $0xA  }
0x21e: {  	s29 =	sadd.s32 $0x8200, s0;
	s4 =	sadd.s32 $0x4200, s0  }
0x21f: {  	[spmem:s2] =	stream.indirect.scatter.add.f32 [tilespmem:s29], [sflag:$0x2], $0x1, s4, s15, $0xb8;
	[tilespmem:$0x1E480] =	vst v63  }
0x220: {  	s7 =	sadd.s32 $0x8280, s0;
	s8 =	sadd.s32 $0x4280, s0  }
0x221: {  	[spmem:s2] =	stream.indirect.scatter.add.f32 [tilespmem:s7], [sflag:$0x2], $0x1, s8, s15, $0xb8;
	[tilespmem:$0x1E480] =	vst v63  }
0x222: {  	s9 =	sadd.s32 $0x8300, s0;
	s10 =	sadd.s32 $0x4300, s0  }
0x223: {  	[spmem:s2] =	stream.indirect.scatter.add.f32 [tilespmem:s9], [sflag:$0x2], $0x1, s10, s15, $0xb8;
	[tilespmem:$0x1E480] =	vst v63  }
0x224: {  	s5 =	sadd.s32 $0x400, s5;
	s11 =	sadd.s32 $0x8380, s0;
	s12 =	sadd.s32 $0x4380, s0  }
0x225: {  	[spmem:s2] =	stream.indirect.scatter.add.f32 [tilespmem:s11], [sflag:$0x2], $0x1, s12, s15, $0xb8;
	[tilespmem:$0x1E480] =	vst v63  }
0x226: {  	s17 =	sadd.s32 $0x1, s17;
	s14 =	sadd.s32 $0x8400, s0;
	s18 =	sadd.s32 $0x4400, s0  }
0x227: {  	[spmem:s2] =	stream.indirect.scatter.add.f32 [tilespmem:s14], [sflag:$0x2], $0x1, s18, s15, $0xb8;
	[tilespmem:$0x1E480] =	vst v63  }
0x228: {  	s19 =	sadd.s32 $0x8480, s0;
	s20 =	sadd.s32 $0x4480, s0;
	p1 =	sne.s32 s17, $0x8  }
0x229: {  	[spmem:s2] =	stream.indirect.scatter.add.f32 [tilespmem:s19], [sflag:$0x2], $0x1, s20, s15, $0xb8;
	[tilespmem:$0x1E480] =	vst v63  }
.Ltmp6:
0x22a: {  	s31 =	sadd.s32 $0x100, s31;
	s24 =	sadd.s32 $0x400, s24;
	(pc) =	sbr.rel @p1 .LBB2_5-.Ltmp6, $4  }
.Ltmp7:
0x22b: {  	s21 =	sadd.s32 $0x8500, s0;
	s22 =	sadd.s32 $0x4500, s0;
	(pc) =	sbr.rel @!p1 .LBB2_12-.Ltmp7, $4  }
0x22c: {  	[spmem:s2] =	stream.indirect.scatter.add.f32 [tilespmem:s21], [sflag:$0x2], $0x1, s22, s15, $0xb8;
	[tilespmem:$0x1E480] =	vst v63  }
0x22d: {  	s23 =	sadd.s32 $0x400, s23;
	s29 =	sadd.s32 $0x8580, s0;
	s0 =	sadd.s32 $0x4580, s0  }
0x22e: {  	[spmem:s2] =	stream.indirect.scatter.add.f32 [tilespmem:s29], [sflag:$0x2], $0x1, s0, s15, $0xb8;
	[tilespmem:$0x1E480] =	vst v63  }
0x22f: {  	_ = 	snop  }
.LBB2_6:
.Ltmp8:
0x230: {  	(pc) =	sbr.rel .LBB2_11-.Ltmp8, $2  }
0x231: {  	_ =	sdelay $0x2  }
0x232: {  	s1 =	smov.u32 s23;
	s0 =	smov.u32 s24  }
.LBB2_8:
.Ltmp9:
0x233: {  	(pc) =	sbr.rel .LBB2_11-.Ltmp9, $2  }
0x234: {  	_ =	sdelay $0x2  }
0x235: {  	s21 =	smov.u32 s23;
	s22 =	smov.u32 s24;
	v11 =	vmov v10  }
.LBB2_12:
0x236: {  	_ =	swait.ge [sflag:s25], $0x800  }
0x237: {  	[sflag:s25] =	ssyncset.done $0x0  }
0x238: {  	[sflag:s25] =	ssyncadd.s32 $0xFFFFF800  }
0x239: {  	_ =	swait.ge [sflag:s25], $0x800  }
0x23a: {  	[sflag:s25] =	ssyncset.done $0x0  }
0x23b: {  	[sflag:s25] =	ssyncadd.s32 $0xFFFFF800  }
0x23c: {  	p1 =	seq.s32 s6, $0x1F;
	_ =	swait.ge [sflag:s25], $0x800  }
.Ltmp10:
0x23d: {  	[sflag:s25] =	ssyncset.done $0x0;
	(pc) =	sbr.rel @p1 .LBB2_14-.Ltmp10, $4  }
0x23e: {  	[sflag:s25] =	ssyncadd.s32 $0xFFFFF800  }
0x23f: {  	_ =	swait.ge [sflag:s25], $0x800  }
0x240: {  	[sflag:s25] =	ssyncset.done $0x0  }
0x241: {  	[sflag:s25] =	ssyncadd.s32 $0xFFFFF800  }
0x242: {  	s0 =	sshll.u32 s6, $0xE;
	s1 =	rddreg [dreg:$0xf]  }
0x243: {  	s0 =	sadd.s32 s0, s1  }
0x244: {  	s18 =	rddreg [dreg:$0x8];
	s0 =	sshrl.u32 s0, $0x3  }
0x245: {  	s4 =	simm.s32 $0x200;
	s1 =	sadd.s32 s18, s0  }
0x246: {  	[tilespmem:s4], [sflag:$0x1] =	stream.linear.gather [hbm4b:s1+s3], $0x80, $0x38;
	[tilespmem:$0x1E480] =	vst v63  }
0x247: {  	s5 =	simm.s32 $0x400;
	s19 =	sadd.s32 $0x40, s1  }
0x248: {  	[tilespmem:s5], [sflag:$0x1] =	stream.linear.gather [hbm4b:s19+s3], $0x80, $0x38;
	[tilespmem:$0x1E480] =	vst v63  }
0x249: {  	s21 =	simm.s32 $0x600;
	s20 =	sadd.s32 $0x80, s1  }
0x24a: {  	[tilespmem:s21], [sflag:$0x1] =	stream.linear.gather [hbm4b:s20+s3], $0x80, $0x38;
	[tilespmem:$0x1E480] =	vst v63  }
0x24b: {  	s23 =	simm.s32 $0x800;
	s22 =	sadd.s32 $0xC0, s1  }
0x24c: {  	[tilespmem:s23], [sflag:$0x1] =	stream.linear.gather [hbm4b:s22+s3], $0x80, $0x38;
	[tilespmem:$0x1E480] =	vst v63  }
0x24d: {  	s29 =	simm.s32 $0xA00;
	s24 =	sadd.s32 $0x100, s1  }
0x24e: {  	[tilespmem:s29], [sflag:$0x1] =	stream.linear.gather [hbm4b:s24+s3], $0x80, $0x38;
	[tilespmem:$0x1E480] =	vst v63  }
0x24f: {  	s31 =	simm.s32 $0xC00;
	s30 =	sadd.s32 $0x140, s1  }
0x250: {  	[tilespmem:s31], [sflag:$0x1] =	stream.linear.gather [hbm4b:s30+s3], $0x80, $0x38;
	[tilespmem:$0x1E480] =	vst v63  }
0x251: {  	s8 =	simm.s32 $0xE00;
	s7 =	sadd.s32 $0x180, s1  }
0x252: {  	[tilespmem:s8], [sflag:$0x1] =	stream.linear.gather [hbm4b:s7+s3], $0x80, $0x38;
	[tilespmem:$0x1E480] =	vst v63  }
0x253: {  	s10 =	simm.s32 $0x1000;
	s9 =	sadd.s32 $0x1C0, s1  }
0x254: {  	[tilespmem:s10], [sflag:$0x1] =	stream.linear.gather [hbm4b:s9+s3], $0x80, $0x38;
	[tilespmem:$0x1E480] =	vst v63  }
0x255: {  	s12 =	simm.s32 $0x1200;
	s11 =	sadd.s32 $0x200, s1  }
0x256: {  	[tilespmem:s12], [sflag:$0x1] =	stream.linear.gather [hbm4b:s11+s3], $0x80, $0x38;
	[tilespmem:$0x1E480] =	vst v63  }
0x257: {  	s17 =	simm.s32 $0x1400;
	s14 =	sadd.s32 $0x240, s1  }
0x258: {  	[tilespmem:s17], [sflag:$0x1] =	stream.linear.gather [hbm4b:s14+s3], $0x80, $0x38;
	[tilespmem:$0x1E480] =	vst v63  }
0x259: {  	s18 =	sadd.s32 $0x280, s1;
	s19 =	simm.s32 $0x1600  }
0x25a: {  	[tilespmem:s19], [sflag:$0x1] =	stream.linear.gather [hbm4b:s18+s3], $0x80, $0x38;
	[tilespmem:$0x1E480] =	vst v63  }
0x25b: {  	s20 =	sadd.s32 $0x2C0, s1;
	s21 =	simm.s32 $0x1800  }
0x25c: {  	[tilespmem:s21], [sflag:$0x1] =	stream.linear.gather [hbm4b:s20+s3], $0x80, $0x38;
	[tilespmem:$0x1E480] =	vst v63  }
0x25d: {  	s22 =	sadd.s32 $0x300, s1;
	s23 =	simm.s32 $0x1A00  }
0x25e: {  	[tilespmem:s23], [sflag:$0x1] =	stream.linear.gather [hbm4b:s22+s3], $0x80, $0x38;
	[tilespmem:$0x1E480] =	vst v63  }
0x25f: {  	s24 =	sadd.s32 $0x340, s1;
	s29 =	simm.s32 $0x1C00  }
0x260: {  	[tilespmem:s29], [sflag:$0x1] =	stream.linear.gather [hbm4b:s24+s3], $0x80, $0x38;
	[tilespmem:$0x1E480] =	vst v63  }
0x261: {  	s30 =	sadd.s32 $0x380, s1;
	s31 =	simm.s32 $0x1E00  }
0x262: {  	[tilespmem:s31], [sflag:$0x1] =	stream.linear.gather [hbm4b:s30+s3], $0x80, $0x38;
	[tilespmem:$0x1E480] =	vst v63  }
0x263: {  	s5 =	simm.s32 $0x2000;
	s1 =	sadd.s32 $0x3C0, s1;
	s7 =	rddreg [dreg:$0x9]  }
0x264: {  	[tilespmem:s5], [sflag:$0x1] =	stream.linear.gather [hbm4b:s1+s3], $0x80, $0x38;
	[tilespmem:$0x1E480] =	vst v63  }
0x265: {  	s8 =	simm.s32 $0x280;
	s1 =	sadd.s32 s0, s7  }
0x266: {  	[tilespmem:s8], [sflag:$0x1] =	stream.linear.gather [hbm4b:s1+s3], $0x80, $0x38;
	[tilespmem:$0x1E480] =	vst v63  }
0x267: {  	s10 =	simm.s32 $0x480;
	s9 =	sadd.s32 $0x40, s1  }
0x268: {  	[tilespmem:s10], [sflag:$0x1] =	stream.linear.gather [hbm4b:s9+s3], $0x80, $0x38;
	[tilespmem:$0x1E480] =	vst v63  }
0x269: {  	s12 =	simm.s32 $0x680;
	s11 =	sadd.s32 $0x80, s1  }
0x26a: {  	[tilespmem:s12], [sflag:$0x1] =	stream.linear.gather [hbm4b:s11+s3], $0x80, $0x38;
	[tilespmem:$0x1E480] =	vst v63  }
0x26b: {  	s17 =	simm.s32 $0x880;
	s14 =	sadd.s32 $0xC0, s1  }
0x26c: {  	[tilespmem:s17], [sflag:$0x1] =	stream.linear.gather [hbm4b:s14+s3], $0x80, $0x38;
	[tilespmem:$0x1E480] =	vst v63  }
0x26d: {  	s19 =	simm.s32 $0xA80;
	s18 =	sadd.s32 $0x100, s1  }
0x26e: {  	[tilespmem:s19], [sflag:$0x1] =	stream.linear.gather [hbm4b:s18+s3], $0x80, $0x38;
	[tilespmem:$0x1E480] =	vst v63  }
0x26f: {  	s21 =	simm.s32 $0xC80;
	s20 =	sadd.s32 $0x140, s1  }
0x270: {  	[tilespmem:s21], [sflag:$0x1] =	stream.linear.gather [hbm4b:s20+s3], $0x80, $0x38;
	[tilespmem:$0x1E480] =	vst v63  }
0x271: {  	s23 =	simm.s32 $0xE80;
	s22 =	sadd.s32 $0x180, s1  }
0x272: {  	[tilespmem:s23], [sflag:$0x1] =	stream.linear.gather [hbm4b:s22+s3], $0x80, $0x38;
	[tilespmem:$0x1E480] =	vst v63  }
0x273: {  	s29 =	simm.s32 $0x1080;
	s24 =	sadd.s32 $0x1C0, s1  }
0x274: {  	[tilespmem:s29], [sflag:$0x1] =	stream.linear.gather [hbm4b:s24+s3], $0x80, $0x38;
	[tilespmem:$0x1E480] =	vst v63  }
0x275: {  	s31 =	simm.s32 $0x1280;
	s30 =	sadd.s32 $0x200, s1  }
0x276: {  	[tilespmem:s31], [sflag:$0x1] =	stream.linear.gather [hbm4b:s30+s3], $0x80, $0x38;
	[tilespmem:$0x1E480] =	vst v63  }
0x277: {  	s7 =	simm.s32 $0x1480;
	s5 =	sadd.s32 $0x240, s1  }
0x278: {  	[tilespmem:s7], [sflag:$0x1] =	stream.linear.gather [hbm4b:s5+s3], $0x80, $0x38;
	[tilespmem:$0x1E480] =	vst v63  }
0x279: {  	s8 =	sadd.s32 $0x280, s1;
	s9 =	simm.s32 $0x1680  }
0x27a: {  	[tilespmem:s9], [sflag:$0x1] =	stream.linear.gather [hbm4b:s8+s3], $0x80, $0x38;
	[tilespmem:$0x1E480] =	vst v63  }
0x27b: {  	s10 =	sadd.s32 $0x2C0, s1;
	s11 =	simm.s32 $0x1880  }
0x27c: {  	[tilespmem:s11], [sflag:$0x1] =	stream.linear.gather [hbm4b:s10+s3], $0x80, $0x38;
	[tilespmem:$0x1E480] =	vst v63  }
0x27d: {  	s12 =	sadd.s32 $0x300, s1;
	s14 =	simm.s32 $0x1A80  }
0x27e: {  	[tilespmem:s14], [sflag:$0x1] =	stream.linear.gather [hbm4b:s12+s3], $0x80, $0x38;
	[tilespmem:$0x1E480] =	vst v63  }
0x27f: {  	s17 =	sadd.s32 $0x340, s1;
	s18 =	simm.s32 $0x1C80  }
0x280: {  	[tilespmem:s18], [sflag:$0x1] =	stream.linear.gather [hbm4b:s17+s3], $0x80, $0x38;
	[tilespmem:$0x1E480] =	vst v63  }
0x281: {  	s19 =	sadd.s32 $0x380, s1;
	s20 =	simm.s32 $0x1E80  }
0x282: {  	[tilespmem:s20], [sflag:$0x1] =	stream.linear.gather [hbm4b:s19+s3], $0x80, $0x38;
	[tilespmem:$0x1E480] =	vst v63  }
0x283: {  	s1 =	sadd.s32 $0x3C0, s1;
	s21 =	simm.s32 $0x2080;
	s22 =	rddreg [dreg:$0xc]  }
0x284: {  	[tilespmem:s21], [sflag:$0x1] =	stream.linear.gather [hbm4b:s1+s3], $0x80, $0x38;
	[tilespmem:$0x1E480] =	vst v63  }
0x285: {  	s23 =	simm.s32 $0x300;
	s1 =	sadd.s32 s0, s22  }
0x286: {  	[tilespmem:s23], [sflag:$0x1] =	stream.linear.gather [hbm4b:s1+s3], $0x80, $0x38;
	[tilespmem:$0x1E480] =	vst v63  }
0x287: {  	s29 =	simm.s32 $0x500;
	s24 =	sadd.s32 $0x40, s1  }
0x288: {  	[tilespmem:s29], [sflag:$0x1] =	stream.linear.gather [hbm4b:s24+s3], $0x80, $0x38;
	[tilespmem:$0x1E480] =	vst v63  }
0x289: {  	s31 =	simm.s32 $0x700;
	s30 =	sadd.s32 $0x80, s1  }
0x28a: {  	[tilespmem:s31], [sflag:$0x1] =	stream.linear.gather [hbm4b:s30+s3], $0x80, $0x38;
	[tilespmem:$0x1E480] =	vst v63  }
0x28b: {  	s8 =	simm.s32 $0x900;
	s7 =	sadd.s32 $0xC0, s1  }
0x28c: {  	[tilespmem:s8], [sflag:$0x1] =	stream.linear.gather [hbm4b:s7+s3], $0x80, $0x38;
	[tilespmem:$0x1E480] =	vst v63  }
0x28d: {  	s10 =	simm.s32 $0xB00;
	s9 =	sadd.s32 $0x100, s1  }
0x28e: {  	[tilespmem:s10], [sflag:$0x1] =	stream.linear.gather [hbm4b:s9+s3], $0x80, $0x38;
	[tilespmem:$0x1E480] =	vst v63  }
0x28f: {  	s12 =	simm.s32 $0xD00;
	s11 =	sadd.s32 $0x140, s1  }
0x290: {  	[tilespmem:s12], [sflag:$0x1] =	stream.linear.gather [hbm4b:s11+s3], $0x80, $0x38;
	[tilespmem:$0x1E480] =	vst v63  }
0x291: {  	s17 =	simm.s32 $0xF00;
	s14 =	sadd.s32 $0x180, s1  }
0x292: {  	[tilespmem:s17], [sflag:$0x1] =	stream.linear.gather [hbm4b:s14+s3], $0x80, $0x38;
	[tilespmem:$0x1E480] =	vst v63  }
0x293: {  	s19 =	simm.s32 $0x1100;
	s18 =	sadd.s32 $0x1C0, s1  }
0x294: {  	[tilespmem:s19], [sflag:$0x1] =	stream.linear.gather [hbm4b:s18+s3], $0x80, $0x38;
	[tilespmem:$0x1E480] =	vst v63  }
0x295: {  	s21 =	simm.s32 $0x1300;
	s20 =	sadd.s32 $0x200, s1  }
0x296: {  	[tilespmem:s21], [sflag:$0x1] =	stream.linear.gather [hbm4b:s20+s3], $0x80, $0x38;
	[tilespmem:$0x1E480] =	vst v63  }
0x297: {  	s22 =	sadd.s32 $0x240, s1;
	s23 =	simm.s32 $0x1500  }
0x298: {  	[tilespmem:s23], [sflag:$0x1] =	stream.linear.gather [hbm4b:s22+s3], $0x80, $0x38;
	[tilespmem:$0x1E480] =	vst v63  }
0x299: {  	s24 =	sadd.s32 $0x280, s1;
	s29 =	simm.s32 $0x1700  }
0x29a: {  	[tilespmem:s29], [sflag:$0x1] =	stream.linear.gather [hbm4b:s24+s3], $0x80, $0x38;
	[tilespmem:$0x1E480] =	vst v63  }
0x29b: {  	s30 =	sadd.s32 $0x2C0, s1;
	s31 =	simm.s32 $0x1900  }
0x29c: {  	[tilespmem:s31], [sflag:$0x1] =	stream.linear.gather [hbm4b:s30+s3], $0x80, $0x38;
	[tilespmem:$0x1E480] =	vst v63  }
0x29d: {  	s7 =	sadd.s32 $0x300, s1;
	s8 =	simm.s32 $0x1B00  }
0x29e: {  	[tilespmem:s8], [sflag:$0x1] =	stream.linear.gather [hbm4b:s7+s3], $0x80, $0x38;
	[tilespmem:$0x1E480] =	vst v63  }
0x29f: {  	s9 =	sadd.s32 $0x340, s1;
	s10 =	simm.s32 $0x1D00  }
0x2a0: {  	[tilespmem:s10], [sflag:$0x1] =	stream.linear.gather [hbm4b:s9+s3], $0x80, $0x38;
	[tilespmem:$0x1E480] =	vst v63  }
0x2a1: {  	s11 =	sadd.s32 $0x380, s1;
	s12 =	simm.s32 $0x1F00  }
0x2a2: {  	[tilespmem:s12], [sflag:$0x1] =	stream.linear.gather [hbm4b:s11+s3], $0x80, $0x38;
	[tilespmem:$0x1E480] =	vst v63  }
0x2a3: {  	s1 =	sadd.s32 $0x3C0, s1;
	s14 =	simm.s32 $0x2100  }
0x2a4: {  	[tilespmem:s14], [sflag:$0x1] =	stream.linear.gather [hbm4b:s1+s3], $0x80, $0x38;
	[tilespmem:$0x1E480] =	vst v63  }
0x2a5: {  	s0 =	sadd.s32 s0, s13;
	s17 =	simm.s32 $0x380  }
0x2a6: {  	[tilespmem:s17], [sflag:$0x1] =	stream.linear.gather [hbm4b:s0+s3], $0x80, $0x38;
	[tilespmem:$0x1E480] =	vst v63  }
0x2a7: {  	s18 =	sadd.s32 $0x40, s0;
	s19 =	simm.s32 $0x580  }
0x2a8: {  	[tilespmem:s19], [sflag:$0x1] =	stream.linear.gather [hbm4b:s18+s3], $0x80, $0x38;
	[tilespmem:$0x1E480] =	vst v63  }
0x2a9: {  	s20 =	sadd.s32 $0x80, s0;
	s21 =	simm.s32 $0x780  }
0x2aa: {  	[tilespmem:s21], [sflag:$0x1] =	stream.linear.gather [hbm4b:s20+s3], $0x80, $0x38;
	[tilespmem:$0x1E480] =	vst v63  }
0x2ab: {  	s22 =	sadd.s32 $0xC0, s0;
	s23 =	simm.s32 $0x980  }
0x2ac: {  	[tilespmem:s23], [sflag:$0x1] =	stream.linear.gather [hbm4b:s22+s3], $0x80, $0x38;
	[tilespmem:$0x1E480] =	vst v63  }
0x2ad: {  	s24 =	sadd.s32 $0x100, s0;
	s29 =	simm.s32 $0xB80  }
0x2ae: {  	[tilespmem:s29], [sflag:$0x1] =	stream.linear.gather [hbm4b:s24+s3], $0x80, $0x38;
	[tilespmem:$0x1E480] =	vst v63  }
0x2af: {  	s30 =	sadd.s32 $0x140, s0;
	s31 =	simm.s32 $0xD80  }
0x2b0: {  	[tilespmem:s31], [sflag:$0x1] =	stream.linear.gather [hbm4b:s30+s3], $0x80, $0x38;
	[tilespmem:$0x1E480] =	vst v63  }
0x2b1: {  	s5 =	sadd.s32 $0x180, s0;
	s7 =	simm.s32 $0xF80  }
0x2b2: {  	[tilespmem:s7], [sflag:$0x1] =	stream.linear.gather [hbm4b:s5+s3], $0x80, $0x38;
	[tilespmem:$0x1E480] =	vst v63  }
0x2b3: {  	s8 =	sadd.s32 $0x1C0, s0;
	s9 =	simm.s32 $0x1180  }
0x2b4: {  	[tilespmem:s9], [sflag:$0x1] =	stream.linear.gather [hbm4b:s8+s3], $0x80, $0x38;
	[tilespmem:$0x1E480] =	vst v63  }
0x2b5: {  	s10 =	sadd.s32 $0x200, s0;
	s11 =	simm.s32 $0x1380  }
0x2b6: {  	[tilespmem:s11], [sflag:$0x1] =	stream.linear.gather [hbm4b:s10+s3], $0x80, $0x38;
	[tilespmem:$0x1E480] =	vst v63  }
0x2b7: {  	s12 =	sadd.s32 $0x240, s0;
	s14 =	simm.s32 $0x1580  }
0x2b8: {  	[tilespmem:s14], [sflag:$0x1] =	stream.linear.gather [hbm4b:s12+s3], $0x80, $0x38;
	[tilespmem:$0x1E480] =	vst v63  }
0x2b9: {  	s17 =	sadd.s32 $0x280, s0;
	s18 =	simm.s32 $0x1780  }
0x2ba: {  	[tilespmem:s18], [sflag:$0x1] =	stream.linear.gather [hbm4b:s17+s3], $0x80, $0x38;
	[tilespmem:$0x1E480] =	vst v63  }
0x2bb: {  	s19 =	sadd.s32 $0x2C0, s0;
	s20 =	simm.s32 $0x1980  }
0x2bc: {  	[tilespmem:s20], [sflag:$0x1] =	stream.linear.gather [hbm4b:s19+s3], $0x80, $0x38;
	[tilespmem:$0x1E480] =	vst v63  }
0x2bd: {  	s21 =	sadd.s32 $0x300, s0;
	s22 =	simm.s32 $0x1B80  }
0x2be: {  	[tilespmem:s22], [sflag:$0x1] =	stream.linear.gather [hbm4b:s21+s3], $0x80, $0x38;
	[tilespmem:$0x1E480] =	vst v63  }
0x2bf: {  	s23 =	sadd.s32 $0x340, s0;
	s24 =	simm.s32 $0x1D80  }
0x2c0: {  	[tilespmem:s24], [sflag:$0x1] =	stream.linear.gather [hbm4b:s23+s3], $0x80, $0x38;
	[tilespmem:$0x1E480] =	vst v63  }
0x2c1: {  	s29 =	sadd.s32 $0x380, s0;
	s30 =	simm.s32 $0x1F80  }
0x2c2: {  	[tilespmem:s30], [sflag:$0x1] =	stream.linear.gather [hbm4b:s29+s3], $0x80, $0x38;
	[tilespmem:$0x1E480] =	vst v63  }
0x2c3: {  	s0 =	sadd.s32 $0x3C0, s0;
	s31 =	simm.s32 $0x2180  }
0x2c4: {  	[tilespmem:s31], [sflag:$0x1] =	stream.linear.gather [hbm4b:s0+s3], $0x80, $0x38;
	[tilespmem:$0x1E480] =	vst v63  }
.LBB2_14:
0x2c5: {  	s28 =	sshll.u32 s28, $0x4;
	s30 =	simm.s32 $0x0;
	s31 =	simm.s32 $0x6270  }
0x2c6: {  	s0 =	simm.s32 $0xA270;
	s1 =	simm.s32 $0x0;
	s5 =	simm.s32 $0x0  }
.LBB2_15:
0x2c7: {  	s18 =	sand.u32 $0x60, s1;
	s4 =	sand.u32 $0xFFFFFE00, s30  }
0x2c8: {  	s11 =	sadd.s32 $0x2280, s4;
	s7 =	sor.u32 $0x10, s18  }
0x2c9: {  	s12 =	sadd.s32 $0x2200, s4;
	s14 =	sor.u32 s7, s11  }
0x2ca: {  	s8 =	sshll.u32 s5, $0x4;
	s19 =	sadd.s32 $0x2300, s4;
	s20 =	sor.u32 s7, s12;
	v9 =	vld [tilespmem:s14+$0x0]  }
0x2cb: {  	s9 =	sshrl.u32 s8, $0x3;
	s10 =	sor.u32 s7, s19;
	s19 =	sor.u32 s18, s19;
	v10 =	vld [tilespmem:s20+$0x0]  }
0x2cc: {  	s14 =	sadd.s32 s28, s9;
	v12 =	vld [tilespmem:s19+$0x0]  }
0x2cd: {  	s12 =	sor.u32 s18, s12;
	v11 =	vld [tilespmem:s10+$0x0];
	s14 =	sand.u32 $0x7F, s14  }
0x2ce: {  	v13 =	vld [tilespmem:s12+$0x0];
	s14 =	scvt.s32.f32 s14  }
0x2cf: {  	s19 =	scvt.s32.f32 s18;
	s20 =	scvt.s32.f32 s7  }
0x2d0: {  	v14 =	vadd.f32 s14, v6;
	v10 =	vmul.f32 $3.072000030e+00, v10;
	v9 =	vmul.f32 $3.072000030e+00, v9  }
0x2d1: {  	v15 =	vadd.f32 s19, v7;
	v16 =	vadd.f32 s20, v7;
	v12 =	vmul.f32 $3.072000030e+00, v12  }
0x2d2: {  	v11 =	vmul.f32 $3.072000030e+00, v11;
	v10 =	vadd.f32 v10, v8;
	v9 =	vadd.f32 v9, v14  }
0x2d3: {  	v13 =	vmul.f32 $3.072000030e+00, v13;
	v12 =	vadd.f32 v12, v15  }
0x2d4: {  	v16 =	vadd.f32 v11, v16;
	v11 =	vtrunc.f32 v10;
	v17 =	vtrunc.f32 v9  }
0x2d5: {  	v19 =	vtrunc.f32 v12;
	v15 =	vcvt.f32.s32 v17  }
0x2d6: {  	s22 =	sxor.u32 $0x100810, s1;
	v17 =	vtrunc.f32 v16;
	v18 =	vcvt.f32.s32 v11  }
0x2d7: {  	v23 =	vor.u32 s22, v3;
	v19 =	vcvt.f32.s32 v19;
	v17 =	vcvt.f32.s32 v17  }
0x2d8: {  	s21 =	sxor.u32 $0x100800, s1;
	v13 =	vadd.f32 v13, v8;
	v20 =	vcvt.s32.f32 v15;
	v21 =	vcvt.s32.f32 v18  }
0x2d9: {  	v11 =	vor.u32 s21, v3;
	v55 =	vcvt.s32.f32 v19;
	v22 =	vcvt.s32.f32 v17  }
0x2da: {  	vm0 =	vlt.f32 v9, v20;
	v9 =	vsub.f32 v9, v20;
	vm1 =	vlt.f32 v10, v21  }
0x2db: {  	v10 =	vsub.f32 v10, v21;
	vm12 =	vlt.f32 v12, v55;
	v12 =	vsub.f32 v12, v55  }
0x2dc: {  	vm2 =	vlt.f32 v16, v22;
	v20 =	vsel vm1, $0xFFFFFFFF, v4;
	v43 =	vsel vm0, $0xFFFFFFFF, v4  }
0x2dd: {  	v16 =	vsub.f32 v16, v22;
	v44 =	vsel vm1, $0x3F800000, v1;
	v24 =	vsel vm0, $0x3F800000, v1  }
0x2de: {  	v56 =	vsel vm12, $0x3F800000, v1;
	v25 =	vsel vm2, $0xFFFFFFFF, v4;
	v18 =	vadd.s32 v18, v20  }
0x2df: {  	s23 =	sadd.s32 $0x2380, s4;
	v9 =	vadd.f32 v24, v9;
	v20 =	vsel vm2, $0x3F800000, v1;
	v10 =	vadd.f32 v44, v10  }
0x2e0: {  	s4 =	sor.u32 s7, s23;
	v15 =	vadd.s32 v15, v43;
	v12 =	vadd.f32 v56, v12;
	v16 =	vadd.f32 v20, v16  }
0x2e1: {  	v45 =	vld [tilespmem:s4+$0x0];
	v17 =	vadd.s32 v17, v25;
	v20 =	vadd.s32 $0x1, v15;
	v46 =	vshll.u32 v18, $0xD  }
0x2e2: {  	v26 =	vadd.s32 $0x1, v18;
	v28 =	vshll.u32 v15, $0x6;
	v25 =	vand.u32 $0x1, v17  }
0x2e3: {  	v47 =	vsub.f32 $1.000000000e+00, v16;
	vm7 =	veq.s32 v25, v0;
	v25 =	vxor.u32 v0, v25  }
0x2e4: {  	s24 =	sor.u32 s18, s11;
	v27 =	vadd.s32 $0x2000, v46;
	v29 =	vsub.f32 $1.000000000e+00, v9;
	v17 =	vadd.s32 v17, v25  }
0x2e5: {  	v51 =	vld [tilespmem:s24+$0x0];
	v48 =	vsub.f32 $1.000000000e+00, v10;
	v16 =	vsel vm7, v47, v16;
	v49 =	vshra.s32 v17, $0x1  }
0x2e6: {  	v18 =	vor.u32 v18, v17;
	v17 =	vor.u32 v26, v17;
	v16 =	vmul.f32 v16, v45  }
0x2e7: {  	v24 =	vadd.s32 v28, v49;
	v50 =	vor.u32 v15, v18;
	v18 =	vor.u32 v20, v18  }
0x2e8: {  	v15 =	vor.u32 v15, v17;
	v17 =	vor.u32 v20, v17;
	v28 =	vadd.s32 v46, v24  }
0x2e9: {  	vm8 =	vlt.u32 v50, $0x80;
	v52 =	vadd.s32 $0x40, v24;
	vm9 =	vlt.u32 v18, $0x80  }
0x2ea: {  	v53 =	vadd.s32 v27, v24;
	vm10 =	vlt.u32 v15, $0x80;
	v15 =	vmul.f32 $3.072000030e+00, v51  }
0x2eb: {  	vm11 =	vlt.u32 v17, $0x80;
	v17 =	vsel vm12, $0xFFFFFFFF, v4;
	v22 =	vmul.f32 v16, v48  }
0x2ec: {  	v28 =	vsel vm8, v28, v23;
	v21 =	vadd.s32 v46, v52;
	v10 =	vmul.f32 v16, v10  }
0x2ed: {  	v14 =	vadd.f32 v15, v14;
	v15 =	vtrunc.f32 v13;
	v30 =	vmul.f32 v22, v29  }
0x2ee: {  	v20 =	vadd.s32 v27, v52;
	v16 =	vmul.f32 v22, v9;
	v54 =	vmul.f32 v10, v29  }
0x2ef: {  	v19 =	vadd.s32 v19, v17;
	v9 =	vmul.f32 v10, v9;
	v10 =	vcvt.f32.s32 v15  }
0x2f0: {  	s29 =	sor.u32 s18, s23;
	v18 =	vsel vm9, v21, v23;
	v21 =	vsel vm10, v53, v23;
	[tilespmem:s31+$0xFFFFFFD0] =	vst v28;
	v15 =	vtrunc.f32 v14  }
0x2f1: {  	v59 =	vld [tilespmem:s29+$0x0];
	v60 =	vand.u32 $0x1, v19;
	v57 =	vcvt.s32.f32 v10;
	v58 =	vcvt.f32.s32 v15;
	[tilespmem:s0+$0xFFFFFFD0] =	vst v30  }
0x2f2: {  	s17 =	sadd.s32 $0x10, s8;
	s8 =	sadd.s32 $0x2, s8;
	v20 =	vsel vm11, v20, v23;
	vm15 =	veq.s32 v60, v0;
	[tilespmem:s31+$0xFFFFFFE0] =	vst v18;
	v18 =	vsub.f32 $1.000000000e+00, v12  }
0x2f3: {  	p2 =	slt.u32 s8, s17;
	vm13 =	vlt.f32 v13, v57;
	v13 =	vsub.f32 v13, v57;
	v17 =	vcvt.s32.f32 v58  }
.Ltmp11:
0x2f4: {  	[tilespmem:s0+$0xFFFFFFE0] =	vst v16;
	v15 =	vsel vm13, $0x3F800000, v1;
	v12 =	vsel vm15, v18, v12;
	v61 =	vsel vm13, $0xFFFFFFFF, v4;
	(pc) =	sbr.rel @!p2 .LBB2_16-.Ltmp11, $4  }
0x2f5: {  	[tilespmem:s31+$0xFFFFFFF0] =	vst v21;
	v15 =	vadd.f32 v15, v13;
	vm14 =	vlt.f32 v14, v17;
	v14 =	vsub.f32 v14, v17  }
0x2f6: {  	v13 =	vxor.u32 v0, v60;
	[tilespmem:s0+$0xFFFFFFF0] =	vst v54;
	v18 =	vmul.f32 v12, v59;
	v62 =	vsel vm14, $0xFFFFFFFF, v4  }
0x2f7: {  	v63 =	vsel vm14, $0x3F800000, v1;
	[tilespmem:s31+$0x0] =	vst v20;
	v16 =	vadd.s32 v19, v13;
	v13 =	vadd.s32 v10, v61  }
0x2f8: {  	p1 =	por $0x0, $0x0;
	s22 =	sadd.s32 $0x80, s30;
	s21 =	sadd.s32 $0x20, s1;
	v17 =	vsub.f32 $1.000000000e+00, v15;
	[tilespmem:s0+$0x0] =	vst v9;
	v12 =	vadd.s32 v58, v62;
	v14 =	vadd.f32 v63, v14  }
0x2f9: {  	v9 =	vadd.s32 $0x1, v13;
	v10 =	vshll.u32 v12, $0x6;
	v19 =	vshra.s32 v16, $0x1  }
0x2fa: {  	s20 =	sand.u32 $0x60, s21;
	s11 =	sand.u32 $0xFFFFFE00, s22;
	v21 =	vadd.s32 $0x1, v12;
	v22 =	vshll.u32 v13, $0xD;
	v10 =	vadd.s32 v10, v19  }
0x2fb: {  	s18 =	sadd.s32 $0x2280, s11;
	s12 =	sor.u32 $0x10, s20;
	v17 =	vmul.f32 v18, v17;
	v18 =	vmul.f32 v18, v15;
	v19 =	vsub.f32 $1.000000000e+00, v14  }
0x2fc: {  	s4 =	scvt.s32.f32 s20;
	s7 =	sadd.s32 $0x2200, s11;
	v15 =	vor.u32 v13, v16;
	v9 =	vor.u32 v9, v16;
	v28 =	vadd.s32 $0x2000, v22;
	s14 =	sor.u32 s12, s18  }
0x2fd: {  	s19 =	sadd.s32 $0x2300, s11;
	s9 =	sor.u32 s12, s7;
	v24 =	vadd.s32 $0x40, v10;
	v25 =	vor.u32 v12, v15;
	v26 =	vor.u32 v21, v15;
	v20 =	vld [tilespmem:s14+$0x0]  }
0x2fe: {  	s23 =	sor.u32 s12, s19;
	v29 =	vor.u32 v12, v9;
	v21 =	vor.u32 v21, v9;
	v16 =	vadd.f32 s4, v7;
	v23 =	vld [tilespmem:s9+$0x0]  }
0x2ff: {  	s10 =	sshrl.u32 s8, $0x3;
	s19 =	sor.u32 s20, s19;
	v27 =	vld [tilespmem:s23+$0x0];
	v15 =	vmul.f32 v17, v19;
	v13 =	vmul.f32 v17, v14;
	v17 =	vadd.s32 v22, v24  }
0x300: {  	s24 =	sor.u32 s20, s7;
	s14 =	sadd.s32 s28, s10;
	v30 =	vld [tilespmem:s19+$0x0];
	v12 =	vmul.f32 v18, v19;
	v9 =	vmul.f32 v18, v14;
	v14 =	vadd.s32 v28, v24  }
0x301: {  	v31 =	vld [tilespmem:s24+$0x0];
	s10 =	scvt.s32.f32 s12;
	v18 =	vadd.s32 v22, v10;
	vm0 =	vlt.u32 v25, $0x80;
	vm3 =	vlt.u32 v26, $0x80;
	s24 =	sor.u32 s20, s18;
	s29 =	sand.u32 $0x7F, s14  }
0x302: {  	v25 =	vadd.s32 v28, v10;
	vm1 =	vlt.u32 v29, $0x80;
	vm2 =	vlt.u32 v21, $0x80;
	v43 =	vld [tilespmem:s24+$0x0];
	s9 =	scvt.s32.f32 s29  }
0x303: {  	v17 =	vsel vm3, v17, v11;
	v47 =	vadd.f32 s10, v7;
	v45 =	vmul.f32 $3.072000030e+00, v23  }
0x304: {  	s19 =	sxor.u32 $0x100810, s21;
	v19 =	vadd.f32 s9, v6;
	v20 =	vmul.f32 $3.072000030e+00, v20;
	v46 =	vmul.f32 $3.072000030e+00, v27  }
0x305: {  	v32 =	vor.u32 s19, v3;
	v10 =	vmul.f32 $3.072000030e+00, v30;
	v22 =	vadd.f32 v45, v8  }
0x306: {  	v48 =	vmul.f32 $3.072000030e+00, v31;
	v20 =	vadd.f32 v20, v19;
	v23 =	vadd.f32 v46, v47  }
0x307: {  	v16 =	vadd.f32 v10, v16;
	v47 =	vmul.f32 $3.072000030e+00, v43;
	v10 =	vtrunc.f32 v22  }
0x308: {  	v18 =	vsel vm0, v18, v11;
	v49 =	vtrunc.f32 v20;
	v50 =	vtrunc.f32 v23  }
0x309: {  	v26 =	vadd.f32 v48, v8;
	v52 =	vtrunc.f32 v16;
	v24 =	vcvt.f32.s32 v49  }
0x30a: {  	s14 =	sxor.u32 $0x100800, s21;
	v19 =	vadd.f32 v47, v19;
	v51 =	vcvt.f32.s32 v10;
	v27 =	vcvt.f32.s32 v50  }
0x30b: {  	v10 =	vor.u32 s14, v3;
	v21 =	vcvt.f32.s32 v52;
	v53 =	vcvt.s32.f32 v24  }
0x30c: {  	v52 =	vsel vm2, v14, v11;
	v11 =	vsel vm1, v25, v11;
	v54 =	vcvt.s32.f32 v51  }
0x30d: {  	v55 =	vcvt.s32.f32 v27;
	v49 =	vcvt.s32.f32 v21;
	vm15 =	vlt.f32 v20, v53  }
0x30e: {  	v20 =	vsub.f32 v20, v53;
	vm4 =	vlt.f32 v22, v54;
	v22 =	vsub.f32 v22, v54  }
0x30f: {  	vm5 =	vlt.f32 v23, v55;
	v23 =	vsub.f32 v23, v55;
	vm12 =	vlt.f32 v16, v49  }
0x310: {  	v16 =	vsub.f32 v16, v49;
	v53 =	vtrunc.f32 v19;
	v56 =	vsel vm4, $0xFFFFFFFF, v4  }
0x311: {  	v57 =	vsel vm15, $0xFFFFFFFF, v4;
	v58 =	vsel vm4, $0x3F800000, v1;
	v33 =	vsel vm15, $0x3F800000, v1  }
0x312: {  	v34 =	vsel vm5, $0xFFFFFFFF, v4;
	v59 =	vsel vm5, $0x3F800000, v1;
	v54 =	vsel vm12, $0xFFFFFFFF, v4  }
0x313: {  	v55 =	vsel vm12, $0x3F800000, v1;
	v28 =	vadd.s32 v51, v56;
	v20 =	vadd.f32 v33, v20  }
0x314: {  	s11 =	sadd.s32 $0x2380, s11;
	v22 =	vadd.f32 v58, v22;
	v24 =	vadd.s32 v24, v57;
	v23 =	vadd.f32 v59, v23  }
0x315: {  	s23 =	sor.u32 s12, s11;
	v27 =	vadd.s32 v27, v34;
	v51 =	vtrunc.f32 v26;
	v61 =	vadd.s32 $0x1, v24  }
0x316: {  	v60 =	vld [tilespmem:s23+$0x0];
	v62 =	vshll.u32 v28, $0xD;
	v34 =	vand.u32 $0x1, v27;
	v35 =	vadd.s32 $0x1, v28  }
0x317: {  	v37 =	vshll.u32 v24, $0x6;
	v14 =	vcvt.f32.s32 v51;
	v63 =	vsub.f32 $1.000000000e+00, v23  }
0x318: {  	vm7 =	veq.s32 v34, v0;
	v36 =	vadd.s32 $0x2000, v62;
	v34 =	vxor.u32 v0, v34  }
0x319: {  	v38 =	vsub.f32 $1.000000000e+00, v20;
	v39 =	vsub.f32 $1.000000000e+00, v22;
	v27 =	vadd.s32 v27, v34  }
0x31a: {  	v56 =	vcvt.s32.f32 v14;
	v23 =	vsel vm7, v63, v23;
	v40 =	vshra.s32 v27, $0x1  }
0x31b: {  	v28 =	vor.u32 v28, v27;
	v27 =	vor.u32 v35, v27;
	v23 =	vmul.f32 v23, v60  }
0x31c: {  	[tilespmem:s31+$0xFFFFFF90] =	vst v18;
	v33 =	vadd.s32 v37, v40;
	v41 =	vor.u32 v24, v28;
	v28 =	vor.u32 v61, v28  }
0x31d: {  	[tilespmem:s0+$0xFFFFFF90] =	vst v15;
	v24 =	vor.u32 v24, v27;
	v27 =	vor.u32 v61, v27;
	v31 =	vmul.f32 v23, v39  }
0x31e: {  	[tilespmem:s31+$0xFFFFFFA0] =	vst v17;
	vm13 =	vlt.f32 v26, v56;
	v42 =	vadd.s32 v62, v33;
	vm8 =	vlt.u32 v41, $0x80  }
0x31f: {  	s18 =	sadd.s32 $0x80, s31;
	[tilespmem:s0+$0xFFFFFFA0] =	vst v13;
	v37 =	vadd.s32 $0x40, v33;
	v35 =	vsel vm8, v42, v32;
	v39 =	vmul.f32 v31, v38  }
0x320: {  	s19 =	sadd.s32 $0x80, s0;
	vm9 =	vlt.u32 v28, $0x80;
	v45 =	vadd.s32 v36, v33;
	v30 =	vadd.s32 v62, v37;
	[tilespmem:s18+$0xFFFFFFD0] =	vst v35  }
0x321: {  	v22 =	vmul.f32 v23, v22;
	v28 =	vsel vm9, v30, v32;
	v44 =	vmul.f32 v31, v20;
	[tilespmem:s19+$0xFFFFFFD0] =	vst v39  }
0x322: {  	vm10 =	vlt.u32 v24, $0x80;
	vm11 =	vlt.u32 v27, $0x80;
	v48 =	vadd.s32 v36, v37;
	[tilespmem:s18+$0xFFFFFFE0] =	vst v28  }
0x323: {  	v23 =	vcvt.f32.s32 v53;
	v30 =	vsel vm10, v45, v32;
	v46 =	vmul.f32 v22, v38;
	[tilespmem:s19+$0xFFFFFFE0] =	vst v44  }
0x324: {  	v16 =	vadd.f32 v55, v16;
	v13 =	vsel vm13, $0xFFFFFFFF, v4;
	v50 =	vsel vm11, v48, v32;
	[tilespmem:s18+$0xFFFFFFF0] =	vst v30  }
0x325: {  	s29 =	sor.u32 s20, s11;
	s20 =	sadd.s32 $0x2, s8;
	v20 =	vmul.f32 v22, v20;
	v22 =	vsub.f32 v26, v56;
	v58 =	vcvt.s32.f32 v23;
	[tilespmem:s19+$0xFFFFFFF0] =	vst v46  }
0x326: {  	p2 =	slt.u32 s20, s17;
	v57 =	vld [tilespmem:s29+$0x0];
	v59 =	vsub.f32 $1.000000000e+00, v16;
	v18 =	vsel vm13, $0x3F800000, v1;
	v13 =	vadd.s32 v14, v13;
	[tilespmem:s18+$0x0] =	vst v50  }
.Ltmp12:
0x327: {  	v15 =	vadd.f32 v18, v22;
	vm14 =	vlt.f32 v19, v58;
	[tilespmem:s19+$0x0] =	vst v20;
	v20 =	vadd.s32 v21, v54;
	(pc) =	sbr.rel @!p2 .LBB2_18-.Ltmp12, $4  }
0x328: {  	v19 =	vsub.f32 v19, v58;
	v62 =	vsel vm14, $0xFFFFFFFF, v4;
	v60 =	vand.u32 $0x1, v20  }
0x329: {  	[tilespmem:s31+$0xFFFFFFB0] =	vst v11;
	v63 =	vsel vm14, $0x3F800000, v1;
	v17 =	vsub.f32 $1.000000000e+00, v15;
	vm15 =	veq.s32 v60, v0  }
0x32a: {  	s22 =	sadd.s32 $0x80, s22;
	p1 =	por $0x1, $0x1;
	[tilespmem:s0+$0xFFFFFFB0] =	vst v12;
	v12 =	vadd.s32 v23, v62;
	v18 =	vxor.u32 v0, v60;
	v61 =	vsel vm15, v59, v16  }
0x32b: {  	s21 =	sadd.s32 $0x20, s21;
	s23 =	smov.u32 s0;
	s8 =	smov.u32 s18;
	[tilespmem:s31+$0xFFFFFFC0] =	vst v52;
	v14 =	vadd.f32 v63, v19;
	v16 =	vadd.s32 v20, v18;
	v18 =	vmul.f32 v61, v57  }
.LBB2_19:
0x32c: {  	s24 =	sand.u32 $0x60, s21;
	s29 =	sand.u32 $0xFFFFFE00, s22;
	s12 =	sxor.u32 $0x100800, s21;
	v11 =	vadd.s32 $0x1, v13;
	v19 =	vshll.u32 v12, $0x6;
	v20 =	vshra.s32 v16, $0x1;
	[tilespmem:s23+$0xFFFFFFC0] =	vst v9  }
0x32d: {  	v9 =	vmul.f32 v18, v17;
	v15 =	vmul.f32 v18, v15;
	s4 =	sadd.s32 $0x2280, s29;
	s7 =	scvt.s32.f32 s24;
	s11 =	sor.u32 $0x10, s24;
	v19 =	vadd.s32 v19, v20  }
0x32e: {  	v18 =	vor.u32 v13, v16;
	s14 =	sadd.s32 $0x2200, s29;
	v17 =	vsub.f32 $1.000000000e+00, v14;
	v11 =	vor.u32 v11, v16;
	s9 =	sor.u32 s24, s4;
	s4 =	sor.u32 s11, s4  }
0x32f: {  	v23 =	vshll.u32 v13, $0xD;
	s23 =	sadd.s32 $0x2300, s29;
	v16 =	vadd.s32 $0x1, v12;
	s10 =	sor.u32 s24, s14;
	v21 =	vadd.f32 s7, v7;
	s7 =	sor.u32 s11, s14;
	v22 =	vld [tilespmem:s4+$0x0]  }
0x330: {  	v25 =	vor.u32 v12, v18;
	v20 =	vadd.s32 $0x40, v19;
	v18 =	vor.u32 v16, v18;
	s4 =	sor.u32 s24, s23;
	s14 =	sshrl.u32 s20, $0x3;
	v24 =	vld [tilespmem:s7+$0x0];
	s7 =	sor.u32 s11, s23  }
0x331: {  	v27 =	vadd.s32 $0x2000, v23;
	v28 =	vor.u32 v12, v11;
	v29 =	vor.u32 v16, v11;
	s14 =	sadd.s32 s28, s14;
	s23 =	smov.u32 s19;
	v26 =	vld [tilespmem:s7+$0x0]  }
0x332: {  	v12 =	vmul.f32 v9, v14;
	v13 =	vmul.f32 v9, v17;
	v31 =	vadd.s32 v23, v20;
	v30 =	vld [tilespmem:s4+$0x0];
	s4 =	sand.u32 $0x7F, s14  }
0x333: {  	v11 =	vmul.f32 v15, v17;
	v9 =	vmul.f32 v15, v14;
	v16 =	vadd.s32 v27, v20;
	v32 =	vld [tilespmem:s10+$0x0];
	s4 =	scvt.s32.f32 s4  }
0x334: {  	vm0 =	vlt.u32 v25, $0x80;
	v14 =	vadd.s32 v23, v19;
	vm3 =	vlt.u32 v18, $0x80;
	s7 =	scvt.s32.f32 s11;
	v20 =	vld [tilespmem:s9+$0x0]  }
0x335: {  	v22 =	vmul.f32 $3.072000030e+00, v22;
	v18 =	vadd.f32 s4, v6;
	v17 =	vmul.f32 $3.072000030e+00, v24  }
0x336: {  	s20 =	sadd.s32 $0x2, s20;
	v15 =	vadd.s32 v27, v19;
	v24 =	vadd.f32 s7, v7;
	v23 =	vmul.f32 $3.072000030e+00, v26  }
0x337: {  	p2 =	slt.u32 s20, s17;
	v19 =	vmul.f32 $3.072000030e+00, v30;
	v25 =	vadd.f32 v17, v8;
	v22 =	vadd.f32 v22, v18  }
0x338: {  	vm1 =	vlt.u32 v28, $0x80;
	v17 =	vmul.f32 $3.072000030e+00, v32;
	v23 =	vadd.f32 v23, v24  }
0x339: {  	v21 =	vadd.f32 v19, v21;
	v19 =	vtrunc.f32 v25;
	v24 =	vtrunc.f32 v22  }
0x33a: {  	v17 =	vadd.f32 v17, v8;
	v24 =	vcvt.f32.s32 v24;
	v26 =	vtrunc.f32 v23  }
0x33b: {  	vm2 =	vlt.u32 v29, $0x80;
	v27 =	vcvt.f32.s32 v19;
	v26 =	vcvt.f32.s32 v26  }
0x33c: {  	v28 =	vor.u32 s12, v3;
	v29 =	vtrunc.f32 v21;
	v30 =	vcvt.s32.f32 v24  }
0x33d: {  	s4 =	sxor.u32 $0x100810, s21;
	v19 =	vsel vm3, v31, v10;
	v32 =	vcvt.s32.f32 v27;
	v33 =	vcvt.s32.f32 v26  }
0x33e: {  	v31 =	vor.u32 s4, v3;
	vm3 =	vlt.f32 v22, v30;
	v22 =	vsub.f32 v22, v30  }
0x33f: {  	vm4 =	vlt.f32 v25, v32;
	v25 =	vsub.f32 v25, v32;
	vm5 =	vlt.f32 v23, v33  }
0x340: {  	v30 =	vsel vm4, $0xFFFFFFFF, v4;
	v32 =	vsel vm3, $0xFFFFFFFF, v4;
	v23 =	vsub.f32 v23, v33  }
0x341: {  	s4 =	sadd.s32 $0x2380, s29;
	v33 =	vsel vm4, $0x3F800000, v1;
	v34 =	vsel vm3, $0x3F800000, v1;
	v35 =	vsel vm5, $0xFFFFFFFF, v4  }
0x342: {  	s7 =	sor.u32 s24, s4;
	s4 =	sor.u32 s11, s4;
	v27 =	vadd.s32 v27, v30;
	v22 =	vadd.f32 v34, v22;
	v30 =	vsel vm5, $0x3F800000, v1  }
0x343: {  	v25 =	vadd.f32 v33, v25;
	v24 =	vadd.s32 v24, v32;
	v23 =	vadd.f32 v30, v23;
	v34 =	vld [tilespmem:s4+$0x0]  }
0x344: {  	v26 =	vadd.s32 v26, v35;
	v32 =	vadd.s32 $0x1, v24;
	v33 =	vshll.u32 v27, $0xD;
	v30 =	vld [tilespmem:s7+$0x0]  }
0x345: {  	v37 =	vadd.s32 $0x1, v27;
	v36 =	vand.u32 $0x1, v26;
	v35 =	vsub.f32 $1.000000000e+00, v23  }
0x346: {  	v39 =	vshll.u32 v24, $0x6;
	v38 =	vadd.s32 $0x2000, v33;
	vm3 =	veq.s32 v36, v0  }
0x347: {  	v40 =	vsub.f32 $1.000000000e+00, v22;
	v36 =	vxor.u32 v0, v36;
	v23 =	vsel vm3, v35, v23  }
0x348: {  	v26 =	vadd.s32 v26, v36;
	v35 =	vsub.f32 $1.000000000e+00, v25;
	v23 =	vmul.f32 v23, v34  }
0x349: {  	v27 =	vor.u32 v27, v26;
	v34 =	vshra.s32 v26, $0x1;
	v26 =	vor.u32 v37, v26  }
0x34a: {  	v36 =	vor.u32 v24, v27;
	v34 =	vadd.s32 v39, v34;
	v35 =	vmul.f32 v23, v35  }
0x34b: {  	v27 =	vor.u32 v32, v27;
	vm3 =	vlt.u32 v36, $0x80;
	v37 =	vadd.s32 v33, v34  }
0x34c: {  	s8 =	sadd.s32 $0x80, s8;
	v36 =	vadd.s32 $0x40, v34;
	v37 =	vsel vm3, v37, v31;
	v39 =	vmul.f32 v35, v40  }
0x34d: {  	s19 =	sadd.s32 $0x80, s19;
	v24 =	vor.u32 v24, v26;
	v33 =	vadd.s32 v33, v36;
	vm3 =	vlt.u32 v27, $0x80;
	[tilespmem:s8+$0xFFFFFFD0] =	vst v37  }
0x34e: {  	v23 =	vmul.f32 v23, v25;
	v25 =	vmul.f32 v35, v22;
	v27 =	vsel vm3, v33, v31;
	[tilespmem:s19+$0xFFFFFFD0] =	vst v39  }
0x34f: {  	v29 =	vcvt.f32.s32 v29;
	vm3 =	vlt.u32 v24, $0x80;
	[tilespmem:s8+$0xFFFFFFE0] =	vst v27;
	v27 =	vadd.s32 v38, v34  }
0x350: {  	v26 =	vor.u32 v32, v26;
	v24 =	vmul.f32 v23, v40;
	[tilespmem:s19+$0xFFFFFFE0] =	vst v25;
	v25 =	vsel vm3, v27, v31  }
0x351: {  	v20 =	vmul.f32 $3.072000030e+00, v20;
	vm3 =	vlt.u32 v26, $0x80;
	[tilespmem:s8+$0xFFFFFFF0] =	vst v25;
	v25 =	vadd.s32 v38, v36  }
0x352: {  	v22 =	vmul.f32 v23, v22;
	v26 =	vcvt.s32.f32 v29;
	[tilespmem:s19+$0xFFFFFFF0] =	vst v24;
	v23 =	vsel vm3, v25, v31  }
0x353: {  	v18 =	vadd.f32 v20, v18;
	v20 =	vtrunc.f32 v17;
	[tilespmem:s8+$0x0] =	vst v23;
	v23 =	vsel vm2, v16, v10  }
0x354: {  	v20 =	vcvt.f32.s32 v20;
	vm2 =	vlt.f32 v21, v26;
	v16 =	vsub.f32 v21, v26;
	[tilespmem:s19+$0x0] =	vst v22  }
0x355: {  	v21 =	vtrunc.f32 v18;
	v22 =	vsel vm2, $0xFFFFFFFF, v4;
	v24 =	vsel vm2, $0x3F800000, v1  }
0x356: {  	v25 =	vcvt.s32.f32 v20;
	v21 =	vcvt.f32.s32 v21;
	v16 =	vadd.f32 v24, v16  }
0x357: {  	v14 =	vsel vm0, v14, v10;
	v22 =	vadd.s32 v29, v22;
	v24 =	vsel vm1, v15, v10;
	v10 =	vmovc v28  }
0x358: {  	vm0 =	vlt.f32 v17, v25;
	v15 =	vsub.f32 v17, v25;
	v17 =	vcvt.s32.f32 v21;
	[tilespmem:s18+$0xFFFFFF90] =	vst v14  }
0x359: {  	v26 =	vand.u32 $0x1, v22;
	v25 =	vsub.f32 $1.000000000e+00, v16;
	v14 =	vsel vm0, $0x3F800000, v1;
	[tilespmem:s23+$0xFFFFFF90] =	vst v13  }
.Ltmp13:
0x35a: {  	vm2 =	veq.s32 v26, v0;
	vm1 =	vlt.f32 v18, v17;
	v15 =	vadd.f32 v14, v15;
	[tilespmem:s18+$0xFFFFFFA0] =	vst v19;
	(pc) =	sbr.rel @p2 .LBB2_19-.Ltmp13, $4  }
0x35b: {  	v14 =	vsub.f32 v18, v17;
	v13 =	vxor.u32 v0, v26;
	v18 =	vsel vm2, v25, v16;
	[tilespmem:s23+$0xFFFFFFA0] =	vst v12  }
0x35c: {  	v25 =	vsel vm1, $0x3F800000, v1;
	v19 =	vsel vm1, $0xFFFFFFFF, v4;
	v12 =	vsel vm0, $0xFFFFFFFF, v4;
	[tilespmem:s18+$0xFFFFFFB0] =	vst v24  }
0x35d: {  	v16 =	vadd.s32 v22, v13;
	v18 =	vmul.f32 v18, v30;
	v17 =	vsub.f32 $1.000000000e+00, v15;
	[tilespmem:s23+$0xFFFFFFB0] =	vst v11  }
0x35e: {  	s22 =	sadd.s32 $0x80, s22;
	s21 =	sadd.s32 $0x20, s21;
	v14 =	vadd.f32 v25, v14;
	v13 =	vadd.s32 v20, v12;
	v12 =	vadd.s32 v21, v19;
	[tilespmem:s18+$0xFFFFFFC0] =	vst v23;
	s18 =	smov.u32 s8  }
0x35f: {  	v11 =	vmov v10  }
.LBB2_21:
0x360: {  	v10 =	vadd.s32 $0x1, v13;
	v19 =	vshll.u32 v12, $0x6;
	v20 =	vshra.s32 v16, $0x1  }
0x361: {  	v17 =	vmul.f32 v18, v17;
	v15 =	vmul.f32 v18, v15;
	v54 =	vsub.f32 $1.000000000e+00, v14  }
0x362: {  	v55 =	vor.u32 v13, v16;
	v56 =	vadd.s32 $0x1, v12;
	v57 =	vshll.u32 v13, $0xD  }
0x363: {  	v19 =	vadd.s32 v19, v20;
	v10 =	vor.u32 v10, v16;
	v21 =	vor.u32 v12, v55  }
0x364: {  	[tilespmem:s23+$0xFFFFFFC0] =	vst @p1 v9;
	v9 =	vor.u32 v56, v55;
	v23 =	vadd.s32 v57, v19;
	vm0 =	vlt.u32 v21, $0x80  }
0x365: {  	v22 =	vadd.s32 $0x40, v19;
	v58 =	vmul.f32 v17, v54;
	v21 =	vsel vm0, v23, v11  }
0x366: {  	v59 =	vadd.s32 $0x2000, v57;
	vm13 =	vlt.u32 v9, $0x80;
	v13 =	vadd.s32 v57, v22;
	[tilespmem:s18+$0xFFFFFF90] =	vst v21  }
0x367: {  	v9 =	vor.u32 v12, v10;
	v60 =	vmul.f32 v17, v14;
	v13 =	vsel vm13, v13, v11;
	[tilespmem:s19+$0xFFFFFF90] =	vst v58  }
0x368: {  	v61 =	vadd.s32 v59, v19;
	vm14 =	vlt.u32 v9, $0x80;
	[tilespmem:s18+$0xFFFFFFA0] =	vst v13  }
0x369: {  	v9 =	vor.u32 v56, v10;
	v10 =	vmul.f32 v15, v54;
	v62 =	vsel vm14, v61, v11;
	[tilespmem:s19+$0xFFFFFFA0] =	vst v60  }
0x36a: {  	v63 =	vadd.s32 v59, v22;
	vm15 =	vlt.u32 v9, $0x80;
	[tilespmem:s18+$0xFFFFFFB0] =	vst v62  }
0x36b: {  	v9 =	vmul.f32 v15, v14;
	v11 =	vsel vm15, v63, v11;
	[tilespmem:s19+$0xFFFFFFB0] =	vst v10  }
0x36c: {  	[tilespmem:s18+$0xFFFFFFC0] =	vst v11  }
0x36d: {  	s4 =	simm.s32 @!p0 $0x2;
	[tilespmem:s19+$0xFFFFFFC0] =	vst v9  }
0x36e: {  	_ =	swait.ge @!p0 [sflag:s4], $0x80  }
0x36f: {  	[sflag:s4] =	ssyncset.done @!p0 $0x0  }
0x370: {  	[sflag:s4] =	ssyncadd.s32 @!p0 $0xFFFFFF80  }
0x371: {  	_ =	swait.ge @!p0 [sflag:s4], $0x80  }
0x372: {  	[sflag:s4] =	ssyncset.done @!p0 $0x0  }
0x373: {  	[sflag:s4] =	ssyncadd.s32 @!p0 $0xFFFFFF80  }
0x374: {  	_ =	swait.ge @!p0 [sflag:s4], $0x80  }
0x375: {  	[sflag:s4] =	ssyncset.done @!p0 $0x0  }
0x376: {  	[sflag:s4] =	ssyncadd.s32 @!p0 $0xFFFFFF80  }
0x377: {  	_ =	swait.ge @!p0 [sflag:s4], $0x80  }
0x378: {  	[sflag:s4] =	ssyncset.done @!p0 $0x0  }
0x379: {  	[sflag:s4] =	ssyncadd.s32 @!p0 $0xFFFFFF80  }
0x37a: {  	_ =	swait.ge @!p0 [sflag:s4], $0x80  }
0x37b: {  	[sflag:s4] =	ssyncset.done @!p0 $0x0  }
0x37c: {  	[sflag:s4] =	ssyncadd.s32 @!p0 $0xFFFFFF80  }
0x37d: {  	_ =	swait.ge @!p0 [sflag:s4], $0x80  }
0x37e: {  	[sflag:s4] =	ssyncset.done @!p0 $0x0  }
0x37f: {  	[sflag:s4] =	ssyncadd.s32 @!p0 $0xFFFFFF80  }
0x380: {  	_ =	swait.ge @!p0 [sflag:s4], $0x80  }
0x381: {  	[sflag:s4] =	ssyncset.done @!p0 $0x0  }
0x382: {  	[sflag:s4] =	ssyncadd.s32 @!p0 $0xFFFFFF80  }
0x383: {  	_ =	swait.ge @!p0 [sflag:s4], $0x80  }
0x384: {  	s9 =	sshll.u32 s5, $0xA;
	[sflag:s4] =	ssyncset.done @!p0 $0x0  }
0x385: {  	s7 =	sadd.s32 $0xA200, s9;
	s8 =	sadd.s32 $0x6200, s9;
	[sflag:s4] =	ssyncadd.s32 @!p0 $0xFFFFFF80  }
0x386: {  	[spmem:s2] =	stream.indirect.scatter.add.f32 [tilespmem:s7], [sflag:$0x2], $0x1, s8, s15, $0xb8;
	[tilespmem:$0x1E480] =	vst v63  }
0x387: {  	s10 =	sadd.s32 $0xA280, s9;
	s11 =	sadd.s32 $0x6280, s9  }
0x388: {  	[spmem:s2] =	stream.indirect.scatter.add.f32 [tilespmem:s10], [sflag:$0x2], $0x1, s11, s15, $0xb8;
	[tilespmem:$0x1E480] =	vst v63  }
0x389: {  	s12 =	sadd.s32 $0xA300, s9;
	s14 =	sadd.s32 $0x6300, s9  }
0x38a: {  	[spmem:s2] =	stream.indirect.scatter.add.f32 [tilespmem:s12], [sflag:$0x2], $0x1, s14, s15, $0xb8;
	[tilespmem:$0x1E480] =	vst v63  }
0x38b: {  	s5 =	sadd.s32 $0x1, s5;
	s17 =	sadd.s32 $0xA380, s9;
	s18 =	sadd.s32 $0x6380, s9  }
0x38c: {  	[spmem:s2] =	stream.indirect.scatter.add.f32 [tilespmem:s17], [sflag:$0x2], $0x1, s18, s15, $0xb8;
	[tilespmem:$0x1E480] =	vst v63  }
0x38d: {  	s1 =	sadd.s32 $0x100, s1;
	s20 =	sadd.s32 $0x6400, s9;
	s19 =	sadd.s32 $0xA400, s9  }
0x38e: {  	[spmem:s2] =	stream.indirect.scatter.add.f32 [tilespmem:s19], [sflag:$0x2], $0x1, s20, s15, $0xb8;
	[tilespmem:$0x1E480] =	vst v63  }
0x38f: {  	s21 =	sadd.s32 $0xA480, s9;
	s22 =	sadd.s32 $0x6480, s9;
	p1 =	sne.s32 s5, $0x8  }
0x390: {  	[spmem:s2] =	stream.indirect.scatter.add.f32 [tilespmem:s21], [sflag:$0x2], $0x1, s22, s15, $0xb8;
	[tilespmem:$0x1E480] =	vst v63  }
.Ltmp14:
0x391: {  	s30 =	sadd.s32 $0x400, s30;
	s31 =	sadd.s32 $0x400, s31;
	(pc) =	sbr.rel @p1 .LBB2_15-.Ltmp14, $4  }
.Ltmp15:
0x392: {  	s23 =	sadd.s32 $0xA500, s9;
	s24 =	sadd.s32 $0x6500, s9;
	(pc) =	sbr.rel @!p1 .LBB2_22-.Ltmp15, $4  }
0x393: {  	[spmem:s2] =	stream.indirect.scatter.add.f32 [tilespmem:s23], [sflag:$0x2], $0x1, s24, s15, $0xb8;
	[tilespmem:$0x1E480] =	vst v63  }
0x394: {  	s0 =	sadd.s32 $0x400, s0;
	s29 =	sadd.s32 $0xA580, s9;
	s4 =	sadd.s32 $0x6580, s9  }
0x395: {  	[spmem:s2] =	stream.indirect.scatter.add.f32 [tilespmem:s29], [sflag:$0x2], $0x1, s4, s15, $0xb8;
	[tilespmem:$0x1E480] =	vst v63  }
0x396: {  	_ = 	snop  }
.LBB2_16:
.Ltmp16:
0x397: {  	(pc) =	sbr.rel .LBB2_21-.Ltmp16, $2  }
0x398: {  	_ =	sdelay $0x2  }
0x399: {  	s19 =	smov.u32 s0;
	s18 =	smov.u32 s31  }
.LBB2_18:
.Ltmp17:
0x39a: {  	(pc) =	sbr.rel .LBB2_21-.Ltmp17, $2  }
0x39b: {  	_ =	sdelay $0x2  }
0x39c: {  	s23 =	smov.u32 s0;
	v11 =	vmov v10  }
.LBB2_23:
0x39d: {  	_ =	swait.ge [sflag:s16], $0x80  }
0x39e: {  	s0 =	simm.s32 $0x7F;
	[sflag:s16] =	ssyncset.done $0x0  }
.LBB2_24:
0x39f: {  	p0 =	sne.s32 s0, $0x1;
	s0 =	sadd.s32 $0xFFFFFFFF, s0;
	[sflag:s16] =	ssyncadd.s32 $0xFFFFFF80  }
.Ltmp18:
0x3a0: {  	(pc) =	sbr.rel @p0 .LBB2_24-.Ltmp18, $3  }
0x3a1: {  	_ =	sdelay $0x1  }
0x3a2: {  	_ =	swait.ge [sflag:s16], $0x80  }
0x3a3: {  	[sflag:s16] =	ssyncset.done $0x0  }
0x3a4: {  	[sflag:s16] =	ssyncadd.s32 $0xFFFFFF80  }
0x3a5: {  	s0 =	stileid.u32;
	[bflag:$0x0] =	sbarrier.arrive $0xFFFF  }
0x3a6: {  	s5 =	simm.s32 $0x20;
	s0 =	sshll.u32 s0, $0x6;
	s1 =	rddreg [dreg:$0x10]  }
0x3a7: {  	s6 =	simm.s32 $0x10;
	s0 =	sor.u32 $0x1C03, s0;
	s4 =	rddreg [dreg:$0x17]  }
0x3a8: {  	[hbm:s1@s5], [sflag:s0] =	dma.strided [spmem:s4@s6], $0x2000, s25, $0x10   }
0x3a9: {  	s4 =	simm.s32 $0x3  }
0x3aa: {  	_ =	swait.ge [sflag:s4], $0x2000  }
0x3ab: {  	s30 =	rddreg [dreg:$0x1a]  }
0x3ac: {  	s31 =	rddreg [dreg:$0x11];
	s1 =	sadd.s32 $0x1, s30  }
0x3ad: {  	p0 =	sne.s32 s1, s31  }
.Ltmp19:
0x3ae: {  	_ = 	snop;
	(pc) =	sbr.rel @p0 .LBB2_1-.Ltmp19, $3  }
0x3af: {  	_ =	sdelay $0x1  }
0x3b0: {  	[sflag:s4] =	ssyncset.done $0x0  }
0x3b1: {  	[sflag:s4] =	ssyncadd.s32 $0xFFFFE000  }
0x3b2: {  	_ =	sfence.sel $0x180000  }
0x3b3: {  	[bflag:$0x0] =	sbarrier.arrive $0xFFFF  }
0x3b4: {  	_ =	strace $0x90000047  }
0x3b5: {  	s0 =	stileid.u32;
	[bflag:$0x2] =	sbarrier.arrive $0xFFFF  }
0x3b6: {  	p0 =	sne.s32 s0, $0x0;
	s0 =	rddreg [dreg:$0x3]  }
0x3b7: {  	s0 =	sadd.s32 @!p0 $0x100000, s0  }
0x3b8: {  	[sflag:s0] =	ssyncadd.tile.s32 @!p0 $0x1;
	_ =	shalt  }
.Lfunc_end2:
_tile_overlayer_lowered:
.L_overlay_start_2:
0x3b9: {  	(tag) =	ssettag $0x2  }
0x3ba: {  	s0 =	rddreg [dreg:$0x0];
	s2 =	stileid.u32  }
0x3bb: {  	s1 =	rddreg [dreg:$0x1];
	p0 =	sne.s32 s2, $0x0  }
0x3bc: {  	s3 =	rddreg [dreg:$0x2];
	[bflag:$0x3] =	sbarrier.arrive $0xFFFF;
	s2 =	simm.s32 @!p0 $0x1C03  }
0x3bd: {  	[timem:s3], [sflag:s2] =	dma.local @!p0 [hbm:s0], s1  }
0x3be: {  	s0 =	simm.s32 @!p0 $0x3  }
0x3bf: {  	_ =	swait.ge @!p0 [sflag:s0], s1  }
0x3c0: {  	s1 =	ssub.s32 @!p0 $0x0, s1;
	[sflag:s0] =	ssyncset.done @!p0 $0x0  }
0x3c1: {  	[sflag:s0] =	ssyncadd.s32 @!p0 s1  }
0x3c2: {  	[bflag:$0x3] =	sbarrier.arrive $0xFFFF  }
0x3c3: {  	_ =	shalt  }

</sc_bundles>
